<compile_context>
chip_gen: v7x
topology: tpu7x:2x2x1
jax: 0.10.2.dev20260603
libtpu: 0.0.44.dev20260713+nightly
codegen_flags: <defaults>
</compile_context>

<pallas_src>
import functools

import jax
import jax.numpy as jnp
from jax import lax
from jax.experimental import pallas as pl
from jax.experimental.pallas import tpu as pltpu
from jax.experimental.pallas import tpu_sc as plsc

BATCH = 16384
SEQ = 500
KMER = 1024
L = 16
NC = 2
NS = 16
NW = NC * NS
CW = BATCH // NW
RBLK = 48
VPR = CW // L
NBLK = SEQ // RBLK
TAIL0 = NBLK * RBLK
TAILR = SEQ - TAIL0


@functools.partial(
    pl.kernel,
    out_type=jax.ShapeDtypeStruct((SEQ, BATCH), jnp.float32),
    mesh=plsc.VectorSubcoreMesh(core_axis_name="c", subcore_axis_name="s"),
    compiler_params=pltpu.CompilerParams(needs_layout_passes=False),
    scratch_types=[
        pltpu.VMEM((KMER,), jnp.float32),
        pltpu.VMEM((528,), jnp.float32),
        pltpu.VMEM((2, RBLK, CW), jnp.int32),
        pltpu.VMEM((2, RBLK, CW), jnp.float32),
        pltpu.VMEM((TAILR, CW), jnp.int32),
        pltpu.VMEM((TAILR, CW), jnp.float32),
        pltpu.SemaphoreType.DMA,
        pltpu.SemaphoreType.DMA,
        pltpu.SemaphoreType.DMA,
        pltpu.SemaphoreType.DMA,
        pltpu.SemaphoreType.DMA,
        pltpu.SemaphoreType.DMA,
    ],
)
def _sc_rates(parents_hbm, ktab_hbm, stab_hbm, out_hbm,
              ket_v, set_v, pin_v, pout_v, tin_v, tout_v,
              isem0, isem1, osem0, osem1, tisem, tosem):
    wid = lax.axis_index("s") * NC + lax.axis_index("c")
    col0 = wid * CW
    isems = (isem0, isem1)
    osems = (osem0, osem1)

    zeros = jnp.zeros((L,), jnp.float32)
    for j in range(SEQ // L * L, 528, L):
        set_v[pl.ds(j, L)] = zeros
    pltpu.sync_copy(ktab_hbm, ket_v)
    pltpu.sync_copy(stab_hbm, set_v.at[pl.ds(0, SEQ)])
    for j in range(KMER // L):
        ket_v[pl.ds(j * L, L)] = jnp.exp(ket_v[pl.ds(j * L, L)])
    for j in range(528 // L):
        set_v[pl.ds(j * L, L)] = jnp.exp(set_v[pl.ds(j * L, L)])

    def start_in(g):
        b = g % 2
        return pltpu.async_copy(
            parents_hbm.at[pl.ds(g * RBLK, RBLK), pl.ds(col0, CW)],
            pin_v.at[b], isems[b])

    def start_out(g):
        b = g % 2
        return pltpu.async_copy(
            pout_v.at[b],
            out_hbm.at[pl.ds(g * RBLK, RBLK), pl.ds(col0, CW)], osems[b])

    def compute_block(pin2, pout2, r0, rc):
        def row_body(row, carry):
            s = set_v[pl.ds(r0 + row, L)][0]

            @plsc.parallel_loop(0, VPR, unroll=8)
            def vec_body(j):
                off = j << 4
                idx = pin2[row, pl.ds(off, L)]
                pout2[row, pl.ds(off, L)] = plsc.load_gather(ket_v, [idx]) * s

            return carry

        lax.fori_loop(0, rc, row_body, 0)

    tail_in = pltpu.async_copy(
        parents_hbm.at[pl.ds(TAIL0, TAILR), pl.ds(col0, CW)], tin_v, tisem)
    in_d = {0: start_in(0)}
    out_d = {}
    for g in range(NBLK):
        if g + 1 < NBLK:
            in_d[g + 1] = start_in(g + 1)
        in_d[g].wait()
        if g >= 2:
            out_d[g - 2].wait()
        compute_block(pin_v.at[g % 2], pout_v.at[g % 2], g * RBLK, RBLK)
        out_d[g] = start_out(g)
    tail_in.wait()
    compute_block(tin_v, tout_v, TAIL0, TAILR)
    pltpu.async_copy(
        tout_v, out_hbm.at[pl.ds(TAIL0, TAILR), pl.ds(col0, CW)], tosem
    ).wait()
    out_d[NBLK - 2].wait()
    out_d[NBLK - 1].wait()


def kernel(encoded_parents, masks, kmer_emb, site_emb):
    del masks
    out_t = _sc_rates(encoded_parents.T, kmer_emb[:, 0], site_emb[:, 0])
    return out_t.T

# --- scband reference (transcript-rebuilt; emitter-appended) ---
"""Pipeline reference for scband-shmoof-model-22402549416720 (READ-ONLY COPY).

The authoritative reference and input builder live on the scoring server;
editing this copy changes nothing except your own understanding.
"""

import jax, jax.numpy as jnp
import numpy as np

BATCH = 16384
SEQ_LEN = 500
KMER_COUNT = 1024  # 4 ** kmer_length (kmer_length=5)
SITE_COUNT = 500

def setup_inputs(seed: int = 0) -> dict:
    key = jax.random.key(seed)
    k1, k2, k3 = jax.random.split(key, 3)
    encoded_parents = jax.random.randint(k1, (BATCH, SEQ_LEN), 0, KMER_COUNT)
    masks = jnp.ones((BATCH, SEQ_LEN), dtype=jnp.bool_)
    # learned parameters (nn.Embedding weights)
    kmer_emb = jax.random.normal(k2, (KMER_COUNT, 1), dtype=jnp.float32) * 0.02
    site_emb = jax.random.normal(k3, (SITE_COUNT, 1), dtype=jnp.float32) * 0.02
    return {"encoded_parents": encoded_parents, "masks": masks, "kmer_emb": kmer_emb, "site_emb": site_emb}

def reference(encoded_parents, masks, kmer_emb, site_emb):
    # log_kmer_rates = kmer_embedding(encoded_parents).squeeze() -> [B, L]
    log_kmer_rates = jnp.take(kmer_emb, encoded_parents, axis=0).squeeze(-1)
    seq_len = encoded_parents.shape[1]
    positions = jnp.arange(seq_len)
    # log_site_rates = site_embedding(positions).T -> [1, L]
    log_site_rates = jnp.take(site_emb, positions, axis=0).T
    rates = jnp.exp(log_kmer_rates + log_site_rates)
    return rates

if __name__ == "__main__":
    import jax
    _d = setup_inputs()
    print(jax.jit(kernel)(*tuple(_d.values())))

</pallas_src>

<mosaic_0001>
#map = affine_map<(d0, d1) -> (0, 0)>
#map1 = affine_map<(d0, d1) -> (0)>
module attributes {stable_mosaic.version = 14 : i64} {
  func.func @_sc_rates(%arg0: i32, %arg1: i32, %arg2: memref<500x16384xi32, #tpu.memory_space<hbm>>, %arg3: memref<1024xf32, #tpu.memory_space<hbm>>, %arg4: memref<500xf32, #tpu.memory_space<hbm>>, %arg5: memref<500x16384xf32, #tpu.memory_space<hbm>>, %arg6: memref<1024xf32, #tpu.memory_space<vmem>>, %arg7: memref<528xf32, #tpu.memory_space<vmem>>, %arg8: memref<2x48x512xi32, #tpu.memory_space<vmem>>, %arg9: memref<2x48x512xf32, #tpu.memory_space<vmem>>, %arg10: memref<20x512xi32, #tpu.memory_space<vmem>>, %arg11: memref<20x512xf32, #tpu.memory_space<vmem>>, %arg12: memref<!tpu.dma_semaphore, #tpu.memory_space<semaphore_mem>>, %arg13: memref<!tpu.dma_semaphore, #tpu.memory_space<semaphore_mem>>, %arg14: memref<!tpu.dma_semaphore, #tpu.memory_space<semaphore_mem>>, %arg15: memref<!tpu.dma_semaphore, #tpu.memory_space<semaphore_mem>>, %arg16: memref<!tpu.dma_semaphore, #tpu.memory_space<semaphore_mem>>, %arg17: memref<!tpu.dma_semaphore, #tpu.memory_space<semaphore_mem>>) attributes {dimension_semantics = [#tpu.dimension_semantics<core_parallel>, #tpu.dimension_semantics<subcore_parallel>], iteration_bounds = array<i64: 2, 16>, scalar_prefetch = 0 : i64, scratch_operands = 12 : i64, tpu.core_type = #tpu.core_type<sc_vector_subcore>, window_params = [{transform_indices = #map}, {transform_indices = #map1}, {transform_indices = #map1}, {transform_indices = #map}]} {
    %mul3A = arith.constant 2 : i32
    %mul3A_0 = arith.muli %arg1, %mul3A : i32
    %add3A = arith.addi %mul3A_0, %arg0 : i32
    %mul3A_1 = arith.constant 512 : i32
    %mul3A_2 = arith.muli %add3A, %mul3A_1 : i32
    %broadcast_in_dim3A = arith.constant 0.000000e+00 : f32
    %broadcast_in_dim3A_3 = vector.broadcast %broadcast_in_dim3A : f32 to vector<16xf32>
    %swap3A = arith.constant 496 : index
    %swap3A_4 = tpu.vector_load %arg7[%swap3A] {strides = array<i32>} : memref<528xf32, #tpu.memory_space<vmem>>, vector<16xf32>,
    tpu.vector_store %arg7[%swap3A], %broadcast_in_dim3A_3 {strides = array<i32>} : memref<528xf32, #tpu.memory_space<vmem>>, vector<16xf32>,
    %swap3A_5 = arith.constant 512 : index
    %swap3A_6 = tpu.vector_load %arg7[%swap3A_5] {strides = array<i32>} : memref<528xf32, #tpu.memory_space<vmem>>, vector<16xf32>,
    tpu.vector_store %arg7[%swap3A_5], %broadcast_in_dim3A_3 {strides = array<i32>} : memref<528xf32, #tpu.memory_space<vmem>>, vector<16xf32>,
    "tpu.region"() ({
      %run_scoped3A = tpu.sem_alloc : memref<!tpu.dma_semaphore, #tpu.memory_space<semaphore_mem>>
      tpu.enqueue_dma source(%arg3 : memref<1024xf32, #tpu.memory_space<hbm>>) target(%arg6 : memref<1024xf32, #tpu.memory_space<vmem>>) target_semaphore(%run_scoped3A : memref<!tpu.dma_semaphore, #tpu.memory_space<semaphore_mem>>)
      tpu.wait_dma2 semaphore(%run_scoped3A : memref<!tpu.dma_semaphore, #tpu.memory_space<semaphore_mem>>) src(%arg3 : memref<1024xf32, #tpu.memory_space<hbm>>) dst(%arg6 : memref<1024xf32, #tpu.memory_space<vmem>>)
      tpu.yield
    }) : () -> ()
    "tpu.region"() ({
      %run_scoped3A = tpu.sem_alloc : memref<!tpu.dma_semaphore, #tpu.memory_space<semaphore_mem>>
      %dma_start3A_1109 = arith.constant 0 : i32
      %dma_start3A_1110 = tpu.memref_slice %arg7[%dma_start3A_1109] : memref<528xf32, #tpu.memory_space<vmem>> -> memref<500xf32, #tpu.memory_space<vmem>>
      %dma_start3A_1111 = arith.constant 0 : i32
      %dma_start3A_1112 = tpu.memref_slice %arg7[%dma_start3A_1111] : memref<528xf32, #tpu.memory_space<vmem>> -> memref<500xf32, #tpu.memory_space<vmem>>
      tpu.enqueue_dma source(%arg4 : memref<500xf32, #tpu.memory_space<hbm>>) target(%dma_start3A_1112 : memref<500xf32, #tpu.memory_space<vmem>>) target_semaphore(%run_scoped3A : memref<!tpu.dma_semaphore, #tpu.memory_space<semaphore_mem>>)
      %dma_wait3A_1113 = arith.constant 0 : i32
      %dma_wait3A_1114 = tpu.memref_slice %arg7[%dma_wait3A_1113] : memref<528xf32, #tpu.memory_space<vmem>> -> memref<500xf32, #tpu.memory_space<vmem>>
      %dma_wait3A_1115 = arith.constant 0 : i32
      %dma_wait3A_1116 = tpu.memref_slice %arg7[%dma_wait3A_1115] : memref<528xf32, #tpu.memory_space<vmem>> -> memref<500xf32, #tpu.memory_space<vmem>>
      tpu.wait_dma2 semaphore(%run_scoped3A : memref<!tpu.dma_semaphore, #tpu.memory_space<semaphore_mem>>) src(%arg4 : memref<500xf32, #tpu.memory_space<hbm>>) dst(%dma_wait3A_1116 : memref<500xf32, #tpu.memory_space<vmem>>)
      tpu.yield
    }) : () -> ()
    %get3A = arith.constant 0 : index
    %get3A_7 = tpu.vector_load %arg6[%get3A] {strides = array<i32>} : memref<1024xf32, #tpu.memory_space<vmem>>, vector<16xf32>,
    %exp3A = math.exp %get3A_7 : vector<16xf32>
    %swap3A_8 = arith.constant 0 : index
    %swap3A_9 = tpu.vector_load %arg6[%swap3A_8] {strides = array<i32>} : memref<1024xf32, #tpu.memory_space<vmem>>, vector<16xf32>,
    tpu.vector_store %arg6[%swap3A_8], %exp3A {strides = array<i32>} : memref<1024xf32, #tpu.memory_space<vmem>>, vector<16xf32>,
    %get3A_10 = arith.constant 16 : index
    %get3A_11 = tpu.vector_load %arg6[%get3A_10] {strides = array<i32>} : memref<1024xf32, #tpu.memory_space<vmem>>, vector<16xf32>,
    %exp3A_12 = math.exp %get3A_11 : vector<16xf32>
    %swap3A_13 = arith.constant 16 : index
    %swap3A_14 = tpu.vector_load %arg6[%swap3A_13] {strides = array<i32>} : memref<1024xf32, #tpu.memory_space<vmem>>, vector<16xf32>,
    tpu.vector_store %arg6[%swap3A_13], %exp3A_12 {strides = array<i32>} : memref<1024xf32, #tpu.memory_space<vmem>>, vector<16xf32>,
    %get3A_15 = arith.constant 32 : index
    %get3A_16 = tpu.vector_load %arg6[%get3A_15] {strides = array<i32>} : memref<1024xf32, #tpu.memory_space<vmem>>, vector<16xf32>,
    %exp3A_17 = math.exp %get3A_16 : vector<16xf32>
    %swap3A_18 = arith.constant 32 : index
    %swap3A_19 = tpu.vector_load %arg6[%swap3A_18] {strides = array<i32>} : memref<1024xf32, #tpu.memory_space<vmem>>, vector<16xf32>,
    tpu.vector_store %arg6[%swap3A_18], %exp3A_17 {strides = array<i32>} : memref<1024xf32, #tpu.memory_space<vmem>>, vector<16xf32>,
    %get3A_20 = arith.constant 48 : index
    %get3A_21 = tpu.vector_load %arg6[%get3A_20] {strides = array<i32>} : memref<1024xf32, #tpu.memory_space<vmem>>, vector<16xf32>,
    %exp3A_22 = math.exp %get3A_21 : vector<16xf32>
    %swap3A_23 = arith.constant 48 : index
    %swap3A_24 = tpu.vector_load %arg6[%swap3A_23] {strides = array<i32>} : memref<1024xf32, #tpu.memory_space<vmem>>, vector<16xf32>,
    tpu.vector_store %arg6[%swap3A_23], %exp3A_22 {strides = array<i32>} : memref<1024xf32, #tpu.memory_space<vmem>>, vector<16xf32>,
    %get3A_25 = arith.constant 64 : index
    %get3A_26 = tpu.vector_load %arg6[%get3A_25] {strides = array<i32>} : memref<1024xf32, #tpu.memory_space<vmem>>, vector<16xf32>,
    %exp3A_27 = math.exp %get3A_26 : vector<16xf32>
    %swap3A_28 = arith.constant 64 : index
    %swap3A_29 = tpu.vector_load %arg6[%swap3A_28] {strides = array<i32>} : memref<1024xf32, #tpu.memory_space<vmem>>, vector<16xf32>,
    tpu.vector_store %arg6[%swap3A_28], %exp3A_27 {strides = array<i32>} : memref<1024xf32, #tpu.memory_space<vmem>>, vector<16xf32>,
    %get3A_30 = arith.constant 80 : index
    %get3A_31 = tpu.vector_load %arg6[%get3A_30] {strides = array<i32>} : memref<1024xf32, #tpu.memory_space<vmem>>, vector<16xf32>,
    %exp3A_32 = math.exp %get3A_31 : vector<16xf32>
    %swap3A_33 = arith.constant 80 : index
    %swap3A_34 = tpu.vector_load %arg6[%swap3A_33] {strides = array<i32>} : memref<1024xf32, #tpu.memory_space<vmem>>, vector<16xf32>,
    tpu.vector_store %arg6[%swap3A_33], %exp3A_32 {strides = array<i32>} : memref<1024xf32, #tpu.memory_space<vmem>>, vector<16xf32>,
    %get3A_35 = arith.constant 96 : index
    %get3A_36 = tpu.vector_load %arg6[%get3A_35] {strides = array<i32>} : memref<1024xf32, #tpu.memory_space<vmem>>, vector<16xf32>,
    %exp3A_37 = math.exp %get3A_36 : vector<16xf32>
    %swap3A_38 = arith.constant 96 : index
    %swap3A_39 = tpu.vector_load %arg6[%swap3A_38] {strides = array<i32>} : memref<1024xf32, #tpu.memory_space<vmem>>, vector<16xf32>,
    tpu.vector_store %arg6[%swap3A_38], %exp3A_37 {strides = array<i32>} : memref<1024xf32, #tpu.memory_space<vmem>>, vector<16xf32>,
    %get3A_40 = arith.constant 112 : index
    %get3A_41 = tpu.vector_load %arg6[%get3A_40] {strides = array<i32>} : memref<1024xf32, #tpu.memory_space<vmem>>, vector<16xf32>,
    %exp3A_42 = math.exp %get3A_41 : vector<16xf32>
    %swap3A_43 = arith.constant 112 : index
    %swap3A_44 = tpu.vector_load %arg6[%swap3A_43] {strides = array<i32>} : memref<1024xf32, #tpu.memory_space<vmem>>, vector<16xf32>,
    tpu.vector_store %arg6[%swap3A_43], %exp3A_42 {strides = array<i32>} : memref<1024xf32, #tpu.memory_space<vmem>>, vector<16xf32>,
    %get3A_45 = arith.constant 128 : index
    %get3A_46 = tpu.vector_load %arg6[%get3A_45] {strides = array<i32>} : memref<1024xf32, #tpu.memory_space<vmem>>, vector<16xf32>,
    %exp3A_47 = math.exp %get3A_46 : vector<16xf32>
    %swap3A_48 = arith.constant 128 : index
    %swap3A_49 = tpu.vector_load %arg6[%swap3A_48] {strides = array<i32>} : memref<1024xf32, #tpu.memory_space<vmem>>, vector<16xf32>,
    tpu.vector_store %arg6[%swap3A_48], %exp3A_47 {strides = array<i32>} : memref<1024xf32, #tpu.memory_space<vmem>>, vector<16xf32>,
    %get3A_50 = arith.constant 144 : index
    %get3A_51 = tpu.vector_load %arg6[%get3A_50] {strides = array<i32>} : memref<1024xf32, #tpu.memory_space<vmem>>, vector<16xf32>,
    %exp3A_52 = math.exp %get3A_51 : vector<16xf32>
    %swap3A_53 = arith.constant 144 : index
    %swap3A_54 = tpu.vector_load %arg6[%swap3A_53] {strides = array<i32>} : memref<1024xf32, #tpu.memory_space<vmem>>, vector<16xf32>,
    tpu.vector_store %arg6[%swap3A_53], %exp3A_52 {strides = array<i32>} : memref<1024xf32, #tpu.memory_space<vmem>>, vector<16xf32>,
    %get3A_55 = arith.constant 160 : index
    %get3A_56 = tpu.vector_load %arg6[%get3A_55] {strides = array<i32>} : memref<1024xf32, #tpu.memory_space<vmem>>, vector<16xf32>,
    %exp3A_57 = math.exp %get3A_56 : vector<16xf32>
    %swap3A_58 = arith.constant 160 : index
    %swap3A_59 = tpu.vector_load %arg6[%swap3A_58] {strides = array<i32>} : memref<1024xf32, #tpu.memory_space<vmem>>, vector<16xf32>,
    tpu.vector_store %arg6[%swap3A_58], %exp3A_57 {strides = array<i32>} : memref<1024xf32, #tpu.memory_space<vmem>>, vector<16xf32>,
    %get3A_60 = arith.constant 176 : index
    %get3A_61 = tpu.vector_load %arg6[%get3A_60] {strides = array<i32>} : memref<1024xf32, #tpu.memory_space<vmem>>, vector<16xf32>,
    %exp3A_62 = math.exp %get3A_61 : vector<16xf32>
    %swap3A_63 = arith.constant 176 : index
    %swap3A_64 = tpu.vector_load %arg6[%swap3A_63] {strides = array<i32>} : memref<1024xf32, #tpu.memory_space<vmem>>, vector<16xf32>,
    tpu.vector_store %arg6[%swap3A_63], %exp3A_62 {strides = array<i32>} : memref<1024xf32, #tpu.memory_space<vmem>>, vector<16xf32>,
    %get3A_65 = arith.constant 192 : index
    %get3A_66 = tpu.vector_load %arg6[%get3A_65] {strides = array<i32>} : memref<1024xf32, #tpu.memory_space<vmem>>, vector<16xf32>,
    %exp3A_67 = math.exp %get3A_66 : vector<16xf32>
    %swap3A_68 = arith.constant 192 : index
    %swap3A_69 = tpu.vector_load %arg6[%swap3A_68] {strides = array<i32>} : memref<1024xf32, #tpu.memory_space<vmem>>, vector<16xf32>,
    tpu.vector_store %arg6[%swap3A_68], %exp3A_67 {strides = array<i32>} : memref<1024xf32, #tpu.memory_space<vmem>>, vector<16xf32>,
    %get3A_70 = arith.constant 208 : index
    %get3A_71 = tpu.vector_load %arg6[%get3A_70] {strides = array<i32>} : memref<1024xf32, #tpu.memory_space<vmem>>, vector<16xf32>,
    %exp3A_72 = math.exp %get3A_71 : vector<16xf32>
    %swap3A_73 = arith.constant 208 : index
    %swap3A_74 = tpu.vector_load %arg6[%swap3A_73] {strides = array<i32>} : memref<1024xf32, #tpu.memory_space<vmem>>, vector<16xf32>,
    tpu.vector_store %arg6[%swap3A_73], %exp3A_72 {strides = array<i32>} : memref<1024xf32, #tpu.memory_space<vmem>>, vector<16xf32>,
    %get3A_75 = arith.constant 224 : index
    %get3A_76 = tpu.vector_load %arg6[%get3A_75] {strides = array<i32>} : memref<1024xf32, #tpu.memory_space<vmem>>, vector<16xf32>,
    %exp3A_77 = math.exp %get3A_76 : vector<16xf32>
    %swap3A_78 = arith.constant 224 : index
    %swap3A_79 = tpu.vector_load %arg6[%swap3A_78] {strides = array<i32>} : memref<1024xf32, #tpu.memory_space<vmem>>, vector<16xf32>,
    tpu.vector_store %arg6[%swap3A_78], %exp3A_77 {strides = array<i32>} : memref<1024xf32, #tpu.memory_space<vmem>>, vector<16xf32>,
    %get3A_80 = arith.constant 240 : index
    %get3A_81 = tpu.vector_load %arg6[%get3A_80] {strides = array<i32>} : memref<1024xf32, #tpu.memory_space<vmem>>, vector<16xf32>,
    %exp3A_82 = math.exp %get3A_81 : vector<16xf32>
    %swap3A_83 = arith.constant 240 : index
    %swap3A_84 = tpu.vector_load %arg6[%swap3A_83] {strides = array<i32>} : memref<1024xf32, #tpu.memory_space<vmem>>, vector<16xf32>,
    tpu.vector_store %arg6[%swap3A_83], %exp3A_82 {strides = array<i32>} : memref<1024xf32, #tpu.memory_space<vmem>>, vector<16xf32>,
    %get3A_85 = arith.constant 256 : index
    %get3A_86 = tpu.vector_load %arg6[%get3A_85] {strides = array<i32>} : memref<1024xf32, #tpu.memory_space<vmem>>, vector<16xf32>,
    %exp3A_87 = math.exp %get3A_86 : vector<16xf32>
    %swap3A_88 = arith.constant 256 : index
    %swap3A_89 = tpu.vector_load %arg6[%swap3A_88] {strides = array<i32>} : memref<1024xf32, #tpu.memory_space<vmem>>, vector<16xf32>,
    tpu.vector_store %arg6[%swap3A_88], %exp3A_87 {strides = array<i32>} : memref<1024xf32, #tpu.memory_space<vmem>>, vector<16xf32>,
    %get3A_90 = arith.constant 272 : index
    %get3A_91 = tpu.vector_load %arg6[%get3A_90] {strides = array<i32>} : memref<1024xf32, #tpu.memory_space<vmem>>, vector<16xf32>,
    %exp3A_92 = math.exp %get3A_91 : vector<16xf32>
    %swap3A_93 = arith.constant 272 : index
    %swap3A_94 = tpu.vector_load %arg6[%swap3A_93] {strides = array<i32>} : memref<1024xf32, #tpu.memory_space<vmem>>, vector<16xf32>,
    tpu.vector_store %arg6[%swap3A_93], %exp3A_92 {strides = array<i32>} : memref<1024xf32, #tpu.memory_space<vmem>>, vector<16xf32>,
    %get3A_95 = arith.constant 288 : index
    %get3A_96 = tpu.vector_load %arg6[%get3A_95] {strides = array<i32>} : memref<1024xf32, #tpu.memory_space<vmem>>, vector<16xf32>,
    %exp3A_97 = math.exp %get3A_96 : vector<16xf32>
    %swap3A_98 = arith.constant 288 : index
    %swap3A_99 = tpu.vector_load %arg6[%swap3A_98] {strides = array<i32>} : memref<1024xf32, #tpu.memory_space<vmem>>, vector<16xf32>,
    tpu.vector_store %arg6[%swap3A_98], %exp3A_97 {strides = array<i32>} : memref<1024xf32, #tpu.memory_space<vmem>>, vector<16xf32>,
    %get3A_100 = arith.constant 304 : index
    %get3A_101 = tpu.vector_load %arg6[%get3A_100] {strides = array<i32>} : memref<1024xf32, #tpu.memory_space<vmem>>, vector<16xf32>,
    %exp3A_102 = math.exp %get3A_101 : vector<16xf32>
    %swap3A_103 = arith.constant 304 : index
    %swap3A_104 = tpu.vector_load %arg6[%swap3A_103] {strides = array<i32>} : memref<1024xf32, #tpu.memory_space<vmem>>, vector<16xf32>,
    tpu.vector_store %arg6[%swap3A_103], %exp3A_102 {strides = array<i32>} : memref<1024xf32, #tpu.memory_space<vmem>>, vector<16xf32>,
    %get3A_105 = arith.constant 320 : index
    %get3A_106 = tpu.vector_load %arg6[%get3A_105] {strides = array<i32>} : memref<1024xf32, #tpu.memory_space<vmem>>, vector<16xf32>,
    %exp3A_107 = math.exp %get3A_106 : vector<16xf32>
    %swap3A_108 = arith.constant 320 : index
    %swap3A_109 = tpu.vector_load %arg6[%swap3A_108] {strides = array<i32>} : memref<1024xf32, #tpu.memory_space<vmem>>, vector<16xf32>,
    tpu.vector_store %arg6[%swap3A_108], %exp3A_107 {strides = array<i32>} : memref<1024xf32, #tpu.memory_space<vmem>>, vector<16xf32>,
    %get3A_110 = arith.constant 336 : index
    %get3A_111 = tpu.vector_load %arg6[%get3A_110] {strides = array<i32>} : memref<1024xf32, #tpu.memory_space<vmem>>, vector<16xf32>,
    %exp3A_112 = math.exp %get3A_111 : vector<16xf32>
    %swap3A_113 = arith.constant 336 : index
    %swap3A_114 = tpu.vector_load %arg6[%swap3A_113] {strides = array<i32>} : memref<1024xf32, #tpu.memory_space<vmem>>, vector<16xf32>,
    tpu.vector_store %arg6[%swap3A_113], %exp3A_112 {strides = array<i32>} : memref<1024xf32, #tpu.memory_space<vmem>>, vector<16xf32>,
    %get3A_115 = arith.constant 352 : index
    %get3A_116 = tpu.vector_load %arg6[%get3A_115] {strides = array<i32>} : memref<1024xf32, #tpu.memory_space<vmem>>, vector<16xf32>,
    %exp3A_117 = math.exp %get3A_116 : vector<16xf32>
    %swap3A_118 = arith.constant 352 : index
    %swap3A_119 = tpu.vector_load %arg6[%swap3A_118] {strides = array<i32>} : memref<1024xf32, #tpu.memory_space<vmem>>, vector<16xf32>,
    tpu.vector_store %arg6[%swap3A_118], %exp3A_117 {strides = array<i32>} : memref<1024xf32, #tpu.memory_space<vmem>>, vector<16xf32>,
    %get3A_120 = arith.constant 368 : index
    %get3A_121 = tpu.vector_load %arg6[%get3A_120] {strides = array<i32>} : memref<1024xf32, #tpu.memory_space<vmem>>, vector<16xf32>,
    %exp3A_122 = math.exp %get3A_121 : vector<16xf32>
    %swap3A_123 = arith.constant 368 : index
    %swap3A_124 = tpu.vector_load %arg6[%swap3A_123] {strides = array<i32>} : memref<1024xf32, #tpu.memory_space<vmem>>, vector<16xf32>,
    tpu.vector_store %arg6[%swap3A_123], %exp3A_122 {strides = array<i32>} : memref<1024xf32, #tpu.memory_space<vmem>>, vector<16xf32>,
    %get3A_125 = arith.constant 384 : index
    %get3A_126 = tpu.vector_load %arg6[%get3A_125] {strides = array<i32>} : memref<1024xf32, #tpu.memory_space<vmem>>, vector<16xf32>,
    %exp3A_127 = math.exp %get3A_126 : vector<16xf32>
    %swap3A_128 = arith.constant 384 : index
    %swap3A_129 = tpu.vector_load %arg6[%swap3A_128] {strides = array<i32>} : memref<1024xf32, #tpu.memory_space<vmem>>, vector<16xf32>,
    tpu.vector_store %arg6[%swap3A_128], %exp3A_127 {strides = array<i32>} : memref<1024xf32, #tpu.memory_space<vmem>>, vector<16xf32>,
    %get3A_130 = arith.constant 400 : index
    %get3A_131 = tpu.vector_load %arg6[%get3A_130] {strides = array<i32>} : memref<1024xf32, #tpu.memory_space<vmem>>, vector<16xf32>,
    %exp3A_132 = math.exp %get3A_131 : vector<16xf32>
    %swap3A_133 = arith.constant 400 : index
    %swap3A_134 = tpu.vector_load %arg6[%swap3A_133] {strides = array<i32>} : memref<1024xf32, #tpu.memory_space<vmem>>, vector<16xf32>,
    tpu.vector_store %arg6[%swap3A_133], %exp3A_132 {strides = array<i32>} : memref<1024xf32, #tpu.memory_space<vmem>>, vector<16xf32>,
    %get3A_135 = arith.constant 416 : index
    %get3A_136 = tpu.vector_load %arg6[%get3A_135] {strides = array<i32>} : memref<1024xf32, #tpu.memory_space<vmem>>, vector<16xf32>,
    %exp3A_137 = math.exp %get3A_136 : vector<16xf32>
    %swap3A_138 = arith.constant 416 : index
    %swap3A_139 = tpu.vector_load %arg6[%swap3A_138] {strides = array<i32>} : memref<1024xf32, #tpu.memory_space<vmem>>, vector<16xf32>,
    tpu.vector_store %arg6[%swap3A_138], %exp3A_137 {strides = array<i32>} : memref<1024xf32, #tpu.memory_space<vmem>>, vector<16xf32>,
    %get3A_140 = arith.constant 432 : index
    %get3A_141 = tpu.vector_load %arg6[%get3A_140] {strides = array<i32>} : memref<1024xf32, #tpu.memory_space<vmem>>, vector<16xf32>,
    %exp3A_142 = math.exp %get3A_141 : vector<16xf32>
    %swap3A_143 = arith.constant 432 : index
    %swap3A_144 = tpu.vector_load %arg6[%swap3A_143] {strides = array<i32>} : memref<1024xf32, #tpu.memory_space<vmem>>, vector<16xf32>,
    tpu.vector_store %arg6[%swap3A_143], %exp3A_142 {strides = array<i32>} : memref<1024xf32, #tpu.memory_space<vmem>>, vector<16xf32>,
    %get3A_145 = arith.constant 448 : index
    %get3A_146 = tpu.vector_load %arg6[%get3A_145] {strides = array<i32>} : memref<1024xf32, #tpu.memory_space<vmem>>, vector<16xf32>,
    %exp3A_147 = math.exp %get3A_146 : vector<16xf32>
    %swap3A_148 = arith.constant 448 : index
    %swap3A_149 = tpu.vector_load %arg6[%swap3A_148] {strides = array<i32>} : memref<1024xf32, #tpu.memory_space<vmem>>, vector<16xf32>,
    tpu.vector_store %arg6[%swap3A_148], %exp3A_147 {strides = array<i32>} : memref<1024xf32, #tpu.memory_space<vmem>>, vector<16xf32>,
    %get3A_150 = arith.constant 464 : index
    %get3A_151 = tpu.vector_load %arg6[%get3A_150] {strides = array<i32>} : memref<1024xf32, #tpu.memory_space<vmem>>, vector<16xf32>,
    %exp3A_152 = math.exp %get3A_151 : vector<16xf32>
    %swap3A_153 = arith.constant 464 : index
    %swap3A_154 = tpu.vector_load %arg6[%swap3A_153] {strides = array<i32>} : memref<1024xf32, #tpu.memory_space<vmem>>, vector<16xf32>,
    tpu.vector_store %arg6[%swap3A_153], %exp3A_152 {strides = array<i32>} : memref<1024xf32, #tpu.memory_space<vmem>>, vector<16xf32>,
    %get3A_155 = arith.constant 480 : index
    %get3A_156 = tpu.vector_load %arg6[%get3A_155] {strides = array<i32>} : memref<1024xf32, #tpu.memory_space<vmem>>, vector<16xf32>,
    %exp3A_157 = math.exp %get3A_156 : vector<16xf32>
    %swap3A_158 = arith.constant 480 : index
    %swap3A_159 = tpu.vector_load %arg6[%swap3A_158] {strides = array<i32>} : memref<1024xf32, #tpu.memory_space<vmem>>, vector<16xf32>,
    tpu.vector_store %arg6[%swap3A_158], %exp3A_157 {strides = array<i32>} : memref<1024xf32, #tpu.memory_space<vmem>>, vector<16xf32>,
    %get3A_160 = arith.constant 496 : index
    %get3A_161 = tpu.vector_load %arg6[%get3A_160] {strides = array<i32>} : memref<1024xf32, #tpu.memory_space<vmem>>, vector<16xf32>,
    %exp3A_162 = math.exp %get3A_161 : vector<16xf32>
    %swap3A_163 = arith.constant 496 : index
    %swap3A_164 = tpu.vector_load %arg6[%swap3A_163] {strides = array<i32>} : memref<1024xf32, #tpu.memory_space<vmem>>, vector<16xf32>,
    tpu.vector_store %arg6[%swap3A_163], %exp3A_162 {strides = array<i32>} : memref<1024xf32, #tpu.memory_space<vmem>>, vector<16xf32>,
    %get3A_165 = arith.constant 512 : index
    %get3A_166 = tpu.vector_load %arg6[%get3A_165] {strides = array<i32>} : memref<1024xf32, #tpu.memory_space<vmem>>, vector<16xf32>,
    %exp3A_167 = math.exp %get3A_166 : vector<16xf32>
    %swap3A_168 = arith.constant 512 : index
    %swap3A_169 = tpu.vector_load %arg6[%swap3A_168] {strides = array<i32>} : memref<1024xf32, #tpu.memory_space<vmem>>, vector<16xf32>,
    tpu.vector_store %arg6[%swap3A_168], %exp3A_167 {strides = array<i32>} : memref<1024xf32, #tpu.memory_space<vmem>>, vector<16xf32>,
    %get3A_170 = arith.constant 528 : index
    %get3A_171 = tpu.vector_load %arg6[%get3A_170] {strides = array<i32>} : memref<1024xf32, #tpu.memory_space<vmem>>, vector<16xf32>,
    %exp3A_172 = math.exp %get3A_171 : vector<16xf32>
    %swap3A_173 = arith.constant 528 : index
    %swap3A_174 = tpu.vector_load %arg6[%swap3A_173] {strides = array<i32>} : memref<1024xf32, #tpu.memory_space<vmem>>, vector<16xf32>,
    tpu.vector_store %arg6[%swap3A_173], %exp3A_172 {strides = array<i32>} : memref<1024xf32, #tpu.memory_space<vmem>>, vector<16xf32>,
    %get3A_175 = arith.constant 544 : index
    %get3A_176 = tpu.vector_load %arg6[%get3A_175] {strides = array<i32>} : memref<1024xf32, #tpu.memory_space<vmem>>, vector<16xf32>,
    %exp3A_177 = math.exp %get3A_176 : vector<16xf32>
    %swap3A_178 = arith.constant 544 : index
    %swap3A_179 = tpu.vector_load %arg6[%swap3A_178] {strides = array<i32>} : memref<1024xf32, #tpu.memory_space<vmem>>, vector<16xf32>,
    tpu.vector_store %arg6[%swap3A_178], %exp3A_177 {strides = array<i32>} : memref<1024xf32, #tpu.memory_space<vmem>>, vector<16xf32>,
    %get3A_180 = arith.constant 560 : index
    %get3A_181 = tpu.vector_load %arg6[%get3A_180] {strides = array<i32>} : memref<1024xf32, #tpu.memory_space<vmem>>, vector<16xf32>,
    %exp3A_182 = math.exp %get3A_181 : vector<16xf32>
    %swap3A_183 = arith.constant 560 : index
    %swap3A_184 = tpu.vector_load %arg6[%swap3A_183] {strides = array<i32>} : memref<1024xf32, #tpu.memory_space<vmem>>, vector<16xf32>,
    tpu.vector_store %arg6[%swap3A_183], %exp3A_182 {strides = array<i32>} : memref<1024xf32, #tpu.memory_space<vmem>>, vector<16xf32>,
    %get3A_185 = arith.constant 576 : index
    %get3A_186 = tpu.vector_load %arg6[%get3A_185] {strides = array<i32>} : memref<1024xf32, #tpu.memory_space<vmem>>, vector<16xf32>,
    %exp3A_187 = math.exp %get3A_186 : vector<16xf32>
    %swap3A_188 = arith.constant 576 : index
    %swap3A_189 = tpu.vector_load %arg6[%swap3A_188] {strides = array<i32>} : memref<1024xf32, #tpu.memory_space<vmem>>, vector<16xf32>,
    tpu.vector_store %arg6[%swap3A_188], %exp3A_187 {strides = array<i32>} : memref<1024xf32, #tpu.memory_space<vmem>>, vector<16xf32>,
    %get3A_190 = arith.constant 592 : index
    %get3A_191 = tpu.vector_load %arg6[%get3A_190] {strides = array<i32>} : memref<1024xf32, #tpu.memory_space<vmem>>, vector<16xf32>,
    %exp3A_192 = math.exp %get3A_191 : vector<16xf32>
    %swap3A_193 = arith.constant 592 : index
    %swap3A_194 = tpu.vector_load %arg6[%swap3A_193] {strides = array<i32>} : memref<1024xf32, #tpu.memory_space<vmem>>, vector<16xf32>,
    tpu.vector_store %arg6[%swap3A_193], %exp3A_192 {strides = array<i32>} : memref<1024xf32, #tpu.memory_space<vmem>>, vector<16xf32>,
    %get3A_195 = arith.constant 608 : index
    %get3A_196 = tpu.vector_load %arg6[%get3A_195] {strides = array<i32>} : memref<1024xf32, #tpu.memory_space<vmem>>, vector<16xf32>,
    %exp3A_197 = math.exp %get3A_196 : vector<16xf32>
    %swap3A_198 = arith.constant 608 : index
    %swap3A_199 = tpu.vector_load %arg6[%swap3A_198] {strides = array<i32>} : memref<1024xf32, #tpu.memory_space<vmem>>, vector<16xf32>,
    tpu.vector_store %arg6[%swap3A_198], %exp3A_197 {strides = array<i32>} : memref<1024xf32, #tpu.memory_space<vmem>>, vector<16xf32>,
    %get3A_200 = arith.constant 624 : index
    %get3A_201 = tpu.vector_load %arg6[%get3A_200] {strides = array<i32>} : memref<1024xf32, #tpu.memory_space<vmem>>, vector<16xf32>,
    %exp3A_202 = math.exp %get3A_201 : vector<16xf32>
    %swap3A_203 = arith.constant 624 : index
    %swap3A_204 = tpu.vector_load %arg6[%swap3A_203] {strides = array<i32>} : memref<1024xf32, #tpu.memory_space<vmem>>, vector<16xf32>,
    tpu.vector_store %arg6[%swap3A_203], %exp3A_202 {strides = array<i32>} : memref<1024xf32, #tpu.memory_space<vmem>>, vector<16xf32>,
    %get3A_205 = arith.constant 640 : index
    %get3A_206 = tpu.vector_load %arg6[%get3A_205] {strides = array<i32>} : memref<1024xf32, #tpu.memory_space<vmem>>, vector<16xf32>,
    %exp3A_207 = math.exp %get3A_206 : vector<16xf32>
    %swap3A_208 = arith.constant 640 : index
    %swap3A_209 = tpu.vector_load %arg6[%swap3A_208] {strides = array<i32>} : memref<1024xf32, #tpu.memory_space<vmem>>, vector<16xf32>,
    tpu.vector_store %arg6[%swap3A_208], %exp3A_207 {strides = array<i32>} : memref<1024xf32, #tpu.memory_space<vmem>>, vector<16xf32>,
    %get3A_210 = arith.constant 656 : index
    %get3A_211 = tpu.vector_load %arg6[%get3A_210] {strides = array<i32>} : memref<1024xf32, #tpu.memory_space<vmem>>, vector<16xf32>,
    %exp3A_212 = math.exp %get3A_211 : vector<16xf32>
    %swap3A_213 = arith.constant 656 : index
    %swap3A_214 = tpu.vector_load %arg6[%swap3A_213] {strides = array<i32>} : memref<1024xf32, #tpu.memory_space<vmem>>, vector<16xf32>,
    tpu.vector_store %arg6[%swap3A_213], %exp3A_212 {strides = array<i32>} : memref<1024xf32, #tpu.memory_space<vmem>>, vector<16xf32>,
    %get3A_215 = arith.constant 672 : index
    %get3A_216 = tpu.vector_load %arg6[%get3A_215] {strides = array<i32>} : memref<1024xf32, #tpu.memory_space<vmem>>, vector<16xf32>,
    %exp3A_217 = math.exp %get3A_216 : vector<16xf32>
    %swap3A_218 = arith.constant 672 : index
    %swap3A_219 = tpu.vector_load %arg6[%swap3A_218] {strides = array<i32>} : memref<1024xf32, #tpu.memory_space<vmem>>, vector<16xf32>,
    tpu.vector_store %arg6[%swap3A_218], %exp3A_217 {strides = array<i32>} : memref<1024xf32, #tpu.memory_space<vmem>>, vector<16xf32>,
    %get3A_220 = arith.constant 688 : index
    %get3A_221 = tpu.vector_load %arg6[%get3A_220] {strides = array<i32>} : memref<1024xf32, #tpu.memory_space<vmem>>, vector<16xf32>,
    %exp3A_222 = math.exp %get3A_221 : vector<16xf32>
    %swap3A_223 = arith.constant 688 : index
    %swap3A_224 = tpu.vector_load %arg6[%swap3A_223] {strides = array<i32>} : memref<1024xf32, #tpu.memory_space<vmem>>, vector<16xf32>,
    tpu.vector_store %arg6[%swap3A_223], %exp3A_222 {strides = array<i32>} : memref<1024xf32, #tpu.memory_space<vmem>>, vector<16xf32>,
    %get3A_225 = arith.constant 704 : index
    %get3A_226 = tpu.vector_load %arg6[%get3A_225] {strides = array<i32>} : memref<1024xf32, #tpu.memory_space<vmem>>, vector<16xf32>,
    %exp3A_227 = math.exp %get3A_226 : vector<16xf32>
    %swap3A_228 = arith.constant 704 : index
    %swap3A_229 = tpu.vector_load %arg6[%swap3A_228] {strides = array<i32>} : memref<1024xf32, #tpu.memory_space<vmem>>, vector<16xf32>,
    tpu.vector_store %arg6[%swap3A_228], %exp3A_227 {strides = array<i32>} : memref<1024xf32, #tpu.memory_space<vmem>>, vector<16xf32>,
    %get3A_230 = arith.constant 720 : index
    %get3A_231 = tpu.vector_load %arg6[%get3A_230] {strides = array<i32>} : memref<1024xf32, #tpu.memory_space<vmem>>, vector<16xf32>,
    %exp3A_232 = math.exp %get3A_231 : vector<16xf32>
    %swap3A_233 = arith.constant 720 : index
    %swap3A_234 = tpu.vector_load %arg6[%swap3A_233] {strides = array<i32>} : memref<1024xf32, #tpu.memory_space<vmem>>, vector<16xf32>,
    tpu.vector_store %arg6[%swap3A_233], %exp3A_232 {strides = array<i32>} : memref<1024xf32, #tpu.memory_space<vmem>>, vector<16xf32>,
    %get3A_235 = arith.constant 736 : index
    %get3A_236 = tpu.vector_load %arg6[%get3A_235] {strides = array<i32>} : memref<1024xf32, #tpu.memory_space<vmem>>, vector<16xf32>,
    %exp3A_237 = math.exp %get3A_236 : vector<16xf32>
    %swap3A_238 = arith.constant 736 : index
    %swap3A_239 = tpu.vector_load %arg6[%swap3A_238] {strides = array<i32>} : memref<1024xf32, #tpu.memory_space<vmem>>, vector<16xf32>,
    tpu.vector_store %arg6[%swap3A_238], %exp3A_237 {strides = array<i32>} : memref<1024xf32, #tpu.memory_space<vmem>>, vector<16xf32>,
    %get3A_240 = arith.constant 752 : index
    %get3A_241 = tpu.vector_load %arg6[%get3A_240] {strides = array<i32>} : memref<1024xf32, #tpu.memory_space<vmem>>, vector<16xf32>,
    %exp3A_242 = math.exp %get3A_241 : vector<16xf32>
    %swap3A_243 = arith.constant 752 : index
    %swap3A_244 = tpu.vector_load %arg6[%swap3A_243] {strides = array<i32>} : memref<1024xf32, #tpu.memory_space<vmem>>, vector<16xf32>,
    tpu.vector_store %arg6[%swap3A_243], %exp3A_242 {strides = array<i32>} : memref<1024xf32, #tpu.memory_space<vmem>>, vector<16xf32>,
    %get3A_245 = arith.constant 768 : index
    %get3A_246 = tpu.vector_load %arg6[%get3A_245] {strides = array<i32>} : memref<1024xf32, #tpu.memory_space<vmem>>, vector<16xf32>,
    %exp3A_247 = math.exp %get3A_246 : vector<16xf32>
    %swap3A_248 = arith.constant 768 : index
    %swap3A_249 = tpu.vector_load %arg6[%swap3A_248] {strides = array<i32>} : memref<1024xf32, #tpu.memory_space<vmem>>, vector<16xf32>,
    tpu.vector_store %arg6[%swap3A_248], %exp3A_247 {strides = array<i32>} : memref<1024xf32, #tpu.memory_space<vmem>>, vector<16xf32>,
    %get3A_250 = arith.constant 784 : index
    %get3A_251 = tpu.vector_load %arg6[%get3A_250] {strides = array<i32>} : memref<1024xf32, #tpu.memory_space<vmem>>, vector<16xf32>,
    %exp3A_252 = math.exp %get3A_251 : vector<16xf32>
    %swap3A_253 = arith.constant 784 : index
    %swap3A_254 = tpu.vector_load %arg6[%swap3A_253] {strides = array<i32>} : memref<1024xf32, #tpu.memory_space<vmem>>, vector<16xf32>,
    tpu.vector_store %arg6[%swap3A_253], %exp3A_252 {strides = array<i32>} : memref<1024xf32, #tpu.memory_space<vmem>>, vector<16xf32>,
    %get3A_255 = arith.constant 800 : index
    %get3A_256 = tpu.vector_load %arg6[%get3A_255] {strides = array<i32>} : memref<1024xf32, #tpu.memory_space<vmem>>, vector<16xf32>,
    %exp3A_257 = math.exp %get3A_256 : vector<16xf32>
    %swap3A_258 = arith.constant 800 : index
    %swap3A_259 = tpu.vector_load %arg6[%swap3A_258] {strides = array<i32>} : memref<1024xf32, #tpu.memory_space<vmem>>, vector<16xf32>,
    tpu.vector_store %arg6[%swap3A_258], %exp3A_257 {strides = array<i32>} : memref<1024xf32, #tpu.memory_space<vmem>>, vector<16xf32>,
    %get3A_260 = arith.constant 816 : index
    %get3A_261 = tpu.vector_load %arg6[%get3A_260] {strides = array<i32>} : memref<1024xf32, #tpu.memory_space<vmem>>, vector<16xf32>,
    %exp3A_262 = math.exp %get3A_261 : vector<16xf32>
    %swap3A_263 = arith.constant 816 : index
    %swap3A_264 = tpu.vector_load %arg6[%swap3A_263] {strides = array<i32>} : memref<1024xf32, #tpu.memory_space<vmem>>, vector<16xf32>,
    tpu.vector_store %arg6[%swap3A_263], %exp3A_262 {strides = array<i32>} : memref<1024xf32, #tpu.memory_space<vmem>>, vector<16xf32>,
    %get3A_265 = arith.constant 832 : index
    %get3A_266 = tpu.vector_load %arg6[%get3A_265] {strides = array<i32>} : memref<1024xf32, #tpu.memory_space<vmem>>, vector<16xf32>,
    %exp3A_267 = math.exp %get3A_266 : vector<16xf32>
    %swap3A_268 = arith.constant 832 : index
    %swap3A_269 = tpu.vector_load %arg6[%swap3A_268] {strides = array<i32>} : memref<1024xf32, #tpu.memory_space<vmem>>, vector<16xf32>,
    tpu.vector_store %arg6[%swap3A_268], %exp3A_267 {strides = array<i32>} : memref<1024xf32, #tpu.memory_space<vmem>>, vector<16xf32>,
    %get3A_270 = arith.constant 848 : index
    %get3A_271 = tpu.vector_load %arg6[%get3A_270] {strides = array<i32>} : memref<1024xf32, #tpu.memory_space<vmem>>, vector<16xf32>,
    %exp3A_272 = math.exp %get3A_271 : vector<16xf32>
    %swap3A_273 = arith.constant 848 : index
    %swap3A_274 = tpu.vector_load %arg6[%swap3A_273] {strides = array<i32>} : memref<1024xf32, #tpu.memory_space<vmem>>, vector<16xf32>,
    tpu.vector_store %arg6[%swap3A_273], %exp3A_272 {strides = array<i32>} : memref<1024xf32, #tpu.memory_space<vmem>>, vector<16xf32>,
    %get3A_275 = arith.constant 864 : index
    %get3A_276 = tpu.vector_load %arg6[%get3A_275] {strides = array<i32>} : memref<1024xf32, #tpu.memory_space<vmem>>, vector<16xf32>,
    %exp3A_277 = math.exp %get3A_276 : vector<16xf32>
    %swap3A_278 = arith.constant 864 : index
    %swap3A_279 = tpu.vector_load %arg6[%swap3A_278] {strides = array<i32>} : memref<1024xf32, #tpu.memory_space<vmem>>, vector<16xf32>,
    tpu.vector_store %arg6[%swap3A_278], %exp3A_277 {strides = array<i32>} : memref<1024xf32, #tpu.memory_space<vmem>>, vector<16xf32>,
    %get3A_280 = arith.constant 880 : index
    %get3A_281 = tpu.vector_load %arg6[%get3A_280] {strides = array<i32>} : memref<1024xf32, #tpu.memory_space<vmem>>, vector<16xf32>,
    %exp3A_282 = math.exp %get3A_281 : vector<16xf32>
    %swap3A_283 = arith.constant 880 : index
    %swap3A_284 = tpu.vector_load %arg6[%swap3A_283] {strides = array<i32>} : memref<1024xf32, #tpu.memory_space<vmem>>, vector<16xf32>,
    tpu.vector_store %arg6[%swap3A_283], %exp3A_282 {strides = array<i32>} : memref<1024xf32, #tpu.memory_space<vmem>>, vector<16xf32>,
    %get3A_285 = arith.constant 896 : index
    %get3A_286 = tpu.vector_load %arg6[%get3A_285] {strides = array<i32>} : memref<1024xf32, #tpu.memory_space<vmem>>, vector<16xf32>,
    %exp3A_287 = math.exp %get3A_286 : vector<16xf32>
    %swap3A_288 = arith.constant 896 : index
    %swap3A_289 = tpu.vector_load %arg6[%swap3A_288] {strides = array<i32>} : memref<1024xf32, #tpu.memory_space<vmem>>, vector<16xf32>,
    tpu.vector_store %arg6[%swap3A_288], %exp3A_287 {strides = array<i32>} : memref<1024xf32, #tpu.memory_space<vmem>>, vector<16xf32>,
    %get3A_290 = arith.constant 912 : index
    %get3A_291 = tpu.vector_load %arg6[%get3A_290] {strides = array<i32>} : memref<1024xf32, #tpu.memory_space<vmem>>, vector<16xf32>,
    %exp3A_292 = math.exp %get3A_291 : vector<16xf32>
    %swap3A_293 = arith.constant 912 : index
    %swap3A_294 = tpu.vector_load %arg6[%swap3A_293] {strides = array<i32>} : memref<1024xf32, #tpu.memory_space<vmem>>, vector<16xf32>,
    tpu.vector_store %arg6[%swap3A_293], %exp3A_292 {strides = array<i32>} : memref<1024xf32, #tpu.memory_space<vmem>>, vector<16xf32>,
    %get3A_295 = arith.constant 928 : index
    %get3A_296 = tpu.vector_load %arg6[%get3A_295] {strides = array<i32>} : memref<1024xf32, #tpu.memory_space<vmem>>, vector<16xf32>,
    %exp3A_297 = math.exp %get3A_296 : vector<16xf32>
    %swap3A_298 = arith.constant 928 : index
    %swap3A_299 = tpu.vector_load %arg6[%swap3A_298] {strides = array<i32>} : memref<1024xf32, #tpu.memory_space<vmem>>, vector<16xf32>,
    tpu.vector_store %arg6[%swap3A_298], %exp3A_297 {strides = array<i32>} : memref<1024xf32, #tpu.memory_space<vmem>>, vector<16xf32>,
    %get3A_300 = arith.constant 944 : index
    %get3A_301 = tpu.vector_load %arg6[%get3A_300] {strides = array<i32>} : memref<1024xf32, #tpu.memory_space<vmem>>, vector<16xf32>,
    %exp3A_302 = math.exp %get3A_301 : vector<16xf32>
    %swap3A_303 = arith.constant 944 : index
    %swap3A_304 = tpu.vector_load %arg6[%swap3A_303] {strides = array<i32>} : memref<1024xf32, #tpu.memory_space<vmem>>, vector<16xf32>,
    tpu.vector_store %arg6[%swap3A_303], %exp3A_302 {strides = array<i32>} : memref<1024xf32, #tpu.memory_space<vmem>>, vector<16xf32>,
    %get3A_305 = arith.constant 960 : index
    %get3A_306 = tpu.vector_load %arg6[%get3A_305] {strides = array<i32>} : memref<1024xf32, #tpu.memory_space<vmem>>, vector<16xf32>,
    %exp3A_307 = math.exp %get3A_306 : vector<16xf32>
    %swap3A_308 = arith.constant 960 : index
    %swap3A_309 = tpu.vector_load %arg6[%swap3A_308] {strides = array<i32>} : memref<1024xf32, #tpu.memory_space<vmem>>, vector<16xf32>,
    tpu.vector_store %arg6[%swap3A_308], %exp3A_307 {strides = array<i32>} : memref<1024xf32, #tpu.memory_space<vmem>>, vector<16xf32>,
    %get3A_310 = arith.constant 976 : index
    %get3A_311 = tpu.vector_load %arg6[%get3A_310] {strides = array<i32>} : memref<1024xf32, #tpu.memory_space<vmem>>, vector<16xf32>,
    %exp3A_312 = math.exp %get3A_311 : vector<16xf32>
    %swap3A_313 = arith.constant 976 : index
    %swap3A_314 = tpu.vector_load %arg6[%swap3A_313] {strides = array<i32>} : memref<1024xf32, #tpu.memory_space<vmem>>, vector<16xf32>,
    tpu.vector_store %arg6[%swap3A_313], %exp3A_312 {strides = array<i32>} : memref<1024xf32, #tpu.memory_space<vmem>>, vector<16xf32>,
    %get3A_315 = arith.constant 992 : index
    %get3A_316 = tpu.vector_load %arg6[%get3A_315] {strides = array<i32>} : memref<1024xf32, #tpu.memory_space<vmem>>, vector<16xf32>,
    %exp3A_317 = math.exp %get3A_316 : vector<16xf32>
    %swap3A_318 = arith.constant 992 : index
    %swap3A_319 = tpu.vector_load %arg6[%swap3A_318] {strides = array<i32>} : memref<1024xf32, #tpu.memory_space<vmem>>, vector<16xf32>,
    tpu.vector_store %arg6[%swap3A_318], %exp3A_317 {strides = array<i32>} : memref<1024xf32, #tpu.memory_space<vmem>>, vector<16xf32>,
    %get3A_320 = arith.constant 1008 : index
    %get3A_321 = tpu.vector_load %arg6[%get3A_320] {strides = array<i32>} : memref<1024xf32, #tpu.memory_space<vmem>>, vector<16xf32>,
    %exp3A_322 = math.exp %get3A_321 : vector<16xf32>
    %swap3A_323 = arith.constant 1008 : index
    %swap3A_324 = tpu.vector_load %arg6[%swap3A_323] {strides = array<i32>} : memref<1024xf32, #tpu.memory_space<vmem>>, vector<16xf32>,
    tpu.vector_store %arg6[%swap3A_323], %exp3A_322 {strides = array<i32>} : memref<1024xf32, #tpu.memory_space<vmem>>, vector<16xf32>,
    %get3A_325 = arith.constant 0 : index
    %get3A_326 = tpu.vector_load %arg7[%get3A_325] {strides = array<i32>} : memref<528xf32, #tpu.memory_space<vmem>>, vector<16xf32>,
    %exp3A_327 = math.exp %get3A_326 : vector<16xf32>
    %swap3A_328 = arith.constant 0 : index
    %swap3A_329 = tpu.vector_load %arg7[%swap3A_328] {strides = array<i32>} : memref<528xf32, #tpu.memory_space<vmem>>, vector<16xf32>,
    tpu.vector_store %arg7[%swap3A_328], %exp3A_327 {strides = array<i32>} : memref<528xf32, #tpu.memory_space<vmem>>, vector<16xf32>,
    %get3A_330 = arith.constant 16 : index
    %get3A_331 = tpu.vector_load %arg7[%get3A_330] {strides = array<i32>} : memref<528xf32, #tpu.memory_space<vmem>>, vector<16xf32>,
    %exp3A_332 = math.exp %get3A_331 : vector<16xf32>
    %swap3A_333 = arith.constant 16 : index
    %swap3A_334 = tpu.vector_load %arg7[%swap3A_333] {strides = array<i32>} : memref<528xf32, #tpu.memory_space<vmem>>, vector<16xf32>,
    tpu.vector_store %arg7[%swap3A_333], %exp3A_332 {strides = array<i32>} : memref<528xf32, #tpu.memory_space<vmem>>, vector<16xf32>,
    %get3A_335 = arith.constant 32 : index
    %get3A_336 = tpu.vector_load %arg7[%get3A_335] {strides = array<i32>} : memref<528xf32, #tpu.memory_space<vmem>>, vector<16xf32>,
    %exp3A_337 = math.exp %get3A_336 : vector<16xf32>
    %swap3A_338 = arith.constant 32 : index
    %swap3A_339 = tpu.vector_load %arg7[%swap3A_338] {strides = array<i32>} : memref<528xf32, #tpu.memory_space<vmem>>, vector<16xf32>,
    tpu.vector_store %arg7[%swap3A_338], %exp3A_337 {strides = array<i32>} : memref<528xf32, #tpu.memory_space<vmem>>, vector<16xf32>,
    %get3A_340 = arith.constant 48 : index
    %get3A_341 = tpu.vector_load %arg7[%get3A_340] {strides = array<i32>} : memref<528xf32, #tpu.memory_space<vmem>>, vector<16xf32>,
    %exp3A_342 = math.exp %get3A_341 : vector<16xf32>
    %swap3A_343 = arith.constant 48 : index
    %swap3A_344 = tpu.vector_load %arg7[%swap3A_343] {strides = array<i32>} : memref<528xf32, #tpu.memory_space<vmem>>, vector<16xf32>,
    tpu.vector_store %arg7[%swap3A_343], %exp3A_342 {strides = array<i32>} : memref<528xf32, #tpu.memory_space<vmem>>, vector<16xf32>,
    %get3A_345 = arith.constant 64 : index
    %get3A_346 = tpu.vector_load %arg7[%get3A_345] {strides = array<i32>} : memref<528xf32, #tpu.memory_space<vmem>>, vector<16xf32>,
    %exp3A_347 = math.exp %get3A_346 : vector<16xf32>
    %swap3A_348 = arith.constant 64 : index
    %swap3A_349 = tpu.vector_load %arg7[%swap3A_348] {strides = array<i32>} : memref<528xf32, #tpu.memory_space<vmem>>, vector<16xf32>,
    tpu.vector_store %arg7[%swap3A_348], %exp3A_347 {strides = array<i32>} : memref<528xf32, #tpu.memory_space<vmem>>, vector<16xf32>,
    %get3A_350 = arith.constant 80 : index
    %get3A_351 = tpu.vector_load %arg7[%get3A_350] {strides = array<i32>} : memref<528xf32, #tpu.memory_space<vmem>>, vector<16xf32>,
    %exp3A_352 = math.exp %get3A_351 : vector<16xf32>
    %swap3A_353 = arith.constant 80 : index
    %swap3A_354 = tpu.vector_load %arg7[%swap3A_353] {strides = array<i32>} : memref<528xf32, #tpu.memory_space<vmem>>, vector<16xf32>,
    tpu.vector_store %arg7[%swap3A_353], %exp3A_352 {strides = array<i32>} : memref<528xf32, #tpu.memory_space<vmem>>, vector<16xf32>,
    %get3A_355 = arith.constant 96 : index
    %get3A_356 = tpu.vector_load %arg7[%get3A_355] {strides = array<i32>} : memref<528xf32, #tpu.memory_space<vmem>>, vector<16xf32>,
    %exp3A_357 = math.exp %get3A_356 : vector<16xf32>
    %swap3A_358 = arith.constant 96 : index
    %swap3A_359 = tpu.vector_load %arg7[%swap3A_358] {strides = array<i32>} : memref<528xf32, #tpu.memory_space<vmem>>, vector<16xf32>,
    tpu.vector_store %arg7[%swap3A_358], %exp3A_357 {strides = array<i32>} : memref<528xf32, #tpu.memory_space<vmem>>, vector<16xf32>,
    %get3A_360 = arith.constant 112 : index
    %get3A_361 = tpu.vector_load %arg7[%get3A_360] {strides = array<i32>} : memref<528xf32, #tpu.memory_space<vmem>>, vector<16xf32>,
    %exp3A_362 = math.exp %get3A_361 : vector<16xf32>
    %swap3A_363 = arith.constant 112 : index
    %swap3A_364 = tpu.vector_load %arg7[%swap3A_363] {strides = array<i32>} : memref<528xf32, #tpu.memory_space<vmem>>, vector<16xf32>,
    tpu.vector_store %arg7[%swap3A_363], %exp3A_362 {strides = array<i32>} : memref<528xf32, #tpu.memory_space<vmem>>, vector<16xf32>,
    %get3A_365 = arith.constant 128 : index
    %get3A_366 = tpu.vector_load %arg7[%get3A_365] {strides = array<i32>} : memref<528xf32, #tpu.memory_space<vmem>>, vector<16xf32>,
    %exp3A_367 = math.exp %get3A_366 : vector<16xf32>
    %swap3A_368 = arith.constant 128 : index
    %swap3A_369 = tpu.vector_load %arg7[%swap3A_368] {strides = array<i32>} : memref<528xf32, #tpu.memory_space<vmem>>, vector<16xf32>,
    tpu.vector_store %arg7[%swap3A_368], %exp3A_367 {strides = array<i32>} : memref<528xf32, #tpu.memory_space<vmem>>, vector<16xf32>,
    %get3A_370 = arith.constant 144 : index
    %get3A_371 = tpu.vector_load %arg7[%get3A_370] {strides = array<i32>} : memref<528xf32, #tpu.memory_space<vmem>>, vector<16xf32>,
    %exp3A_372 = math.exp %get3A_371 : vector<16xf32>
    %swap3A_373 = arith.constant 144 : index
    %swap3A_374 = tpu.vector_load %arg7[%swap3A_373] {strides = array<i32>} : memref<528xf32, #tpu.memory_space<vmem>>, vector<16xf32>,
    tpu.vector_store %arg7[%swap3A_373], %exp3A_372 {strides = array<i32>} : memref<528xf32, #tpu.memory_space<vmem>>, vector<16xf32>,
    %get3A_375 = arith.constant 160 : index
    %get3A_376 = tpu.vector_load %arg7[%get3A_375] {strides = array<i32>} : memref<528xf32, #tpu.memory_space<vmem>>, vector<16xf32>,
    %exp3A_377 = math.exp %get3A_376 : vector<16xf32>
    %swap3A_378 = arith.constant 160 : index
    %swap3A_379 = tpu.vector_load %arg7[%swap3A_378] {strides = array<i32>} : memref<528xf32, #tpu.memory_space<vmem>>, vector<16xf32>,
    tpu.vector_store %arg7[%swap3A_378], %exp3A_377 {strides = array<i32>} : memref<528xf32, #tpu.memory_space<vmem>>, vector<16xf32>,
    %get3A_380 = arith.constant 176 : index
    %get3A_381 = tpu.vector_load %arg7[%get3A_380] {strides = array<i32>} : memref<528xf32, #tpu.memory_space<vmem>>, vector<16xf32>,
    %exp3A_382 = math.exp %get3A_381 : vector<16xf32>
    %swap3A_383 = arith.constant 176 : index
    %swap3A_384 = tpu.vector_load %arg7[%swap3A_383] {strides = array<i32>} : memref<528xf32, #tpu.memory_space<vmem>>, vector<16xf32>,
    tpu.vector_store %arg7[%swap3A_383], %exp3A_382 {strides = array<i32>} : memref<528xf32, #tpu.memory_space<vmem>>, vector<16xf32>,
    %get3A_385 = arith.constant 192 : index
    %get3A_386 = tpu.vector_load %arg7[%get3A_385] {strides = array<i32>} : memref<528xf32, #tpu.memory_space<vmem>>, vector<16xf32>,
    %exp3A_387 = math.exp %get3A_386 : vector<16xf32>
    %swap3A_388 = arith.constant 192 : index
    %swap3A_389 = tpu.vector_load %arg7[%swap3A_388] {strides = array<i32>} : memref<528xf32, #tpu.memory_space<vmem>>, vector<16xf32>,
    tpu.vector_store %arg7[%swap3A_388], %exp3A_387 {strides = array<i32>} : memref<528xf32, #tpu.memory_space<vmem>>, vector<16xf32>,
    %get3A_390 = arith.constant 208 : index
    %get3A_391 = tpu.vector_load %arg7[%get3A_390] {strides = array<i32>} : memref<528xf32, #tpu.memory_space<vmem>>, vector<16xf32>,
    %exp3A_392 = math.exp %get3A_391 : vector<16xf32>
    %swap3A_393 = arith.constant 208 : index
    %swap3A_394 = tpu.vector_load %arg7[%swap3A_393] {strides = array<i32>} : memref<528xf32, #tpu.memory_space<vmem>>, vector<16xf32>,
    tpu.vector_store %arg7[%swap3A_393], %exp3A_392 {strides = array<i32>} : memref<528xf32, #tpu.memory_space<vmem>>, vector<16xf32>,
    %get3A_395 = arith.constant 224 : index
    %get3A_396 = tpu.vector_load %arg7[%get3A_395] {strides = array<i32>} : memref<528xf32, #tpu.memory_space<vmem>>, vector<16xf32>,
    %exp3A_397 = math.exp %get3A_396 : vector<16xf32>
    %swap3A_398 = arith.constant 224 : index
    %swap3A_399 = tpu.vector_load %arg7[%swap3A_398] {strides = array<i32>} : memref<528xf32, #tpu.memory_space<vmem>>, vector<16xf32>,
    tpu.vector_store %arg7[%swap3A_398], %exp3A_397 {strides = array<i32>} : memref<528xf32, #tpu.memory_space<vmem>>, vector<16xf32>,
    %get3A_400 = arith.constant 240 : index
    %get3A_401 = tpu.vector_load %arg7[%get3A_400] {strides = array<i32>} : memref<528xf32, #tpu.memory_space<vmem>>, vector<16xf32>,
    %exp3A_402 = math.exp %get3A_401 : vector<16xf32>
    %swap3A_403 = arith.constant 240 : index
    %swap3A_404 = tpu.vector_load %arg7[%swap3A_403] {strides = array<i32>} : memref<528xf32, #tpu.memory_space<vmem>>, vector<16xf32>,
    tpu.vector_store %arg7[%swap3A_403], %exp3A_402 {strides = array<i32>} : memref<528xf32, #tpu.memory_space<vmem>>, vector<16xf32>,
    %get3A_405 = arith.constant 256 : index
    %get3A_406 = tpu.vector_load %arg7[%get3A_405] {strides = array<i32>} : memref<528xf32, #tpu.memory_space<vmem>>, vector<16xf32>,
    %exp3A_407 = math.exp %get3A_406 : vector<16xf32>
    %swap3A_408 = arith.constant 256 : index
    %swap3A_409 = tpu.vector_load %arg7[%swap3A_408] {strides = array<i32>} : memref<528xf32, #tpu.memory_space<vmem>>, vector<16xf32>,
    tpu.vector_store %arg7[%swap3A_408], %exp3A_407 {strides = array<i32>} : memref<528xf32, #tpu.memory_space<vmem>>, vector<16xf32>,
    %get3A_410 = arith.constant 272 : index
    %get3A_411 = tpu.vector_load %arg7[%get3A_410] {strides = array<i32>} : memref<528xf32, #tpu.memory_space<vmem>>, vector<16xf32>,
    %exp3A_412 = math.exp %get3A_411 : vector<16xf32>
    %swap3A_413 = arith.constant 272 : index
    %swap3A_414 = tpu.vector_load %arg7[%swap3A_413] {strides = array<i32>} : memref<528xf32, #tpu.memory_space<vmem>>, vector<16xf32>,
    tpu.vector_store %arg7[%swap3A_413], %exp3A_412 {strides = array<i32>} : memref<528xf32, #tpu.memory_space<vmem>>, vector<16xf32>,
    %get3A_415 = arith.constant 288 : index
    %get3A_416 = tpu.vector_load %arg7[%get3A_415] {strides = array<i32>} : memref<528xf32, #tpu.memory_space<vmem>>, vector<16xf32>,
    %exp3A_417 = math.exp %get3A_416 : vector<16xf32>
    %swap3A_418 = arith.constant 288 : index
    %swap3A_419 = tpu.vector_load %arg7[%swap3A_418] {strides = array<i32>} : memref<528xf32, #tpu.memory_space<vmem>>, vector<16xf32>,
    tpu.vector_store %arg7[%swap3A_418], %exp3A_417 {strides = array<i32>} : memref<528xf32, #tpu.memory_space<vmem>>, vector<16xf32>,
    %get3A_420 = arith.constant 304 : index
    %get3A_421 = tpu.vector_load %arg7[%get3A_420] {strides = array<i32>} : memref<528xf32, #tpu.memory_space<vmem>>, vector<16xf32>,
    %exp3A_422 = math.exp %get3A_421 : vector<16xf32>
    %swap3A_423 = arith.constant 304 : index
    %swap3A_424 = tpu.vector_load %arg7[%swap3A_423] {strides = array<i32>} : memref<528xf32, #tpu.memory_space<vmem>>, vector<16xf32>,
    tpu.vector_store %arg7[%swap3A_423], %exp3A_422 {strides = array<i32>} : memref<528xf32, #tpu.memory_space<vmem>>, vector<16xf32>,
    %get3A_425 = arith.constant 320 : index
    %get3A_426 = tpu.vector_load %arg7[%get3A_425] {strides = array<i32>} : memref<528xf32, #tpu.memory_space<vmem>>, vector<16xf32>,
    %exp3A_427 = math.exp %get3A_426 : vector<16xf32>
    %swap3A_428 = arith.constant 320 : index
    %swap3A_429 = tpu.vector_load %arg7[%swap3A_428] {strides = array<i32>} : memref<528xf32, #tpu.memory_space<vmem>>, vector<16xf32>,
    tpu.vector_store %arg7[%swap3A_428], %exp3A_427 {strides = array<i32>} : memref<528xf32, #tpu.memory_space<vmem>>, vector<16xf32>,
    %get3A_430 = arith.constant 336 : index
    %get3A_431 = tpu.vector_load %arg7[%get3A_430] {strides = array<i32>} : memref<528xf32, #tpu.memory_space<vmem>>, vector<16xf32>,
    %exp3A_432 = math.exp %get3A_431 : vector<16xf32>
    %swap3A_433 = arith.constant 336 : index
    %swap3A_434 = tpu.vector_load %arg7[%swap3A_433] {strides = array<i32>} : memref<528xf32, #tpu.memory_space<vmem>>, vector<16xf32>,
    tpu.vector_store %arg7[%swap3A_433], %exp3A_432 {strides = array<i32>} : memref<528xf32, #tpu.memory_space<vmem>>, vector<16xf32>,
    %get3A_435 = arith.constant 352 : index
    %get3A_436 = tpu.vector_load %arg7[%get3A_435] {strides = array<i32>} : memref<528xf32, #tpu.memory_space<vmem>>, vector<16xf32>,
    %exp3A_437 = math.exp %get3A_436 : vector<16xf32>
    %swap3A_438 = arith.constant 352 : index
    %swap3A_439 = tpu.vector_load %arg7[%swap3A_438] {strides = array<i32>} : memref<528xf32, #tpu.memory_space<vmem>>, vector<16xf32>,
    tpu.vector_store %arg7[%swap3A_438], %exp3A_437 {strides = array<i32>} : memref<528xf32, #tpu.memory_space<vmem>>, vector<16xf32>,
    %get3A_440 = arith.constant 368 : index
    %get3A_441 = tpu.vector_load %arg7[%get3A_440] {strides = array<i32>} : memref<528xf32, #tpu.memory_space<vmem>>, vector<16xf32>,
    %exp3A_442 = math.exp %get3A_441 : vector<16xf32>
    %swap3A_443 = arith.constant 368 : index
    %swap3A_444 = tpu.vector_load %arg7[%swap3A_443] {strides = array<i32>} : memref<528xf32, #tpu.memory_space<vmem>>, vector<16xf32>,
    tpu.vector_store %arg7[%swap3A_443], %exp3A_442 {strides = array<i32>} : memref<528xf32, #tpu.memory_space<vmem>>, vector<16xf32>,
    %get3A_445 = arith.constant 384 : index
    %get3A_446 = tpu.vector_load %arg7[%get3A_445] {strides = array<i32>} : memref<528xf32, #tpu.memory_space<vmem>>, vector<16xf32>,
    %exp3A_447 = math.exp %get3A_446 : vector<16xf32>
    %swap3A_448 = arith.constant 384 : index
    %swap3A_449 = tpu.vector_load %arg7[%swap3A_448] {strides = array<i32>} : memref<528xf32, #tpu.memory_space<vmem>>, vector<16xf32>,
    tpu.vector_store %arg7[%swap3A_448], %exp3A_447 {strides = array<i32>} : memref<528xf32, #tpu.memory_space<vmem>>, vector<16xf32>,
    %get3A_450 = arith.constant 400 : index
    %get3A_451 = tpu.vector_load %arg7[%get3A_450] {strides = array<i32>} : memref<528xf32, #tpu.memory_space<vmem>>, vector<16xf32>,
    %exp3A_452 = math.exp %get3A_451 : vector<16xf32>
    %swap3A_453 = arith.constant 400 : index
    %swap3A_454 = tpu.vector_load %arg7[%swap3A_453] {strides = array<i32>} : memref<528xf32, #tpu.memory_space<vmem>>, vector<16xf32>,
    tpu.vector_store %arg7[%swap3A_453], %exp3A_452 {strides = array<i32>} : memref<528xf32, #tpu.memory_space<vmem>>, vector<16xf32>,
    %get3A_455 = arith.constant 416 : index
    %get3A_456 = tpu.vector_load %arg7[%get3A_455] {strides = array<i32>} : memref<528xf32, #tpu.memory_space<vmem>>, vector<16xf32>,
    %exp3A_457 = math.exp %get3A_456 : vector<16xf32>
    %swap3A_458 = arith.constant 416 : index
    %swap3A_459 = tpu.vector_load %arg7[%swap3A_458] {strides = array<i32>} : memref<528xf32, #tpu.memory_space<vmem>>, vector<16xf32>,
    tpu.vector_store %arg7[%swap3A_458], %exp3A_457 {strides = array<i32>} : memref<528xf32, #tpu.memory_space<vmem>>, vector<16xf32>,
    %get3A_460 = arith.constant 432 : index
    %get3A_461 = tpu.vector_load %arg7[%get3A_460] {strides = array<i32>} : memref<528xf32, #tpu.memory_space<vmem>>, vector<16xf32>,
    %exp3A_462 = math.exp %get3A_461 : vector<16xf32>
    %swap3A_463 = arith.constant 432 : index
    %swap3A_464 = tpu.vector_load %arg7[%swap3A_463] {strides = array<i32>} : memref<528xf32, #tpu.memory_space<vmem>>, vector<16xf32>,
    tpu.vector_store %arg7[%swap3A_463], %exp3A_462 {strides = array<i32>} : memref<528xf32, #tpu.memory_space<vmem>>, vector<16xf32>,
    %get3A_465 = arith.constant 448 : index
    %get3A_466 = tpu.vector_load %arg7[%get3A_465] {strides = array<i32>} : memref<528xf32, #tpu.memory_space<vmem>>, vector<16xf32>,
    %exp3A_467 = math.exp %get3A_466 : vector<16xf32>
    %swap3A_468 = arith.constant 448 : index
    %swap3A_469 = tpu.vector_load %arg7[%swap3A_468] {strides = array<i32>} : memref<528xf32, #tpu.memory_space<vmem>>, vector<16xf32>,
    tpu.vector_store %arg7[%swap3A_468], %exp3A_467 {strides = array<i32>} : memref<528xf32, #tpu.memory_space<vmem>>, vector<16xf32>,
    %get3A_470 = arith.constant 464 : index
    %get3A_471 = tpu.vector_load %arg7[%get3A_470] {strides = array<i32>} : memref<528xf32, #tpu.memory_space<vmem>>, vector<16xf32>,
    %exp3A_472 = math.exp %get3A_471 : vector<16xf32>
    %swap3A_473 = arith.constant 464 : index
    %swap3A_474 = tpu.vector_load %arg7[%swap3A_473] {strides = array<i32>} : memref<528xf32, #tpu.memory_space<vmem>>, vector<16xf32>,
    tpu.vector_store %arg7[%swap3A_473], %exp3A_472 {strides = array<i32>} : memref<528xf32, #tpu.memory_space<vmem>>, vector<16xf32>,
    %get3A_475 = arith.constant 480 : index
    %get3A_476 = tpu.vector_load %arg7[%get3A_475] {strides = array<i32>} : memref<528xf32, #tpu.memory_space<vmem>>, vector<16xf32>,
    %exp3A_477 = math.exp %get3A_476 : vector<16xf32>
    %swap3A_478 = arith.constant 480 : index
    %swap3A_479 = tpu.vector_load %arg7[%swap3A_478] {strides = array<i32>} : memref<528xf32, #tpu.memory_space<vmem>>, vector<16xf32>,
    tpu.vector_store %arg7[%swap3A_478], %exp3A_477 {strides = array<i32>} : memref<528xf32, #tpu.memory_space<vmem>>, vector<16xf32>,
    %get3A_480 = arith.constant 496 : index
    %get3A_481 = tpu.vector_load %arg7[%get3A_480] {strides = array<i32>} : memref<528xf32, #tpu.memory_space<vmem>>, vector<16xf32>,
    %exp3A_482 = math.exp %get3A_481 : vector<16xf32>
    %swap3A_483 = arith.constant 496 : index
    %swap3A_484 = tpu.vector_load %arg7[%swap3A_483] {strides = array<i32>} : memref<528xf32, #tpu.memory_space<vmem>>, vector<16xf32>,
    tpu.vector_store %arg7[%swap3A_483], %exp3A_482 {strides = array<i32>} : memref<528xf32, #tpu.memory_space<vmem>>, vector<16xf32>,
    %get3A_485 = arith.constant 512 : index
    %get3A_486 = tpu.vector_load %arg7[%get3A_485] {strides = array<i32>} : memref<528xf32, #tpu.memory_space<vmem>>, vector<16xf32>,
    %exp3A_487 = math.exp %get3A_486 : vector<16xf32>
    %swap3A_488 = arith.constant 512 : index
    %swap3A_489 = tpu.vector_load %arg7[%swap3A_488] {strides = array<i32>} : memref<528xf32, #tpu.memory_space<vmem>>, vector<16xf32>,
    tpu.vector_store %arg7[%swap3A_488], %exp3A_487 {strides = array<i32>} : memref<528xf32, #tpu.memory_space<vmem>>, vector<16xf32>,
    %dma_start3A = arith.constant 480 : i32
    %dma_start3A_490 = tpu.memref_slice %arg2[%dma_start3A, %mul3A_2] : memref<500x16384xi32, #tpu.memory_space<hbm>> -> memref<20x512xi32, #tpu.memory_space<hbm>>
    %dma_start3A_491 = arith.constant 480 : i32
    %dma_start3A_492 = tpu.memref_slice %arg2[%dma_start3A_491, %mul3A_2] : memref<500x16384xi32, #tpu.memory_space<hbm>> -> memref<20x512xi32, #tpu.memory_space<hbm>>
    tpu.enqueue_dma source(%dma_start3A_492 : memref<20x512xi32, #tpu.memory_space<hbm>>) target(%arg10 : memref<20x512xi32, #tpu.memory_space<vmem>>) target_semaphore(%arg16 : memref<!tpu.dma_semaphore, #tpu.memory_space<semaphore_mem>>)
    %dma_start3A_493 = arith.constant 0 : i32
    %dma_start3A_494 = arith.constant 0 : i32
    %dma_start3A_495 = arith.constant 0 : i32
    %dma_start3A_496 = tpu.memref_slice %arg8[%dma_start3A_493, %dma_start3A_494, %dma_start3A_495] : memref<2x48x512xi32, #tpu.memory_space<vmem>> -> memref<1x48x512xi32, #tpu.memory_space<vmem>>
    %dma_start3A_497 = tpu.memref_squeeze %dma_start3A_496 : memref<1x48x512xi32, #tpu.memory_space<vmem>> -> memref<48x512xi32, #tpu.memory_space<vmem>>
    %dma_start3A_498 = arith.constant 0 : i32
    %dma_start3A_499 = tpu.memref_slice %arg2[%dma_start3A_498, %mul3A_2] : memref<500x16384xi32, #tpu.memory_space<hbm>> -> memref<48x512xi32, #tpu.memory_space<hbm>>
    %dma_start3A_500 = arith.constant 0 : i32
    %dma_start3A_501 = arith.constant 0 : i32
    %dma_start3A_502 = tpu.memref_slice %arg8[%dma_start3A_493, %dma_start3A_500, %dma_start3A_501] : memref<2x48x512xi32, #tpu.memory_space<vmem>> -> memref<1x48x512xi32, #tpu.memory_space<vmem>>
    %dma_start3A_503 = tpu.memref_squeeze %dma_start3A_502 : memref<1x48x512xi32, #tpu.memory_space<vmem>> -> memref<48x512xi32, #tpu.memory_space<vmem>>
    %dma_start3A_504 = arith.constant 0 : i32
    %dma_start3A_505 = tpu.memref_slice %arg2[%dma_start3A_504, %mul3A_2] : memref<500x16384xi32, #tpu.memory_space<hbm>> -> memref<48x512xi32, #tpu.memory_space<hbm>>
    tpu.enqueue_dma source(%dma_start3A_505 : memref<48x512xi32, #tpu.memory_space<hbm>>) target(%dma_start3A_503 : memref<48x512xi32, #tpu.memory_space<vmem>>) target_semaphore(%arg12 : memref<!tpu.dma_semaphore, #tpu.memory_space<semaphore_mem>>)
    %dma_start3A_506 = arith.constant 1 : i32
    %dma_start3A_507 = arith.constant 0 : i32
    %dma_start3A_508 = arith.constant 0 : i32
    %dma_start3A_509 = tpu.memref_slice %arg8[%dma_start3A_506, %dma_start3A_507, %dma_start3A_508] : memref<2x48x512xi32, #tpu.memory_space<vmem>> -> memref<1x48x512xi32, #tpu.memory_space<vmem>>
    %dma_start3A_510 = tpu.memref_squeeze %dma_start3A_509 : memref<1x48x512xi32, #tpu.memory_space<vmem>> -> memref<48x512xi32, #tpu.memory_space<vmem>>
    %dma_start3A_511 = arith.constant 48 : i32
    %dma_start3A_512 = tpu.memref_slice %arg2[%dma_start3A_511, %mul3A_2] : memref<500x16384xi32, #tpu.memory_space<hbm>> -> memref<48x512xi32, #tpu.memory_space<hbm>>
    %dma_start3A_513 = arith.constant 0 : i32
    %dma_start3A_514 = arith.constant 0 : i32
    %dma_start3A_515 = tpu.memref_slice %arg8[%dma_start3A_506, %dma_start3A_513, %dma_start3A_514] : memref<2x48x512xi32, #tpu.memory_space<vmem>> -> memref<1x48x512xi32, #tpu.memory_space<vmem>>
    %dma_start3A_516 = tpu.memref_squeeze %dma_start3A_515 : memref<1x48x512xi32, #tpu.memory_space<vmem>> -> memref<48x512xi32, #tpu.memory_space<vmem>>
    %dma_start3A_517 = arith.constant 48 : i32
    %dma_start3A_518 = tpu.memref_slice %arg2[%dma_start3A_517, %mul3A_2] : memref<500x16384xi32, #tpu.memory_space<hbm>> -> memref<48x512xi32, #tpu.memory_space<hbm>>
    tpu.enqueue_dma source(%dma_start3A_518 : memref<48x512xi32, #tpu.memory_space<hbm>>) target(%dma_start3A_516 : memref<48x512xi32, #tpu.memory_space<vmem>>) target_semaphore(%arg13 : memref<!tpu.dma_semaphore, #tpu.memory_space<semaphore_mem>>)
    %dma_wait3A = arith.constant 0 : i32
    %dma_wait3A_519 = arith.constant 0 : i32
    %dma_wait3A_520 = arith.constant 0 : i32
    %dma_wait3A_521 = tpu.memref_slice %arg8[%dma_wait3A, %dma_wait3A_519, %dma_wait3A_520] : memref<2x48x512xi32, #tpu.memory_space<vmem>> -> memref<1x48x512xi32, #tpu.memory_space<vmem>>
    %dma_wait3A_522 = tpu.memref_squeeze %dma_wait3A_521 : memref<1x48x512xi32, #tpu.memory_space<vmem>> -> memref<48x512xi32, #tpu.memory_space<vmem>>
    %dma_wait3A_523 = arith.constant 0 : i32
    %dma_wait3A_524 = tpu.memref_slice %arg2[%dma_wait3A_523, %mul3A_2] : memref<500x16384xi32, #tpu.memory_space<hbm>> -> memref<48x512xi32, #tpu.memory_space<hbm>>
    %dma_wait3A_525 = arith.constant 0 : i32
    %dma_wait3A_526 = arith.constant 0 : i32
    %dma_wait3A_527 = tpu.memref_slice %arg8[%dma_wait3A, %dma_wait3A_525, %dma_wait3A_526] : memref<2x48x512xi32, #tpu.memory_space<vmem>> -> memref<1x48x512xi32, #tpu.memory_space<vmem>>
    %dma_wait3A_528 = tpu.memref_squeeze %dma_wait3A_527 : memref<1x48x512xi32, #tpu.memory_space<vmem>> -> memref<48x512xi32, #tpu.memory_space<vmem>>
    %dma_wait3A_529 = arith.constant 0 : i32
    %dma_wait3A_530 = tpu.memref_slice %arg2[%dma_wait3A_529, %mul3A_2] : memref<500x16384xi32, #tpu.memory_space<hbm>> -> memref<48x512xi32, #tpu.memory_space<hbm>>
    tpu.wait_dma2 semaphore(%arg12 : memref<!tpu.dma_semaphore, #tpu.memory_space<semaphore_mem>>) src(%dma_wait3A_530 : memref<48x512xi32, #tpu.memory_space<hbm>>) dst(%dma_wait3A_528 : memref<48x512xi32, #tpu.memory_space<vmem>>)
    %scan3A = arith.constant 0 : i32
    %scan3A_531 = arith.constant 0 : i32
    %scan3A_532 = arith.constant 0 : i32
    %scan3A_533 = arith.constant 0 : i32
    %scan3A_534 = arith.constant 48 : i32
    %scan3A_535 = arith.addi %scan3A_533, %scan3A_534 : i32
    %scan3A_536 = arith.constant 1 : i32
    scf.for %scan3A_1109 = %scan3A_533 to %scan3A_535 step %scan3A_536  : i32 {
      %add3A_1110 = arith.constant 0 : i32
      %add3A_1111 = arith.addi %add3A_1110, %scan3A_1109 : i32
      %get3A_1112 = arith.index_cast %add3A_1111 : i32 to index
      %get3A_1113 = tpu.vector_load %arg7[%get3A_1112] {strides = array<i32>} : memref<528xf32, #tpu.memory_space<vmem>>, vector<16xf32>,
      %slice3A = vector.extract_strided_slice %get3A_1113 {offsets = [0], sizes = [1], strides = [1]} : vector<16xf32> to vector<1xf32>
      %squeeze3A = vector.extract %slice3A[0] : f32 from vector<1xf32>
      %parallel_loop3A = arith.constant 0 : i32
      %parallel_loop3A_1114 = arith.constant 32 : i32
      %parallel_loop3A_1115 = arith.constant 1 : i32
      scf.for %parallel_loop3A_1116 = %parallel_loop3A to %parallel_loop3A_1114 step %parallel_loop3A_1115  : i32 {
        %parallel_loop3A_1117 = arith.constant 4 : i32
        %parallel_loop3A_1118 = arith.shli %parallel_loop3A_1116, %parallel_loop3A_1117 : i32
        %parallel_loop3A_1119 = arith.constant 0 : i32
        %parallel_loop3A_1120 = arith.constant 0 : i32
        %parallel_loop3A_1121 = tpu.memref_slice %arg8[%scan3A_531, %parallel_loop3A_1119, %parallel_loop3A_1120] : memref<2x48x512xi32, #tpu.memory_space<vmem>> -> memref<1x48x512xi32, #tpu.memory_space<vmem>>
        %parallel_loop3A_1122 = tpu.memref_squeeze %parallel_loop3A_1121 : memref<1x48x512xi32, #tpu.memory_space<vmem>> -> memref<48x512xi32, #tpu.memory_space<vmem>>
        %parallel_loop3A_1123 = arith.index_cast %scan3A_1109 : i32 to index
        %parallel_loop3A_1124 = arith.index_cast %parallel_loop3A_1118 : i32 to index
        %parallel_loop3A_1125 = tpu.vector_load %parallel_loop3A_1122[%parallel_loop3A_1123, %parallel_loop3A_1124] {strides = array<i32>} : memref<48x512xi32, #tpu.memory_space<vmem>>, vector<16xi32>,
        %parallel_loop3A_1126 = tpu.vector_load_idx %arg6[%parallel_loop3A_1125] : memref<1024xf32, #tpu.memory_space<vmem>>[vector<16xi32>], vector<16xf32>,
        %parallel_loop3A_1127 = vector.broadcast %squeeze3A : f32 to vector<16xf32>
        %parallel_loop3A_1128 = arith.mulf %parallel_loop3A_1126, %parallel_loop3A_1127 : vector<16xf32>
        %parallel_loop3A_1129 = arith.constant 0 : i32
        %parallel_loop3A_1130 = arith.constant 0 : i32
        %parallel_loop3A_1131 = tpu.memref_slice %arg9[%scan3A_532, %parallel_loop3A_1129, %parallel_loop3A_1130] : memref<2x48x512xf32, #tpu.memory_space<vmem>> -> memref<1x48x512xf32, #tpu.memory_space<vmem>>
        %parallel_loop3A_1132 = tpu.memref_squeeze %parallel_loop3A_1131 : memref<1x48x512xf32, #tpu.memory_space<vmem>> -> memref<48x512xf32, #tpu.memory_space<vmem>>
        %parallel_loop3A_1133 = arith.index_cast %scan3A_1109 : i32 to index
        %parallel_loop3A_1134 = arith.index_cast %parallel_loop3A_1118 : i32 to index
        %parallel_loop3A_1135 = tpu.vector_load %parallel_loop3A_1132[%parallel_loop3A_1133, %parallel_loop3A_1134] {strides = array<i32>} : memref<48x512xf32, #tpu.memory_space<vmem>>, vector<16xf32>,
        tpu.vector_store %parallel_loop3A_1132[%parallel_loop3A_1133, %parallel_loop3A_1134], %parallel_loop3A_1128 {strides = array<i32>} : memref<48x512xf32, #tpu.memory_space<vmem>>, vector<16xf32>,
      } {sc.loop_unroll_factor = 8 : i64, sc.parallel_access}
    }
    %scan3A_537 = arith.constant 48 : i32
    %dma_start3A_538 = arith.constant 0 : i32
    %dma_start3A_539 = arith.constant 0 : i32
    %dma_start3A_540 = arith.constant 0 : i32
    %dma_start3A_541 = tpu.memref_slice %arg9[%dma_start3A_538, %dma_start3A_539, %dma_start3A_540] : memref<2x48x512xf32, #tpu.memory_space<vmem>> -> memref<1x48x512xf32, #tpu.memory_space<vmem>>
    %dma_start3A_542 = tpu.memref_squeeze %dma_start3A_541 : memref<1x48x512xf32, #tpu.memory_space<vmem>> -> memref<48x512xf32, #tpu.memory_space<vmem>>
    %dma_start3A_543 = arith.constant 0 : i32
    %dma_start3A_544 = tpu.memref_slice %arg5[%dma_start3A_543, %mul3A_2] : memref<500x16384xf32, #tpu.memory_space<hbm>> -> memref<48x512xf32, #tpu.memory_space<hbm>>
    %dma_start3A_545 = arith.constant 0 : i32
    %dma_start3A_546 = tpu.memref_slice %arg5[%dma_start3A_545, %mul3A_2] : memref<500x16384xf32, #tpu.memory_space<hbm>> -> memref<48x512xf32, #tpu.memory_space<hbm>>
    %dma_start3A_547 = arith.constant 0 : i32
    %dma_start3A_548 = arith.constant 0 : i32
    %dma_start3A_549 = tpu.memref_slice %arg9[%dma_start3A_538, %dma_start3A_547, %dma_start3A_548] : memref<2x48x512xf32, #tpu.memory_space<vmem>> -> memref<1x48x512xf32, #tpu.memory_space<vmem>>
    %dma_start3A_550 = tpu.memref_squeeze %dma_start3A_549 : memref<1x48x512xf32, #tpu.memory_space<vmem>> -> memref<48x512xf32, #tpu.memory_space<vmem>>
    tpu.enqueue_dma source(%dma_start3A_550 : memref<48x512xf32, #tpu.memory_space<vmem>>) target(%dma_start3A_546 : memref<48x512xf32, #tpu.memory_space<hbm>>) target_semaphore(%arg14 : memref<!tpu.dma_semaphore, #tpu.memory_space<semaphore_mem>>)
    %dma_start3A_551 = arith.constant 0 : i32
    %dma_start3A_552 = arith.constant 0 : i32
    %dma_start3A_553 = arith.constant 0 : i32
    %dma_start3A_554 = tpu.memref_slice %arg8[%dma_start3A_551, %dma_start3A_552, %dma_start3A_553] : memref<2x48x512xi32, #tpu.memory_space<vmem>> -> memref<1x48x512xi32, #tpu.memory_space<vmem>>
    %dma_start3A_555 = tpu.memref_squeeze %dma_start3A_554 : memref<1x48x512xi32, #tpu.memory_space<vmem>> -> memref<48x512xi32, #tpu.memory_space<vmem>>
    %dma_start3A_556 = arith.constant 96 : i32
    %dma_start3A_557 = tpu.memref_slice %arg2[%dma_start3A_556, %mul3A_2] : memref<500x16384xi32, #tpu.memory_space<hbm>> -> memref<48x512xi32, #tpu.memory_space<hbm>>
    %dma_start3A_558 = arith.constant 0 : i32
    %dma_start3A_559 = arith.constant 0 : i32
    %dma_start3A_560 = tpu.memref_slice %arg8[%dma_start3A_551, %dma_start3A_558, %dma_start3A_559] : memref<2x48x512xi32, #tpu.memory_space<vmem>> -> memref<1x48x512xi32, #tpu.memory_space<vmem>>
    %dma_start3A_561 = tpu.memref_squeeze %dma_start3A_560 : memref<1x48x512xi32, #tpu.memory_space<vmem>> -> memref<48x512xi32, #tpu.memory_space<vmem>>
    %dma_start3A_562 = arith.constant 96 : i32
    %dma_start3A_563 = tpu.memref_slice %arg2[%dma_start3A_562, %mul3A_2] : memref<500x16384xi32, #tpu.memory_space<hbm>> -> memref<48x512xi32, #tpu.memory_space<hbm>>
    tpu.enqueue_dma source(%dma_start3A_563 : memref<48x512xi32, #tpu.memory_space<hbm>>) target(%dma_start3A_561 : memref<48x512xi32, #tpu.memory_space<vmem>>) target_semaphore(%arg12 : memref<!tpu.dma_semaphore, #tpu.memory_space<semaphore_mem>>)
    %dma_wait3A_564 = arith.constant 1 : i32
    %dma_wait3A_565 = arith.constant 0 : i32
    %dma_wait3A_566 = arith.constant 0 : i32
    %dma_wait3A_567 = tpu.memref_slice %arg8[%dma_wait3A_564, %dma_wait3A_565, %dma_wait3A_566] : memref<2x48x512xi32, #tpu.memory_space<vmem>> -> memref<1x48x512xi32, #tpu.memory_space<vmem>>
    %dma_wait3A_568 = tpu.memref_squeeze %dma_wait3A_567 : memref<1x48x512xi32, #tpu.memory_space<vmem>> -> memref<48x512xi32, #tpu.memory_space<vmem>>
    %dma_wait3A_569 = arith.constant 48 : i32
    %dma_wait3A_570 = tpu.memref_slice %arg2[%dma_wait3A_569, %mul3A_2] : memref<500x16384xi32, #tpu.memory_space<hbm>> -> memref<48x512xi32, #tpu.memory_space<hbm>>
    %dma_wait3A_571 = arith.constant 0 : i32
    %dma_wait3A_572 = arith.constant 0 : i32
    %dma_wait3A_573 = tpu.memref_slice %arg8[%dma_wait3A_564, %dma_wait3A_571, %dma_wait3A_572] : memref<2x48x512xi32, #tpu.memory_space<vmem>> -> memref<1x48x512xi32, #tpu.memory_space<vmem>>
    %dma_wait3A_574 = tpu.memref_squeeze %dma_wait3A_573 : memref<1x48x512xi32, #tpu.memory_space<vmem>> -> memref<48x512xi32, #tpu.memory_space<vmem>>
    %dma_wait3A_575 = arith.constant 48 : i32
    %dma_wait3A_576 = tpu.memref_slice %arg2[%dma_wait3A_575, %mul3A_2] : memref<500x16384xi32, #tpu.memory_space<hbm>> -> memref<48x512xi32, #tpu.memory_space<hbm>>
    tpu.wait_dma2 semaphore(%arg13 : memref<!tpu.dma_semaphore, #tpu.memory_space<semaphore_mem>>) src(%dma_wait3A_576 : memref<48x512xi32, #tpu.memory_space<hbm>>) dst(%dma_wait3A_574 : memref<48x512xi32, #tpu.memory_space<vmem>>)
    %scan3A_577 = arith.constant 0 : i32
    %scan3A_578 = arith.constant 1 : i32
    %scan3A_579 = arith.constant 1 : i32
    %scan3A_580 = arith.constant 0 : i32
    %scan3A_581 = arith.constant 48 : i32
    %scan3A_582 = arith.addi %scan3A_580, %scan3A_581 : i32
    %scan3A_583 = arith.constant 1 : i32
    scf.for %scan3A_1109 = %scan3A_580 to %scan3A_582 step %scan3A_583  : i32 {
      %add3A_1110 = arith.constant 48 : i32
      %add3A_1111 = arith.addi %add3A_1110, %scan3A_1109 : i32
      %get3A_1112 = arith.index_cast %add3A_1111 : i32 to index
      %get3A_1113 = tpu.vector_load %arg7[%get3A_1112] {strides = array<i32>} : memref<528xf32, #tpu.memory_space<vmem>>, vector<16xf32>,
      %slice3A = vector.extract_strided_slice %get3A_1113 {offsets = [0], sizes = [1], strides = [1]} : vector<16xf32> to vector<1xf32>
      %squeeze3A = vector.extract %slice3A[0] : f32 from vector<1xf32>
      %parallel_loop3A = arith.constant 0 : i32
      %parallel_loop3A_1114 = arith.constant 32 : i32
      %parallel_loop3A_1115 = arith.constant 1 : i32
      scf.for %parallel_loop3A_1116 = %parallel_loop3A to %parallel_loop3A_1114 step %parallel_loop3A_1115  : i32 {
        %parallel_loop3A_1117 = arith.constant 4 : i32
        %parallel_loop3A_1118 = arith.shli %parallel_loop3A_1116, %parallel_loop3A_1117 : i32
        %parallel_loop3A_1119 = arith.constant 0 : i32
        %parallel_loop3A_1120 = arith.constant 0 : i32
        %parallel_loop3A_1121 = tpu.memref_slice %arg8[%scan3A_578, %parallel_loop3A_1119, %parallel_loop3A_1120] : memref<2x48x512xi32, #tpu.memory_space<vmem>> -> memref<1x48x512xi32, #tpu.memory_space<vmem>>
        %parallel_loop3A_1122 = tpu.memref_squeeze %parallel_loop3A_1121 : memref<1x48x512xi32, #tpu.memory_space<vmem>> -> memref<48x512xi32, #tpu.memory_space<vmem>>
        %parallel_loop3A_1123 = arith.index_cast %scan3A_1109 : i32 to index
        %parallel_loop3A_1124 = arith.index_cast %parallel_loop3A_1118 : i32 to index
        %parallel_loop3A_1125 = tpu.vector_load %parallel_loop3A_1122[%parallel_loop3A_1123, %parallel_loop3A_1124] {strides = array<i32>} : memref<48x512xi32, #tpu.memory_space<vmem>>, vector<16xi32>,
        %parallel_loop3A_1126 = tpu.vector_load_idx %arg6[%parallel_loop3A_1125] : memref<1024xf32, #tpu.memory_space<vmem>>[vector<16xi32>], vector<16xf32>,
        %parallel_loop3A_1127 = vector.broadcast %squeeze3A : f32 to vector<16xf32>
        %parallel_loop3A_1128 = arith.mulf %parallel_loop3A_1126, %parallel_loop3A_1127 : vector<16xf32>
        %parallel_loop3A_1129 = arith.constant 0 : i32
        %parallel_loop3A_1130 = arith.constant 0 : i32
        %parallel_loop3A_1131 = tpu.memref_slice %arg9[%scan3A_579, %parallel_loop3A_1129, %parallel_loop3A_1130] : memref<2x48x512xf32, #tpu.memory_space<vmem>> -> memref<1x48x512xf32, #tpu.memory_space<vmem>>
        %parallel_loop3A_1132 = tpu.memref_squeeze %parallel_loop3A_1131 : memref<1x48x512xf32, #tpu.memory_space<vmem>> -> memref<48x512xf32, #tpu.memory_space<vmem>>
        %parallel_loop3A_1133 = arith.index_cast %scan3A_1109 : i32 to index
        %parallel_loop3A_1134 = arith.index_cast %parallel_loop3A_1118 : i32 to index
        %parallel_loop3A_1135 = tpu.vector_load %parallel_loop3A_1132[%parallel_loop3A_1133, %parallel_loop3A_1134] {strides = array<i32>} : memref<48x512xf32, #tpu.memory_space<vmem>>, vector<16xf32>,
        tpu.vector_store %parallel_loop3A_1132[%parallel_loop3A_1133, %parallel_loop3A_1134], %parallel_loop3A_1128 {strides = array<i32>} : memref<48x512xf32, #tpu.memory_space<vmem>>, vector<16xf32>,
      } {sc.loop_unroll_factor = 8 : i64, sc.parallel_access}
    }
    %scan3A_584 = arith.constant 48 : i32
    %dma_start3A_585 = arith.constant 1 : i32
    %dma_start3A_586 = arith.constant 0 : i32
    %dma_start3A_587 = arith.constant 0 : i32
    %dma_start3A_588 = tpu.memref_slice %arg9[%dma_start3A_585, %dma_start3A_586, %dma_start3A_587] : memref<2x48x512xf32, #tpu.memory_space<vmem>> -> memref<1x48x512xf32, #tpu.memory_space<vmem>>
    %dma_start3A_589 = tpu.memref_squeeze %dma_start3A_588 : memref<1x48x512xf32, #tpu.memory_space<vmem>> -> memref<48x512xf32, #tpu.memory_space<vmem>>
    %dma_start3A_590 = arith.constant 48 : i32
    %dma_start3A_591 = tpu.memref_slice %arg5[%dma_start3A_590, %mul3A_2] : memref<500x16384xf32, #tpu.memory_space<hbm>> -> memref<48x512xf32, #tpu.memory_space<hbm>>
    %dma_start3A_592 = arith.constant 48 : i32
    %dma_start3A_593 = tpu.memref_slice %arg5[%dma_start3A_592, %mul3A_2] : memref<500x16384xf32, #tpu.memory_space<hbm>> -> memref<48x512xf32, #tpu.memory_space<hbm>>
    %dma_start3A_594 = arith.constant 0 : i32
    %dma_start3A_595 = arith.constant 0 : i32
    %dma_start3A_596 = tpu.memref_slice %arg9[%dma_start3A_585, %dma_start3A_594, %dma_start3A_595] : memref<2x48x512xf32, #tpu.memory_space<vmem>> -> memref<1x48x512xf32, #tpu.memory_space<vmem>>
    %dma_start3A_597 = tpu.memref_squeeze %dma_start3A_596 : memref<1x48x512xf32, #tpu.memory_space<vmem>> -> memref<48x512xf32, #tpu.memory_space<vmem>>
    tpu.enqueue_dma source(%dma_start3A_597 : memref<48x512xf32, #tpu.memory_space<vmem>>) target(%dma_start3A_593 : memref<48x512xf32, #tpu.memory_space<hbm>>) target_semaphore(%arg15 : memref<!tpu.dma_semaphore, #tpu.memory_space<semaphore_mem>>)
    %dma_start3A_598 = arith.constant 1 : i32
    %dma_start3A_599 = arith.constant 0 : i32
    %dma_start3A_600 = arith.constant 0 : i32
    %dma_start3A_601 = tpu.memref_slice %arg8[%dma_start3A_598, %dma_start3A_599, %dma_start3A_600] : memref<2x48x512xi32, #tpu.memory_space<vmem>> -> memref<1x48x512xi32, #tpu.memory_space<vmem>>
    %dma_start3A_602 = tpu.memref_squeeze %dma_start3A_601 : memref<1x48x512xi32, #tpu.memory_space<vmem>> -> memref<48x512xi32, #tpu.memory_space<vmem>>
    %dma_start3A_603 = arith.constant 144 : i32
    %dma_start3A_604 = tpu.memref_slice %arg2[%dma_start3A_603, %mul3A_2] : memref<500x16384xi32, #tpu.memory_space<hbm>> -> memref<48x512xi32, #tpu.memory_space<hbm>>
    %dma_start3A_605 = arith.constant 0 : i32
    %dma_start3A_606 = arith.constant 0 : i32
    %dma_start3A_607 = tpu.memref_slice %arg8[%dma_start3A_598, %dma_start3A_605, %dma_start3A_606] : memref<2x48x512xi32, #tpu.memory_space<vmem>> -> memref<1x48x512xi32, #tpu.memory_space<vmem>>
    %dma_start3A_608 = tpu.memref_squeeze %dma_start3A_607 : memref<1x48x512xi32, #tpu.memory_space<vmem>> -> memref<48x512xi32, #tpu.memory_space<vmem>>
    %dma_start3A_609 = arith.constant 144 : i32
    %dma_start3A_610 = tpu.memref_slice %arg2[%dma_start3A_609, %mul3A_2] : memref<500x16384xi32, #tpu.memory_space<hbm>> -> memref<48x512xi32, #tpu.memory_space<hbm>>
    tpu.enqueue_dma source(%dma_start3A_610 : memref<48x512xi32, #tpu.memory_space<hbm>>) target(%dma_start3A_608 : memref<48x512xi32, #tpu.memory_space<vmem>>) target_semaphore(%arg13 : memref<!tpu.dma_semaphore, #tpu.memory_space<semaphore_mem>>)
    %dma_wait3A_611 = arith.constant 0 : i32
    %dma_wait3A_612 = arith.constant 0 : i32
    %dma_wait3A_613 = arith.constant 0 : i32
    %dma_wait3A_614 = tpu.memref_slice %arg8[%dma_wait3A_611, %dma_wait3A_612, %dma_wait3A_613] : memref<2x48x512xi32, #tpu.memory_space<vmem>> -> memref<1x48x512xi32, #tpu.memory_space<vmem>>
    %dma_wait3A_615 = tpu.memref_squeeze %dma_wait3A_614 : memref<1x48x512xi32, #tpu.memory_space<vmem>> -> memref<48x512xi32, #tpu.memory_space<vmem>>
    %dma_wait3A_616 = arith.constant 96 : i32
    %dma_wait3A_617 = tpu.memref_slice %arg2[%dma_wait3A_616, %mul3A_2] : memref<500x16384xi32, #tpu.memory_space<hbm>> -> memref<48x512xi32, #tpu.memory_space<hbm>>
    %dma_wait3A_618 = arith.constant 0 : i32
    %dma_wait3A_619 = arith.constant 0 : i32
    %dma_wait3A_620 = tpu.memref_slice %arg8[%dma_wait3A_611, %dma_wait3A_618, %dma_wait3A_619] : memref<2x48x512xi32, #tpu.memory_space<vmem>> -> memref<1x48x512xi32, #tpu.memory_space<vmem>>
    %dma_wait3A_621 = tpu.memref_squeeze %dma_wait3A_620 : memref<1x48x512xi32, #tpu.memory_space<vmem>> -> memref<48x512xi32, #tpu.memory_space<vmem>>
    %dma_wait3A_622 = arith.constant 96 : i32
    %dma_wait3A_623 = tpu.memref_slice %arg2[%dma_wait3A_622, %mul3A_2] : memref<500x16384xi32, #tpu.memory_space<hbm>> -> memref<48x512xi32, #tpu.memory_space<hbm>>
    tpu.wait_dma2 semaphore(%arg12 : memref<!tpu.dma_semaphore, #tpu.memory_space<semaphore_mem>>) src(%dma_wait3A_623 : memref<48x512xi32, #tpu.memory_space<hbm>>) dst(%dma_wait3A_621 : memref<48x512xi32, #tpu.memory_space<vmem>>)
    %dma_wait3A_624 = arith.constant 0 : i32
    %dma_wait3A_625 = arith.constant 0 : i32
    %dma_wait3A_626 = arith.constant 0 : i32
    %dma_wait3A_627 = tpu.memref_slice %arg9[%dma_wait3A_624, %dma_wait3A_625, %dma_wait3A_626] : memref<2x48x512xf32, #tpu.memory_space<vmem>> -> memref<1x48x512xf32, #tpu.memory_space<vmem>>
    %dma_wait3A_628 = tpu.memref_squeeze %dma_wait3A_627 : memref<1x48x512xf32, #tpu.memory_space<vmem>> -> memref<48x512xf32, #tpu.memory_space<vmem>>
    %dma_wait3A_629 = arith.constant 0 : i32
    %dma_wait3A_630 = tpu.memref_slice %arg5[%dma_wait3A_629, %mul3A_2] : memref<500x16384xf32, #tpu.memory_space<hbm>> -> memref<48x512xf32, #tpu.memory_space<hbm>>
    %dma_wait3A_631 = arith.constant 0 : i32
    %dma_wait3A_632 = tpu.memref_slice %arg5[%dma_wait3A_631, %mul3A_2] : memref<500x16384xf32, #tpu.memory_space<hbm>> -> memref<48x512xf32, #tpu.memory_space<hbm>>
    %dma_wait3A_633 = arith.constant 0 : i32
    %dma_wait3A_634 = arith.constant 0 : i32
    %dma_wait3A_635 = tpu.memref_slice %arg9[%dma_wait3A_624, %dma_wait3A_633, %dma_wait3A_634] : memref<2x48x512xf32, #tpu.memory_space<vmem>> -> memref<1x48x512xf32, #tpu.memory_space<vmem>>
    %dma_wait3A_636 = tpu.memref_squeeze %dma_wait3A_635 : memref<1x48x512xf32, #tpu.memory_space<vmem>> -> memref<48x512xf32, #tpu.memory_space<vmem>>
    tpu.wait_dma2 semaphore(%arg14 : memref<!tpu.dma_semaphore, #tpu.memory_space<semaphore_mem>>) src(%dma_wait3A_636 : memref<48x512xf32, #tpu.memory_space<vmem>>) dst(%dma_wait3A_632 : memref<48x512xf32, #tpu.memory_space<hbm>>)
    %scan3A_637 = arith.constant 0 : i32
    %scan3A_638 = arith.constant 0 : i32
    %scan3A_639 = arith.constant 0 : i32
    %scan3A_640 = arith.constant 0 : i32
    %scan3A_641 = arith.constant 48 : i32
    %scan3A_642 = arith.addi %scan3A_640, %scan3A_641 : i32
    %scan3A_643 = arith.constant 1 : i32
    scf.for %scan3A_1109 = %scan3A_640 to %scan3A_642 step %scan3A_643  : i32 {
      %add3A_1110 = arith.constant 96 : i32
      %add3A_1111 = arith.addi %add3A_1110, %scan3A_1109 : i32
      %get3A_1112 = arith.index_cast %add3A_1111 : i32 to index
      %get3A_1113 = tpu.vector_load %arg7[%get3A_1112] {strides = array<i32>} : memref<528xf32, #tpu.memory_space<vmem>>, vector<16xf32>,
      %slice3A = vector.extract_strided_slice %get3A_1113 {offsets = [0], sizes = [1], strides = [1]} : vector<16xf32> to vector<1xf32>
      %squeeze3A = vector.extract %slice3A[0] : f32 from vector<1xf32>
      %parallel_loop3A = arith.constant 0 : i32
      %parallel_loop3A_1114 = arith.constant 32 : i32
      %parallel_loop3A_1115 = arith.constant 1 : i32
      scf.for %parallel_loop3A_1116 = %parallel_loop3A to %parallel_loop3A_1114 step %parallel_loop3A_1115  : i32 {
        %parallel_loop3A_1117 = arith.constant 4 : i32
        %parallel_loop3A_1118 = arith.shli %parallel_loop3A_1116, %parallel_loop3A_1117 : i32
        %parallel_loop3A_1119 = arith.constant 0 : i32
        %parallel_loop3A_1120 = arith.constant 0 : i32
        %parallel_loop3A_1121 = tpu.memref_slice %arg8[%scan3A_638, %parallel_loop3A_1119, %parallel_loop3A_1120] : memref<2x48x512xi32, #tpu.memory_space<vmem>> -> memref<1x48x512xi32, #tpu.memory_space<vmem>>
        %parallel_loop3A_1122 = tpu.memref_squeeze %parallel_loop3A_1121 : memref<1x48x512xi32, #tpu.memory_space<vmem>> -> memref<48x512xi32, #tpu.memory_space<vmem>>
        %parallel_loop3A_1123 = arith.index_cast %scan3A_1109 : i32 to index
        %parallel_loop3A_1124 = arith.index_cast %parallel_loop3A_1118 : i32 to index
        %parallel_loop3A_1125 = tpu.vector_load %parallel_loop3A_1122[%parallel_loop3A_1123, %parallel_loop3A_1124] {strides = array<i32>} : memref<48x512xi32, #tpu.memory_space<vmem>>, vector<16xi32>,
        %parallel_loop3A_1126 = tpu.vector_load_idx %arg6[%parallel_loop3A_1125] : memref<1024xf32, #tpu.memory_space<vmem>>[vector<16xi32>], vector<16xf32>,
        %parallel_loop3A_1127 = vector.broadcast %squeeze3A : f32 to vector<16xf32>
        %parallel_loop3A_1128 = arith.mulf %parallel_loop3A_1126, %parallel_loop3A_1127 : vector<16xf32>
        %parallel_loop3A_1129 = arith.constant 0 : i32
        %parallel_loop3A_1130 = arith.constant 0 : i32
        %parallel_loop3A_1131 = tpu.memref_slice %arg9[%scan3A_639, %parallel_loop3A_1129, %parallel_loop3A_1130] : memref<2x48x512xf32, #tpu.memory_space<vmem>> -> memref<1x48x512xf32, #tpu.memory_space<vmem>>
        %parallel_loop3A_1132 = tpu.memref_squeeze %parallel_loop3A_1131 : memref<1x48x512xf32, #tpu.memory_space<vmem>> -> memref<48x512xf32, #tpu.memory_space<vmem>>
        %parallel_loop3A_1133 = arith.index_cast %scan3A_1109 : i32 to index
        %parallel_loop3A_1134 = arith.index_cast %parallel_loop3A_1118 : i32 to index
        %parallel_loop3A_1135 = tpu.vector_load %parallel_loop3A_1132[%parallel_loop3A_1133, %parallel_loop3A_1134] {strides = array<i32>} : memref<48x512xf32, #tpu.memory_space<vmem>>, vector<16xf32>,
        tpu.vector_store %parallel_loop3A_1132[%parallel_loop3A_1133, %parallel_loop3A_1134], %parallel_loop3A_1128 {strides = array<i32>} : memref<48x512xf32, #tpu.memory_space<vmem>>, vector<16xf32>,
      } {sc.loop_unroll_factor = 8 : i64, sc.parallel_access}
    }
    %scan3A_644 = arith.constant 48 : i32
    %dma_start3A_645 = arith.constant 0 : i32
    %dma_start3A_646 = arith.constant 0 : i32
    %dma_start3A_647 = arith.constant 0 : i32
    %dma_start3A_648 = tpu.memref_slice %arg9[%dma_start3A_645, %dma_start3A_646, %dma_start3A_647] : memref<2x48x512xf32, #tpu.memory_space<vmem>> -> memref<1x48x512xf32, #tpu.memory_space<vmem>>
    %dma_start3A_649 = tpu.memref_squeeze %dma_start3A_648 : memref<1x48x512xf32, #tpu.memory_space<vmem>> -> memref<48x512xf32, #tpu.memory_space<vmem>>
    %dma_start3A_650 = arith.constant 96 : i32
    %dma_start3A_651 = tpu.memref_slice %arg5[%dma_start3A_650, %mul3A_2] : memref<500x16384xf32, #tpu.memory_space<hbm>> -> memref<48x512xf32, #tpu.memory_space<hbm>>
    %dma_start3A_652 = arith.constant 96 : i32
    %dma_start3A_653 = tpu.memref_slice %arg5[%dma_start3A_652, %mul3A_2] : memref<500x16384xf32, #tpu.memory_space<hbm>> -> memref<48x512xf32, #tpu.memory_space<hbm>>
    %dma_start3A_654 = arith.constant 0 : i32
    %dma_start3A_655 = arith.constant 0 : i32
    %dma_start3A_656 = tpu.memref_slice %arg9[%dma_start3A_645, %dma_start3A_654, %dma_start3A_655] : memref<2x48x512xf32, #tpu.memory_space<vmem>> -> memref<1x48x512xf32, #tpu.memory_space<vmem>>
    %dma_start3A_657 = tpu.memref_squeeze %dma_start3A_656 : memref<1x48x512xf32, #tpu.memory_space<vmem>> -> memref<48x512xf32, #tpu.memory_space<vmem>>
    tpu.enqueue_dma source(%dma_start3A_657 : memref<48x512xf32, #tpu.memory_space<vmem>>) target(%dma_start3A_653 : memref<48x512xf32, #tpu.memory_space<hbm>>) target_semaphore(%arg14 : memref<!tpu.dma_semaphore, #tpu.memory_space<semaphore_mem>>)
    %dma_start3A_658 = arith.constant 0 : i32
    %dma_start3A_659 = arith.constant 0 : i32
    %dma_start3A_660 = arith.constant 0 : i32
    %dma_start3A_661 = tpu.memref_slice %arg8[%dma_start3A_658, %dma_start3A_659, %dma_start3A_660] : memref<2x48x512xi32, #tpu.memory_space<vmem>> -> memref<1x48x512xi32, #tpu.memory_space<vmem>>
    %dma_start3A_662 = tpu.memref_squeeze %dma_start3A_661 : memref<1x48x512xi32, #tpu.memory_space<vmem>> -> memref<48x512xi32, #tpu.memory_space<vmem>>
    %dma_start3A_663 = arith.constant 192 : i32
    %dma_start3A_664 = tpu.memref_slice %arg2[%dma_start3A_663, %mul3A_2] : memref<500x16384xi32, #tpu.memory_space<hbm>> -> memref<48x512xi32, #tpu.memory_space<hbm>>
    %dma_start3A_665 = arith.constant 0 : i32
    %dma_start3A_666 = arith.constant 0 : i32
    %dma_start3A_667 = tpu.memref_slice %arg8[%dma_start3A_658, %dma_start3A_665, %dma_start3A_666] : memref<2x48x512xi32, #tpu.memory_space<vmem>> -> memref<1x48x512xi32, #tpu.memory_space<vmem>>
    %dma_start3A_668 = tpu.memref_squeeze %dma_start3A_667 : memref<1x48x512xi32, #tpu.memory_space<vmem>> -> memref<48x512xi32, #tpu.memory_space<vmem>>
    %dma_start3A_669 = arith.constant 192 : i32
    %dma_start3A_670 = tpu.memref_slice %arg2[%dma_start3A_669, %mul3A_2] : memref<500x16384xi32, #tpu.memory_space<hbm>> -> memref<48x512xi32, #tpu.memory_space<hbm>>
    tpu.enqueue_dma source(%dma_start3A_670 : memref<48x512xi32, #tpu.memory_space<hbm>>) target(%dma_start3A_668 : memref<48x512xi32, #tpu.memory_space<vmem>>) target_semaphore(%arg12 : memref<!tpu.dma_semaphore, #tpu.memory_space<semaphore_mem>>)
    %dma_wait3A_671 = arith.constant 1 : i32
    %dma_wait3A_672 = arith.constant 0 : i32
    %dma_wait3A_673 = arith.constant 0 : i32
    %dma_wait3A_674 = tpu.memref_slice %arg8[%dma_wait3A_671, %dma_wait3A_672, %dma_wait3A_673] : memref<2x48x512xi32, #tpu.memory_space<vmem>> -> memref<1x48x512xi32, #tpu.memory_space<vmem>>
    %dma_wait3A_675 = tpu.memref_squeeze %dma_wait3A_674 : memref<1x48x512xi32, #tpu.memory_space<vmem>> -> memref<48x512xi32, #tpu.memory_space<vmem>>
    %dma_wait3A_676 = arith.constant 144 : i32
    %dma_wait3A_677 = tpu.memref_slice %arg2[%dma_wait3A_676, %mul3A_2] : memref<500x16384xi32, #tpu.memory_space<hbm>> -> memref<48x512xi32, #tpu.memory_space<hbm>>
    %dma_wait3A_678 = arith.constant 0 : i32
    %dma_wait3A_679 = arith.constant 0 : i32
    %dma_wait3A_680 = tpu.memref_slice %arg8[%dma_wait3A_671, %dma_wait3A_678, %dma_wait3A_679] : memref<2x48x512xi32, #tpu.memory_space<vmem>> -> memref<1x48x512xi32, #tpu.memory_space<vmem>>
    %dma_wait3A_681 = tpu.memref_squeeze %dma_wait3A_680 : memref<1x48x512xi32, #tpu.memory_space<vmem>> -> memref<48x512xi32, #tpu.memory_space<vmem>>
    %dma_wait3A_682 = arith.constant 144 : i32
    %dma_wait3A_683 = tpu.memref_slice %arg2[%dma_wait3A_682, %mul3A_2] : memref<500x16384xi32, #tpu.memory_space<hbm>> -> memref<48x512xi32, #tpu.memory_space<hbm>>
    tpu.wait_dma2 semaphore(%arg13 : memref<!tpu.dma_semaphore, #tpu.memory_space<semaphore_mem>>) src(%dma_wait3A_683 : memref<48x512xi32, #tpu.memory_space<hbm>>) dst(%dma_wait3A_681 : memref<48x512xi32, #tpu.memory_space<vmem>>)
    %dma_wait3A_684 = arith.constant 1 : i32
    %dma_wait3A_685 = arith.constant 0 : i32
    %dma_wait3A_686 = arith.constant 0 : i32
    %dma_wait3A_687 = tpu.memref_slice %arg9[%dma_wait3A_684, %dma_wait3A_685, %dma_wait3A_686] : memref<2x48x512xf32, #tpu.memory_space<vmem>> -> memref<1x48x512xf32, #tpu.memory_space<vmem>>
    %dma_wait3A_688 = tpu.memref_squeeze %dma_wait3A_687 : memref<1x48x512xf32, #tpu.memory_space<vmem>> -> memref<48x512xf32, #tpu.memory_space<vmem>>
    %dma_wait3A_689 = arith.constant 48 : i32
    %dma_wait3A_690 = tpu.memref_slice %arg5[%dma_wait3A_689, %mul3A_2] : memref<500x16384xf32, #tpu.memory_space<hbm>> -> memref<48x512xf32, #tpu.memory_space<hbm>>
    %dma_wait3A_691 = arith.constant 48 : i32
    %dma_wait3A_692 = tpu.memref_slice %arg5[%dma_wait3A_691, %mul3A_2] : memref<500x16384xf32, #tpu.memory_space<hbm>> -> memref<48x512xf32, #tpu.memory_space<hbm>>
    %dma_wait3A_693 = arith.constant 0 : i32
    %dma_wait3A_694 = arith.constant 0 : i32
    %dma_wait3A_695 = tpu.memref_slice %arg9[%dma_wait3A_684, %dma_wait3A_693, %dma_wait3A_694] : memref<2x48x512xf32, #tpu.memory_space<vmem>> -> memref<1x48x512xf32, #tpu.memory_space<vmem>>
    %dma_wait3A_696 = tpu.memref_squeeze %dma_wait3A_695 : memref<1x48x512xf32, #tpu.memory_space<vmem>> -> memref<48x512xf32, #tpu.memory_space<vmem>>
    tpu.wait_dma2 semaphore(%arg15 : memref<!tpu.dma_semaphore, #tpu.memory_space<semaphore_mem>>) src(%dma_wait3A_696 : memref<48x512xf32, #tpu.memory_space<vmem>>) dst(%dma_wait3A_692 : memref<48x512xf32, #tpu.memory_space<hbm>>)
    %scan3A_697 = arith.constant 0 : i32
    %scan3A_698 = arith.constant 1 : i32
    %scan3A_699 = arith.constant 1 : i32
    %scan3A_700 = arith.constant 0 : i32
    %scan3A_701 = arith.constant 48 : i32
    %scan3A_702 = arith.addi %scan3A_700, %scan3A_701 : i32
    %scan3A_703 = arith.constant 1 : i32
    scf.for %scan3A_1109 = %scan3A_700 to %scan3A_702 step %scan3A_703  : i32 {
      %add3A_1110 = arith.constant 144 : i32
      %add3A_1111 = arith.addi %add3A_1110, %scan3A_1109 : i32
      %get3A_1112 = arith.index_cast %add3A_1111 : i32 to index
      %get3A_1113 = tpu.vector_load %arg7[%get3A_1112] {strides = array<i32>} : memref<528xf32, #tpu.memory_space<vmem>>, vector<16xf32>,
      %slice3A = vector.extract_strided_slice %get3A_1113 {offsets = [0], sizes = [1], strides = [1]} : vector<16xf32> to vector<1xf32>
      %squeeze3A = vector.extract %slice3A[0] : f32 from vector<1xf32>
      %parallel_loop3A = arith.constant 0 : i32
      %parallel_loop3A_1114 = arith.constant 32 : i32
      %parallel_loop3A_1115 = arith.constant 1 : i32
      scf.for %parallel_loop3A_1116 = %parallel_loop3A to %parallel_loop3A_1114 step %parallel_loop3A_1115  : i32 {
        %parallel_loop3A_1117 = arith.constant 4 : i32
        %parallel_loop3A_1118 = arith.shli %parallel_loop3A_1116, %parallel_loop3A_1117 : i32
        %parallel_loop3A_1119 = arith.constant 0 : i32
        %parallel_loop3A_1120 = arith.constant 0 : i32
        %parallel_loop3A_1121 = tpu.memref_slice %arg8[%scan3A_698, %parallel_loop3A_1119, %parallel_loop3A_1120] : memref<2x48x512xi32, #tpu.memory_space<vmem>> -> memref<1x48x512xi32, #tpu.memory_space<vmem>>
        %parallel_loop3A_1122 = tpu.memref_squeeze %parallel_loop3A_1121 : memref<1x48x512xi32, #tpu.memory_space<vmem>> -> memref<48x512xi32, #tpu.memory_space<vmem>>
        %parallel_loop3A_1123 = arith.index_cast %scan3A_1109 : i32 to index
        %parallel_loop3A_1124 = arith.index_cast %parallel_loop3A_1118 : i32 to index
        %parallel_loop3A_1125 = tpu.vector_load %parallel_loop3A_1122[%parallel_loop3A_1123, %parallel_loop3A_1124] {strides = array<i32>} : memref<48x512xi32, #tpu.memory_space<vmem>>, vector<16xi32>,
        %parallel_loop3A_1126 = tpu.vector_load_idx %arg6[%parallel_loop3A_1125] : memref<1024xf32, #tpu.memory_space<vmem>>[vector<16xi32>], vector<16xf32>,
        %parallel_loop3A_1127 = vector.broadcast %squeeze3A : f32 to vector<16xf32>
        %parallel_loop3A_1128 = arith.mulf %parallel_loop3A_1126, %parallel_loop3A_1127 : vector<16xf32>
        %parallel_loop3A_1129 = arith.constant 0 : i32
        %parallel_loop3A_1130 = arith.constant 0 : i32
        %parallel_loop3A_1131 = tpu.memref_slice %arg9[%scan3A_699, %parallel_loop3A_1129, %parallel_loop3A_1130] : memref<2x48x512xf32, #tpu.memory_space<vmem>> -> memref<1x48x512xf32, #tpu.memory_space<vmem>>
        %parallel_loop3A_1132 = tpu.memref_squeeze %parallel_loop3A_1131 : memref<1x48x512xf32, #tpu.memory_space<vmem>> -> memref<48x512xf32, #tpu.memory_space<vmem>>
        %parallel_loop3A_1133 = arith.index_cast %scan3A_1109 : i32 to index
        %parallel_loop3A_1134 = arith.index_cast %parallel_loop3A_1118 : i32 to index
        %parallel_loop3A_1135 = tpu.vector_load %parallel_loop3A_1132[%parallel_loop3A_1133, %parallel_loop3A_1134] {strides = array<i32>} : memref<48x512xf32, #tpu.memory_space<vmem>>, vector<16xf32>,
        tpu.vector_store %parallel_loop3A_1132[%parallel_loop3A_1133, %parallel_loop3A_1134], %parallel_loop3A_1128 {strides = array<i32>} : memref<48x512xf32, #tpu.memory_space<vmem>>, vector<16xf32>,
      } {sc.loop_unroll_factor = 8 : i64, sc.parallel_access}
    }
    %scan3A_704 = arith.constant 48 : i32
    %dma_start3A_705 = arith.constant 1 : i32
    %dma_start3A_706 = arith.constant 0 : i32
    %dma_start3A_707 = arith.constant 0 : i32
    %dma_start3A_708 = tpu.memref_slice %arg9[%dma_start3A_705, %dma_start3A_706, %dma_start3A_707] : memref<2x48x512xf32, #tpu.memory_space<vmem>> -> memref<1x48x512xf32, #tpu.memory_space<vmem>>
    %dma_start3A_709 = tpu.memref_squeeze %dma_start3A_708 : memref<1x48x512xf32, #tpu.memory_space<vmem>> -> memref<48x512xf32, #tpu.memory_space<vmem>>
    %dma_start3A_710 = arith.constant 144 : i32
    %dma_start3A_711 = tpu.memref_slice %arg5[%dma_start3A_710, %mul3A_2] : memref<500x16384xf32, #tpu.memory_space<hbm>> -> memref<48x512xf32, #tpu.memory_space<hbm>>
    %dma_start3A_712 = arith.constant 144 : i32
    %dma_start3A_713 = tpu.memref_slice %arg5[%dma_start3A_712, %mul3A_2] : memref<500x16384xf32, #tpu.memory_space<hbm>> -> memref<48x512xf32, #tpu.memory_space<hbm>>
    %dma_start3A_714 = arith.constant 0 : i32
    %dma_start3A_715 = arith.constant 0 : i32
    %dma_start3A_716 = tpu.memref_slice %arg9[%dma_start3A_705, %dma_start3A_714, %dma_start3A_715] : memref<2x48x512xf32, #tpu.memory_space<vmem>> -> memref<1x48x512xf32, #tpu.memory_space<vmem>>
    %dma_start3A_717 = tpu.memref_squeeze %dma_start3A_716 : memref<1x48x512xf32, #tpu.memory_space<vmem>> -> memref<48x512xf32, #tpu.memory_space<vmem>>
    tpu.enqueue_dma source(%dma_start3A_717 : memref<48x512xf32, #tpu.memory_space<vmem>>) target(%dma_start3A_713 : memref<48x512xf32, #tpu.memory_space<hbm>>) target_semaphore(%arg15 : memref<!tpu.dma_semaphore, #tpu.memory_space<semaphore_mem>>)
    %dma_start3A_718 = arith.constant 1 : i32
    %dma_start3A_719 = arith.constant 0 : i32
    %dma_start3A_720 = arith.constant 0 : i32
    %dma_start3A_721 = tpu.memref_slice %arg8[%dma_start3A_718, %dma_start3A_719, %dma_start3A_720] : memref<2x48x512xi32, #tpu.memory_space<vmem>> -> memref<1x48x512xi32, #tpu.memory_space<vmem>>
    %dma_start3A_722 = tpu.memref_squeeze %dma_start3A_721 : memref<1x48x512xi32, #tpu.memory_space<vmem>> -> memref<48x512xi32, #tpu.memory_space<vmem>>
    %dma_start3A_723 = arith.constant 240 : i32
    %dma_start3A_724 = tpu.memref_slice %arg2[%dma_start3A_723, %mul3A_2] : memref<500x16384xi32, #tpu.memory_space<hbm>> -> memref<48x512xi32, #tpu.memory_space<hbm>>
    %dma_start3A_725 = arith.constant 0 : i32
    %dma_start3A_726 = arith.constant 0 : i32
    %dma_start3A_727 = tpu.memref_slice %arg8[%dma_start3A_718, %dma_start3A_725, %dma_start3A_726] : memref<2x48x512xi32, #tpu.memory_space<vmem>> -> memref<1x48x512xi32, #tpu.memory_space<vmem>>
    %dma_start3A_728 = tpu.memref_squeeze %dma_start3A_727 : memref<1x48x512xi32, #tpu.memory_space<vmem>> -> memref<48x512xi32, #tpu.memory_space<vmem>>
    %dma_start3A_729 = arith.constant 240 : i32
    %dma_start3A_730 = tpu.memref_slice %arg2[%dma_start3A_729, %mul3A_2] : memref<500x16384xi32, #tpu.memory_space<hbm>> -> memref<48x512xi32, #tpu.memory_space<hbm>>
    tpu.enqueue_dma source(%dma_start3A_730 : memref<48x512xi32, #tpu.memory_space<hbm>>) target(%dma_start3A_728 : memref<48x512xi32, #tpu.memory_space<vmem>>) target_semaphore(%arg13 : memref<!tpu.dma_semaphore, #tpu.memory_space<semaphore_mem>>)
    %dma_wait3A_731 = arith.constant 0 : i32
    %dma_wait3A_732 = arith.constant 0 : i32
    %dma_wait3A_733 = arith.constant 0 : i32
    %dma_wait3A_734 = tpu.memref_slice %arg8[%dma_wait3A_731, %dma_wait3A_732, %dma_wait3A_733] : memref<2x48x512xi32, #tpu.memory_space<vmem>> -> memref<1x48x512xi32, #tpu.memory_space<vmem>>
    %dma_wait3A_735 = tpu.memref_squeeze %dma_wait3A_734 : memref<1x48x512xi32, #tpu.memory_space<vmem>> -> memref<48x512xi32, #tpu.memory_space<vmem>>
    %dma_wait3A_736 = arith.constant 192 : i32
    %dma_wait3A_737 = tpu.memref_slice %arg2[%dma_wait3A_736, %mul3A_2] : memref<500x16384xi32, #tpu.memory_space<hbm>> -> memref<48x512xi32, #tpu.memory_space<hbm>>
    %dma_wait3A_738 = arith.constant 0 : i32
    %dma_wait3A_739 = arith.constant 0 : i32
    %dma_wait3A_740 = tpu.memref_slice %arg8[%dma_wait3A_731, %dma_wait3A_738, %dma_wait3A_739] : memref<2x48x512xi32, #tpu.memory_space<vmem>> -> memref<1x48x512xi32, #tpu.memory_space<vmem>>
    %dma_wait3A_741 = tpu.memref_squeeze %dma_wait3A_740 : memref<1x48x512xi32, #tpu.memory_space<vmem>> -> memref<48x512xi32, #tpu.memory_space<vmem>>
    %dma_wait3A_742 = arith.constant 192 : i32
    %dma_wait3A_743 = tpu.memref_slice %arg2[%dma_wait3A_742, %mul3A_2] : memref<500x16384xi32, #tpu.memory_space<hbm>> -> memref<48x512xi32, #tpu.memory_space<hbm>>
    tpu.wait_dma2 semaphore(%arg12 : memref<!tpu.dma_semaphore, #tpu.memory_space<semaphore_mem>>) src(%dma_wait3A_743 : memref<48x512xi32, #tpu.memory_space<hbm>>) dst(%dma_wait3A_741 : memref<48x512xi32, #tpu.memory_space<vmem>>)
    %dma_wait3A_744 = arith.constant 0 : i32
    %dma_wait3A_745 = arith.constant 0 : i32
    %dma_wait3A_746 = arith.constant 0 : i32
    %dma_wait3A_747 = tpu.memref_slice %arg9[%dma_wait3A_744, %dma_wait3A_745, %dma_wait3A_746] : memref<2x48x512xf32, #tpu.memory_space<vmem>> -> memref<1x48x512xf32, #tpu.memory_space<vmem>>
    %dma_wait3A_748 = tpu.memref_squeeze %dma_wait3A_747 : memref<1x48x512xf32, #tpu.memory_space<vmem>> -> memref<48x512xf32, #tpu.memory_space<vmem>>
    %dma_wait3A_749 = arith.constant 96 : i32
    %dma_wait3A_750 = tpu.memref_slice %arg5[%dma_wait3A_749, %mul3A_2] : memref<500x16384xf32, #tpu.memory_space<hbm>> -> memref<48x512xf32, #tpu.memory_space<hbm>>
    %dma_wait3A_751 = arith.constant 96 : i32
    %dma_wait3A_752 = tpu.memref_slice %arg5[%dma_wait3A_751, %mul3A_2] : memref<500x16384xf32, #tpu.memory_space<hbm>> -> memref<48x512xf32, #tpu.memory_space<hbm>>
    %dma_wait3A_753 = arith.constant 0 : i32
    %dma_wait3A_754 = arith.constant 0 : i32
    %dma_wait3A_755 = tpu.memref_slice %arg9[%dma_wait3A_744, %dma_wait3A_753, %dma_wait3A_754] : memref<2x48x512xf32, #tpu.memory_space<vmem>> -> memref<1x48x512xf32, #tpu.memory_space<vmem>>
    %dma_wait3A_756 = tpu.memref_squeeze %dma_wait3A_755 : memref<1x48x512xf32, #tpu.memory_space<vmem>> -> memref<48x512xf32, #tpu.memory_space<vmem>>
    tpu.wait_dma2 semaphore(%arg14 : memref<!tpu.dma_semaphore, #tpu.memory_space<semaphore_mem>>) src(%dma_wait3A_756 : memref<48x512xf32, #tpu.memory_space<vmem>>) dst(%dma_wait3A_752 : memref<48x512xf32, #tpu.memory_space<hbm>>)
    %scan3A_757 = arith.constant 0 : i32
    %scan3A_758 = arith.constant 0 : i32
    %scan3A_759 = arith.constant 0 : i32
    %scan3A_760 = arith.constant 0 : i32
    %scan3A_761 = arith.constant 48 : i32
    %scan3A_762 = arith.addi %scan3A_760, %scan3A_761 : i32
    %scan3A_763 = arith.constant 1 : i32
    scf.for %scan3A_1109 = %scan3A_760 to %scan3A_762 step %scan3A_763  : i32 {
      %add3A_1110 = arith.constant 192 : i32
      %add3A_1111 = arith.addi %add3A_1110, %scan3A_1109 : i32
      %get3A_1112 = arith.index_cast %add3A_1111 : i32 to index
      %get3A_1113 = tpu.vector_load %arg7[%get3A_1112] {strides = array<i32>} : memref<528xf32, #tpu.memory_space<vmem>>, vector<16xf32>,
      %slice3A = vector.extract_strided_slice %get3A_1113 {offsets = [0], sizes = [1], strides = [1]} : vector<16xf32> to vector<1xf32>
      %squeeze3A = vector.extract %slice3A[0] : f32 from vector<1xf32>
      %parallel_loop3A = arith.constant 0 : i32
      %parallel_loop3A_1114 = arith.constant 32 : i32
      %parallel_loop3A_1115 = arith.constant 1 : i32
      scf.for %parallel_loop3A_1116 = %parallel_loop3A to %parallel_loop3A_1114 step %parallel_loop3A_1115  : i32 {
        %parallel_loop3A_1117 = arith.constant 4 : i32
        %parallel_loop3A_1118 = arith.shli %parallel_loop3A_1116, %parallel_loop3A_1117 : i32
        %parallel_loop3A_1119 = arith.constant 0 : i32
        %parallel_loop3A_1120 = arith.constant 0 : i32
        %parallel_loop3A_1121 = tpu.memref_slice %arg8[%scan3A_758, %parallel_loop3A_1119, %parallel_loop3A_1120] : memref<2x48x512xi32, #tpu.memory_space<vmem>> -> memref<1x48x512xi32, #tpu.memory_space<vmem>>
        %parallel_loop3A_1122 = tpu.memref_squeeze %parallel_loop3A_1121 : memref<1x48x512xi32, #tpu.memory_space<vmem>> -> memref<48x512xi32, #tpu.memory_space<vmem>>
        %parallel_loop3A_1123 = arith.index_cast %scan3A_1109 : i32 to index
        %parallel_loop3A_1124 = arith.index_cast %parallel_loop3A_1118 : i32 to index
        %parallel_loop3A_1125 = tpu.vector_load %parallel_loop3A_1122[%parallel_loop3A_1123, %parallel_loop3A_1124] {strides = array<i32>} : memref<48x512xi32, #tpu.memory_space<vmem>>, vector<16xi32>,
        %parallel_loop3A_1126 = tpu.vector_load_idx %arg6[%parallel_loop3A_1125] : memref<1024xf32, #tpu.memory_space<vmem>>[vector<16xi32>], vector<16xf32>,
        %parallel_loop3A_1127 = vector.broadcast %squeeze3A : f32 to vector<16xf32>
        %parallel_loop3A_1128 = arith.mulf %parallel_loop3A_1126, %parallel_loop3A_1127 : vector<16xf32>
        %parallel_loop3A_1129 = arith.constant 0 : i32
        %parallel_loop3A_1130 = arith.constant 0 : i32
        %parallel_loop3A_1131 = tpu.memref_slice %arg9[%scan3A_759, %parallel_loop3A_1129, %parallel_loop3A_1130] : memref<2x48x512xf32, #tpu.memory_space<vmem>> -> memref<1x48x512xf32, #tpu.memory_space<vmem>>
        %parallel_loop3A_1132 = tpu.memref_squeeze %parallel_loop3A_1131 : memref<1x48x512xf32, #tpu.memory_space<vmem>> -> memref<48x512xf32, #tpu.memory_space<vmem>>
        %parallel_loop3A_1133 = arith.index_cast %scan3A_1109 : i32 to index
        %parallel_loop3A_1134 = arith.index_cast %parallel_loop3A_1118 : i32 to index
        %parallel_loop3A_1135 = tpu.vector_load %parallel_loop3A_1132[%parallel_loop3A_1133, %parallel_loop3A_1134] {strides = array<i32>} : memref<48x512xf32, #tpu.memory_space<vmem>>, vector<16xf32>,
        tpu.vector_store %parallel_loop3A_1132[%parallel_loop3A_1133, %parallel_loop3A_1134], %parallel_loop3A_1128 {strides = array<i32>} : memref<48x512xf32, #tpu.memory_space<vmem>>, vector<16xf32>,
      } {sc.loop_unroll_factor = 8 : i64, sc.parallel_access}
    }
    %scan3A_764 = arith.constant 48 : i32
    %dma_start3A_765 = arith.constant 0 : i32
    %dma_start3A_766 = arith.constant 0 : i32
    %dma_start3A_767 = arith.constant 0 : i32
    %dma_start3A_768 = tpu.memref_slice %arg9[%dma_start3A_765, %dma_start3A_766, %dma_start3A_767] : memref<2x48x512xf32, #tpu.memory_space<vmem>> -> memref<1x48x512xf32, #tpu.memory_space<vmem>>
    %dma_start3A_769 = tpu.memref_squeeze %dma_start3A_768 : memref<1x48x512xf32, #tpu.memory_space<vmem>> -> memref<48x512xf32, #tpu.memory_space<vmem>>
    %dma_start3A_770 = arith.constant 192 : i32
    %dma_start3A_771 = tpu.memref_slice %arg5[%dma_start3A_770, %mul3A_2] : memref<500x16384xf32, #tpu.memory_space<hbm>> -> memref<48x512xf32, #tpu.memory_space<hbm>>
    %dma_start3A_772 = arith.constant 192 : i32
    %dma_start3A_773 = tpu.memref_slice %arg5[%dma_start3A_772, %mul3A_2] : memref<500x16384xf32, #tpu.memory_space<hbm>> -> memref<48x512xf32, #tpu.memory_space<hbm>>
    %dma_start3A_774 = arith.constant 0 : i32
    %dma_start3A_775 = arith.constant 0 : i32
    %dma_start3A_776 = tpu.memref_slice %arg9[%dma_start3A_765, %dma_start3A_774, %dma_start3A_775] : memref<2x48x512xf32, #tpu.memory_space<vmem>> -> memref<1x48x512xf32, #tpu.memory_space<vmem>>
    %dma_start3A_777 = tpu.memref_squeeze %dma_start3A_776 : memref<1x48x512xf32, #tpu.memory_space<vmem>> -> memref<48x512xf32, #tpu.memory_space<vmem>>
    tpu.enqueue_dma source(%dma_start3A_777 : memref<48x512xf32, #tpu.memory_space<vmem>>) target(%dma_start3A_773 : memref<48x512xf32, #tpu.memory_space<hbm>>) target_semaphore(%arg14 : memref<!tpu.dma_semaphore, #tpu.memory_space<semaphore_mem>>)
    %dma_start3A_778 = arith.constant 0 : i32
    %dma_start3A_779 = arith.constant 0 : i32
    %dma_start3A_780 = arith.constant 0 : i32
    %dma_start3A_781 = tpu.memref_slice %arg8[%dma_start3A_778, %dma_start3A_779, %dma_start3A_780] : memref<2x48x512xi32, #tpu.memory_space<vmem>> -> memref<1x48x512xi32, #tpu.memory_space<vmem>>
    %dma_start3A_782 = tpu.memref_squeeze %dma_start3A_781 : memref<1x48x512xi32, #tpu.memory_space<vmem>> -> memref<48x512xi32, #tpu.memory_space<vmem>>
    %dma_start3A_783 = arith.constant 288 : i32
    %dma_start3A_784 = tpu.memref_slice %arg2[%dma_start3A_783, %mul3A_2] : memref<500x16384xi32, #tpu.memory_space<hbm>> -> memref<48x512xi32, #tpu.memory_space<hbm>>
    %dma_start3A_785 = arith.constant 0 : i32
    %dma_start3A_786 = arith.constant 0 : i32
    %dma_start3A_787 = tpu.memref_slice %arg8[%dma_start3A_778, %dma_start3A_785, %dma_start3A_786] : memref<2x48x512xi32, #tpu.memory_space<vmem>> -> memref<1x48x512xi32, #tpu.memory_space<vmem>>
    %dma_start3A_788 = tpu.memref_squeeze %dma_start3A_787 : memref<1x48x512xi32, #tpu.memory_space<vmem>> -> memref<48x512xi32, #tpu.memory_space<vmem>>
    %dma_start3A_789 = arith.constant 288 : i32
    %dma_start3A_790 = tpu.memref_slice %arg2[%dma_start3A_789, %mul3A_2] : memref<500x16384xi32, #tpu.memory_space<hbm>> -> memref<48x512xi32, #tpu.memory_space<hbm>>
    tpu.enqueue_dma source(%dma_start3A_790 : memref<48x512xi32, #tpu.memory_space<hbm>>) target(%dma_start3A_788 : memref<48x512xi32, #tpu.memory_space<vmem>>) target_semaphore(%arg12 : memref<!tpu.dma_semaphore, #tpu.memory_space<semaphore_mem>>)
    %dma_wait3A_791 = arith.constant 1 : i32
    %dma_wait3A_792 = arith.constant 0 : i32
    %dma_wait3A_793 = arith.constant 0 : i32
    %dma_wait3A_794 = tpu.memref_slice %arg8[%dma_wait3A_791, %dma_wait3A_792, %dma_wait3A_793] : memref<2x48x512xi32, #tpu.memory_space<vmem>> -> memref<1x48x512xi32, #tpu.memory_space<vmem>>
    %dma_wait3A_795 = tpu.memref_squeeze %dma_wait3A_794 : memref<1x48x512xi32, #tpu.memory_space<vmem>> -> memref<48x512xi32, #tpu.memory_space<vmem>>
    %dma_wait3A_796 = arith.constant 240 : i32
    %dma_wait3A_797 = tpu.memref_slice %arg2[%dma_wait3A_796, %mul3A_2] : memref<500x16384xi32, #tpu.memory_space<hbm>> -> memref<48x512xi32, #tpu.memory_space<hbm>>
    %dma_wait3A_798 = arith.constant 0 : i32
    %dma_wait3A_799 = arith.constant 0 : i32
    %dma_wait3A_800 = tpu.memref_slice %arg8[%dma_wait3A_791, %dma_wait3A_798, %dma_wait3A_799] : memref<2x48x512xi32, #tpu.memory_space<vmem>> -> memref<1x48x512xi32, #tpu.memory_space<vmem>>
    %dma_wait3A_801 = tpu.memref_squeeze %dma_wait3A_800 : memref<1x48x512xi32, #tpu.memory_space<vmem>> -> memref<48x512xi32, #tpu.memory_space<vmem>>
    %dma_wait3A_802 = arith.constant 240 : i32
    %dma_wait3A_803 = tpu.memref_slice %arg2[%dma_wait3A_802, %mul3A_2] : memref<500x16384xi32, #tpu.memory_space<hbm>> -> memref<48x512xi32, #tpu.memory_space<hbm>>
    tpu.wait_dma2 semaphore(%arg13 : memref<!tpu.dma_semaphore, #tpu.memory_space<semaphore_mem>>) src(%dma_wait3A_803 : memref<48x512xi32, #tpu.memory_space<hbm>>) dst(%dma_wait3A_801 : memref<48x512xi32, #tpu.memory_space<vmem>>)
    %dma_wait3A_804 = arith.constant 1 : i32
    %dma_wait3A_805 = arith.constant 0 : i32
    %dma_wait3A_806 = arith.constant 0 : i32
    %dma_wait3A_807 = tpu.memref_slice %arg9[%dma_wait3A_804, %dma_wait3A_805, %dma_wait3A_806] : memref<2x48x512xf32, #tpu.memory_space<vmem>> -> memref<1x48x512xf32, #tpu.memory_space<vmem>>
    %dma_wait3A_808 = tpu.memref_squeeze %dma_wait3A_807 : memref<1x48x512xf32, #tpu.memory_space<vmem>> -> memref<48x512xf32, #tpu.memory_space<vmem>>
    %dma_wait3A_809 = arith.constant 144 : i32
    %dma_wait3A_810 = tpu.memref_slice %arg5[%dma_wait3A_809, %mul3A_2] : memref<500x16384xf32, #tpu.memory_space<hbm>> -> memref<48x512xf32, #tpu.memory_space<hbm>>
    %dma_wait3A_811 = arith.constant 144 : i32
    %dma_wait3A_812 = tpu.memref_slice %arg5[%dma_wait3A_811, %mul3A_2] : memref<500x16384xf32, #tpu.memory_space<hbm>> -> memref<48x512xf32, #tpu.memory_space<hbm>>
    %dma_wait3A_813 = arith.constant 0 : i32
    %dma_wait3A_814 = arith.constant 0 : i32
    %dma_wait3A_815 = tpu.memref_slice %arg9[%dma_wait3A_804, %dma_wait3A_813, %dma_wait3A_814] : memref<2x48x512xf32, #tpu.memory_space<vmem>> -> memref<1x48x512xf32, #tpu.memory_space<vmem>>
    %dma_wait3A_816 = tpu.memref_squeeze %dma_wait3A_815 : memref<1x48x512xf32, #tpu.memory_space<vmem>> -> memref<48x512xf32, #tpu.memory_space<vmem>>
    tpu.wait_dma2 semaphore(%arg15 : memref<!tpu.dma_semaphore, #tpu.memory_space<semaphore_mem>>) src(%dma_wait3A_816 : memref<48x512xf32, #tpu.memory_space<vmem>>) dst(%dma_wait3A_812 : memref<48x512xf32, #tpu.memory_space<hbm>>)
    %scan3A_817 = arith.constant 0 : i32
    %scan3A_818 = arith.constant 1 : i32
    %scan3A_819 = arith.constant 1 : i32
    %scan3A_820 = arith.constant 0 : i32
    %scan3A_821 = arith.constant 48 : i32
    %scan3A_822 = arith.addi %scan3A_820, %scan3A_821 : i32
    %scan3A_823 = arith.constant 1 : i32
    scf.for %scan3A_1109 = %scan3A_820 to %scan3A_822 step %scan3A_823  : i32 {
      %add3A_1110 = arith.constant 240 : i32
      %add3A_1111 = arith.addi %add3A_1110, %scan3A_1109 : i32
      %get3A_1112 = arith.index_cast %add3A_1111 : i32 to index
      %get3A_1113 = tpu.vector_load %arg7[%get3A_1112] {strides = array<i32>} : memref<528xf32, #tpu.memory_space<vmem>>, vector<16xf32>,
      %slice3A = vector.extract_strided_slice %get3A_1113 {offsets = [0], sizes = [1], strides = [1]} : vector<16xf32> to vector<1xf32>
      %squeeze3A = vector.extract %slice3A[0] : f32 from vector<1xf32>
      %parallel_loop3A = arith.constant 0 : i32
      %parallel_loop3A_1114 = arith.constant 32 : i32
      %parallel_loop3A_1115 = arith.constant 1 : i32
      scf.for %parallel_loop3A_1116 = %parallel_loop3A to %parallel_loop3A_1114 step %parallel_loop3A_1115  : i32 {
        %parallel_loop3A_1117 = arith.constant 4 : i32
        %parallel_loop3A_1118 = arith.shli %parallel_loop3A_1116, %parallel_loop3A_1117 : i32
        %parallel_loop3A_1119 = arith.constant 0 : i32
        %parallel_loop3A_1120 = arith.constant 0 : i32
        %parallel_loop3A_1121 = tpu.memref_slice %arg8[%scan3A_818, %parallel_loop3A_1119, %parallel_loop3A_1120] : memref<2x48x512xi32, #tpu.memory_space<vmem>> -> memref<1x48x512xi32, #tpu.memory_space<vmem>>
        %parallel_loop3A_1122 = tpu.memref_squeeze %parallel_loop3A_1121 : memref<1x48x512xi32, #tpu.memory_space<vmem>> -> memref<48x512xi32, #tpu.memory_space<vmem>>
        %parallel_loop3A_1123 = arith.index_cast %scan3A_1109 : i32 to index
        %parallel_loop3A_1124 = arith.index_cast %parallel_loop3A_1118 : i32 to index
        %parallel_loop3A_1125 = tpu.vector_load %parallel_loop3A_1122[%parallel_loop3A_1123, %parallel_loop3A_1124] {strides = array<i32>} : memref<48x512xi32, #tpu.memory_space<vmem>>, vector<16xi32>,
        %parallel_loop3A_1126 = tpu.vector_load_idx %arg6[%parallel_loop3A_1125] : memref<1024xf32, #tpu.memory_space<vmem>>[vector<16xi32>], vector<16xf32>,
        %parallel_loop3A_1127 = vector.broadcast %squeeze3A : f32 to vector<16xf32>
        %parallel_loop3A_1128 = arith.mulf %parallel_loop3A_1126, %parallel_loop3A_1127 : vector<16xf32>
        %parallel_loop3A_1129 = arith.constant 0 : i32
        %parallel_loop3A_1130 = arith.constant 0 : i32
        %parallel_loop3A_1131 = tpu.memref_slice %arg9[%scan3A_819, %parallel_loop3A_1129, %parallel_loop3A_1130] : memref<2x48x512xf32, #tpu.memory_space<vmem>> -> memref<1x48x512xf32, #tpu.memory_space<vmem>>
        %parallel_loop3A_1132 = tpu.memref_squeeze %parallel_loop3A_1131 : memref<1x48x512xf32, #tpu.memory_space<vmem>> -> memref<48x512xf32, #tpu.memory_space<vmem>>
        %parallel_loop3A_1133 = arith.index_cast %scan3A_1109 : i32 to index
        %parallel_loop3A_1134 = arith.index_cast %parallel_loop3A_1118 : i32 to index
        %parallel_loop3A_1135 = tpu.vector_load %parallel_loop3A_1132[%parallel_loop3A_1133, %parallel_loop3A_1134] {strides = array<i32>} : memref<48x512xf32, #tpu.memory_space<vmem>>, vector<16xf32>,
        tpu.vector_store %parallel_loop3A_1132[%parallel_loop3A_1133, %parallel_loop3A_1134], %parallel_loop3A_1128 {strides = array<i32>} : memref<48x512xf32, #tpu.memory_space<vmem>>, vector<16xf32>,
      } {sc.loop_unroll_factor = 8 : i64, sc.parallel_access}
    }
    %scan3A_824 = arith.constant 48 : i32
    %dma_start3A_825 = arith.constant 1 : i32
    %dma_start3A_826 = arith.constant 0 : i32
    %dma_start3A_827 = arith.constant 0 : i32
    %dma_start3A_828 = tpu.memref_slice %arg9[%dma_start3A_825, %dma_start3A_826, %dma_start3A_827] : memref<2x48x512xf32, #tpu.memory_space<vmem>> -> memref<1x48x512xf32, #tpu.memory_space<vmem>>
    %dma_start3A_829 = tpu.memref_squeeze %dma_start3A_828 : memref<1x48x512xf32, #tpu.memory_space<vmem>> -> memref<48x512xf32, #tpu.memory_space<vmem>>
    %dma_start3A_830 = arith.constant 240 : i32
    %dma_start3A_831 = tpu.memref_slice %arg5[%dma_start3A_830, %mul3A_2] : memref<500x16384xf32, #tpu.memory_space<hbm>> -> memref<48x512xf32, #tpu.memory_space<hbm>>
    %dma_start3A_832 = arith.constant 240 : i32
    %dma_start3A_833 = tpu.memref_slice %arg5[%dma_start3A_832, %mul3A_2] : memref<500x16384xf32, #tpu.memory_space<hbm>> -> memref<48x512xf32, #tpu.memory_space<hbm>>
    %dma_start3A_834 = arith.constant 0 : i32
    %dma_start3A_835 = arith.constant 0 : i32
    %dma_start3A_836 = tpu.memref_slice %arg9[%dma_start3A_825, %dma_start3A_834, %dma_start3A_835] : memref<2x48x512xf32, #tpu.memory_space<vmem>> -> memref<1x48x512xf32, #tpu.memory_space<vmem>>
    %dma_start3A_837 = tpu.memref_squeeze %dma_start3A_836 : memref<1x48x512xf32, #tpu.memory_space<vmem>> -> memref<48x512xf32, #tpu.memory_space<vmem>>
    tpu.enqueue_dma source(%dma_start3A_837 : memref<48x512xf32, #tpu.memory_space<vmem>>) target(%dma_start3A_833 : memref<48x512xf32, #tpu.memory_space<hbm>>) target_semaphore(%arg15 : memref<!tpu.dma_semaphore, #tpu.memory_space<semaphore_mem>>)
    %dma_start3A_838 = arith.constant 1 : i32
    %dma_start3A_839 = arith.constant 0 : i32
    %dma_start3A_840 = arith.constant 0 : i32
    %dma_start3A_841 = tpu.memref_slice %arg8[%dma_start3A_838, %dma_start3A_839, %dma_start3A_840] : memref<2x48x512xi32, #tpu.memory_space<vmem>> -> memref<1x48x512xi32, #tpu.memory_space<vmem>>
    %dma_start3A_842 = tpu.memref_squeeze %dma_start3A_841 : memref<1x48x512xi32, #tpu.memory_space<vmem>> -> memref<48x512xi32, #tpu.memory_space<vmem>>
    %dma_start3A_843 = arith.constant 336 : i32
    %dma_start3A_844 = tpu.memref_slice %arg2[%dma_start3A_843, %mul3A_2] : memref<500x16384xi32, #tpu.memory_space<hbm>> -> memref<48x512xi32, #tpu.memory_space<hbm>>
    %dma_start3A_845 = arith.constant 0 : i32
    %dma_start3A_846 = arith.constant 0 : i32
    %dma_start3A_847 = tpu.memref_slice %arg8[%dma_start3A_838, %dma_start3A_845, %dma_start3A_846] : memref<2x48x512xi32, #tpu.memory_space<vmem>> -> memref<1x48x512xi32, #tpu.memory_space<vmem>>
    %dma_start3A_848 = tpu.memref_squeeze %dma_start3A_847 : memref<1x48x512xi32, #tpu.memory_space<vmem>> -> memref<48x512xi32, #tpu.memory_space<vmem>>
    %dma_start3A_849 = arith.constant 336 : i32
    %dma_start3A_850 = tpu.memref_slice %arg2[%dma_start3A_849, %mul3A_2] : memref<500x16384xi32, #tpu.memory_space<hbm>> -> memref<48x512xi32, #tpu.memory_space<hbm>>
    tpu.enqueue_dma source(%dma_start3A_850 : memref<48x512xi32, #tpu.memory_space<hbm>>) target(%dma_start3A_848 : memref<48x512xi32, #tpu.memory_space<vmem>>) target_semaphore(%arg13 : memref<!tpu.dma_semaphore, #tpu.memory_space<semaphore_mem>>)
    %dma_wait3A_851 = arith.constant 0 : i32
    %dma_wait3A_852 = arith.constant 0 : i32
    %dma_wait3A_853 = arith.constant 0 : i32
    %dma_wait3A_854 = tpu.memref_slice %arg8[%dma_wait3A_851, %dma_wait3A_852, %dma_wait3A_853] : memref<2x48x512xi32, #tpu.memory_space<vmem>> -> memref<1x48x512xi32, #tpu.memory_space<vmem>>
    %dma_wait3A_855 = tpu.memref_squeeze %dma_wait3A_854 : memref<1x48x512xi32, #tpu.memory_space<vmem>> -> memref<48x512xi32, #tpu.memory_space<vmem>>
    %dma_wait3A_856 = arith.constant 288 : i32
    %dma_wait3A_857 = tpu.memref_slice %arg2[%dma_wait3A_856, %mul3A_2] : memref<500x16384xi32, #tpu.memory_space<hbm>> -> memref<48x512xi32, #tpu.memory_space<hbm>>
    %dma_wait3A_858 = arith.constant 0 : i32
    %dma_wait3A_859 = arith.constant 0 : i32
    %dma_wait3A_860 = tpu.memref_slice %arg8[%dma_wait3A_851, %dma_wait3A_858, %dma_wait3A_859] : memref<2x48x512xi32, #tpu.memory_space<vmem>> -> memref<1x48x512xi32, #tpu.memory_space<vmem>>
    %dma_wait3A_861 = tpu.memref_squeeze %dma_wait3A_860 : memref<1x48x512xi32, #tpu.memory_space<vmem>> -> memref<48x512xi32, #tpu.memory_space<vmem>>
    %dma_wait3A_862 = arith.constant 288 : i32
    %dma_wait3A_863 = tpu.memref_slice %arg2[%dma_wait3A_862, %mul3A_2] : memref<500x16384xi32, #tpu.memory_space<hbm>> -> memref<48x512xi32, #tpu.memory_space<hbm>>
    tpu.wait_dma2 semaphore(%arg12 : memref<!tpu.dma_semaphore, #tpu.memory_space<semaphore_mem>>) src(%dma_wait3A_863 : memref<48x512xi32, #tpu.memory_space<hbm>>) dst(%dma_wait3A_861 : memref<48x512xi32, #tpu.memory_space<vmem>>)
    %dma_wait3A_864 = arith.constant 0 : i32
    %dma_wait3A_865 = arith.constant 0 : i32
    %dma_wait3A_866 = arith.constant 0 : i32
    %dma_wait3A_867 = tpu.memref_slice %arg9[%dma_wait3A_864, %dma_wait3A_865, %dma_wait3A_866] : memref<2x48x512xf32, #tpu.memory_space<vmem>> -> memref<1x48x512xf32, #tpu.memory_space<vmem>>
    %dma_wait3A_868 = tpu.memref_squeeze %dma_wait3A_867 : memref<1x48x512xf32, #tpu.memory_space<vmem>> -> memref<48x512xf32, #tpu.memory_space<vmem>>
    %dma_wait3A_869 = arith.constant 192 : i32
    %dma_wait3A_870 = tpu.memref_slice %arg5[%dma_wait3A_869, %mul3A_2] : memref<500x16384xf32, #tpu.memory_space<hbm>> -> memref<48x512xf32, #tpu.memory_space<hbm>>
    %dma_wait3A_871 = arith.constant 192 : i32
    %dma_wait3A_872 = tpu.memref_slice %arg5[%dma_wait3A_871, %mul3A_2] : memref<500x16384xf32, #tpu.memory_space<hbm>> -> memref<48x512xf32, #tpu.memory_space<hbm>>
    %dma_wait3A_873 = arith.constant 0 : i32
    %dma_wait3A_874 = arith.constant 0 : i32
    %dma_wait3A_875 = tpu.memref_slice %arg9[%dma_wait3A_864, %dma_wait3A_873, %dma_wait3A_874] : memref<2x48x512xf32, #tpu.memory_space<vmem>> -> memref<1x48x512xf32, #tpu.memory_space<vmem>>
    %dma_wait3A_876 = tpu.memref_squeeze %dma_wait3A_875 : memref<1x48x512xf32, #tpu.memory_space<vmem>> -> memref<48x512xf32, #tpu.memory_space<vmem>>
    tpu.wait_dma2 semaphore(%arg14 : memref<!tpu.dma_semaphore, #tpu.memory_space<semaphore_mem>>) src(%dma_wait3A_876 : memref<48x512xf32, #tpu.memory_space<vmem>>) dst(%dma_wait3A_872 : memref<48x512xf32, #tpu.memory_space<hbm>>)
    %scan3A_877 = arith.constant 0 : i32
    %scan3A_878 = arith.constant 0 : i32
    %scan3A_879 = arith.constant 0 : i32
    %scan3A_880 = arith.constant 0 : i32
    %scan3A_881 = arith.constant 48 : i32
    %scan3A_882 = arith.addi %scan3A_880, %scan3A_881 : i32
    %scan3A_883 = arith.constant 1 : i32
    scf.for %scan3A_1109 = %scan3A_880 to %scan3A_882 step %scan3A_883  : i32 {
      %add3A_1110 = arith.constant 288 : i32
      %add3A_1111 = arith.addi %add3A_1110, %scan3A_1109 : i32
      %get3A_1112 = arith.index_cast %add3A_1111 : i32 to index
      %get3A_1113 = tpu.vector_load %arg7[%get3A_1112] {strides = array<i32>} : memref<528xf32, #tpu.memory_space<vmem>>, vector<16xf32>,
      %slice3A = vector.extract_strided_slice %get3A_1113 {offsets = [0], sizes = [1], strides = [1]} : vector<16xf32> to vector<1xf32>
      %squeeze3A = vector.extract %slice3A[0] : f32 from vector<1xf32>
      %parallel_loop3A = arith.constant 0 : i32
      %parallel_loop3A_1114 = arith.constant 32 : i32
      %parallel_loop3A_1115 = arith.constant 1 : i32
      scf.for %parallel_loop3A_1116 = %parallel_loop3A to %parallel_loop3A_1114 step %parallel_loop3A_1115  : i32 {
        %parallel_loop3A_1117 = arith.constant 4 : i32
        %parallel_loop3A_1118 = arith.shli %parallel_loop3A_1116, %parallel_loop3A_1117 : i32
        %parallel_loop3A_1119 = arith.constant 0 : i32
        %parallel_loop3A_1120 = arith.constant 0 : i32
        %parallel_loop3A_1121 = tpu.memref_slice %arg8[%scan3A_878, %parallel_loop3A_1119, %parallel_loop3A_1120] : memref<2x48x512xi32, #tpu.memory_space<vmem>> -> memref<1x48x512xi32, #tpu.memory_space<vmem>>
        %parallel_loop3A_1122 = tpu.memref_squeeze %parallel_loop3A_1121 : memref<1x48x512xi32, #tpu.memory_space<vmem>> -> memref<48x512xi32, #tpu.memory_space<vmem>>
        %parallel_loop3A_1123 = arith.index_cast %scan3A_1109 : i32 to index
        %parallel_loop3A_1124 = arith.index_cast %parallel_loop3A_1118 : i32 to index
        %parallel_loop3A_1125 = tpu.vector_load %parallel_loop3A_1122[%parallel_loop3A_1123, %parallel_loop3A_1124] {strides = array<i32>} : memref<48x512xi32, #tpu.memory_space<vmem>>, vector<16xi32>,
        %parallel_loop3A_1126 = tpu.vector_load_idx %arg6[%parallel_loop3A_1125] : memref<1024xf32, #tpu.memory_space<vmem>>[vector<16xi32>], vector<16xf32>,
        %parallel_loop3A_1127 = vector.broadcast %squeeze3A : f32 to vector<16xf32>
        %parallel_loop3A_1128 = arith.mulf %parallel_loop3A_1126, %parallel_loop3A_1127 : vector<16xf32>
        %parallel_loop3A_1129 = arith.constant 0 : i32
        %parallel_loop3A_1130 = arith.constant 0 : i32
        %parallel_loop3A_1131 = tpu.memref_slice %arg9[%scan3A_879, %parallel_loop3A_1129, %parallel_loop3A_1130] : memref<2x48x512xf32, #tpu.memory_space<vmem>> -> memref<1x48x512xf32, #tpu.memory_space<vmem>>
        %parallel_loop3A_1132 = tpu.memref_squeeze %parallel_loop3A_1131 : memref<1x48x512xf32, #tpu.memory_space<vmem>> -> memref<48x512xf32, #tpu.memory_space<vmem>>
        %parallel_loop3A_1133 = arith.index_cast %scan3A_1109 : i32 to index
        %parallel_loop3A_1134 = arith.index_cast %parallel_loop3A_1118 : i32 to index
        %parallel_loop3A_1135 = tpu.vector_load %parallel_loop3A_1132[%parallel_loop3A_1133, %parallel_loop3A_1134] {strides = array<i32>} : memref<48x512xf32, #tpu.memory_space<vmem>>, vector<16xf32>,
        tpu.vector_store %parallel_loop3A_1132[%parallel_loop3A_1133, %parallel_loop3A_1134], %parallel_loop3A_1128 {strides = array<i32>} : memref<48x512xf32, #tpu.memory_space<vmem>>, vector<16xf32>,
      } {sc.loop_unroll_factor = 8 : i64, sc.parallel_access}
    }
    %scan3A_884 = arith.constant 48 : i32
    %dma_start3A_885 = arith.constant 0 : i32
    %dma_start3A_886 = arith.constant 0 : i32
    %dma_start3A_887 = arith.constant 0 : i32
    %dma_start3A_888 = tpu.memref_slice %arg9[%dma_start3A_885, %dma_start3A_886, %dma_start3A_887] : memref<2x48x512xf32, #tpu.memory_space<vmem>> -> memref<1x48x512xf32, #tpu.memory_space<vmem>>
    %dma_start3A_889 = tpu.memref_squeeze %dma_start3A_888 : memref<1x48x512xf32, #tpu.memory_space<vmem>> -> memref<48x512xf32, #tpu.memory_space<vmem>>
    %dma_start3A_890 = arith.constant 288 : i32
    %dma_start3A_891 = tpu.memref_slice %arg5[%dma_start3A_890, %mul3A_2] : memref<500x16384xf32, #tpu.memory_space<hbm>> -> memref<48x512xf32, #tpu.memory_space<hbm>>
    %dma_start3A_892 = arith.constant 288 : i32
    %dma_start3A_893 = tpu.memref_slice %arg5[%dma_start3A_892, %mul3A_2] : memref<500x16384xf32, #tpu.memory_space<hbm>> -> memref<48x512xf32, #tpu.memory_space<hbm>>
    %dma_start3A_894 = arith.constant 0 : i32
    %dma_start3A_895 = arith.constant 0 : i32
    %dma_start3A_896 = tpu.memref_slice %arg9[%dma_start3A_885, %dma_start3A_894, %dma_start3A_895] : memref<2x48x512xf32, #tpu.memory_space<vmem>> -> memref<1x48x512xf32, #tpu.memory_space<vmem>>
    %dma_start3A_897 = tpu.memref_squeeze %dma_start3A_896 : memref<1x48x512xf32, #tpu.memory_space<vmem>> -> memref<48x512xf32, #tpu.memory_space<vmem>>
    tpu.enqueue_dma source(%dma_start3A_897 : memref<48x512xf32, #tpu.memory_space<vmem>>) target(%dma_start3A_893 : memref<48x512xf32, #tpu.memory_space<hbm>>) target_semaphore(%arg14 : memref<!tpu.dma_semaphore, #tpu.memory_space<semaphore_mem>>)
    %dma_start3A_898 = arith.constant 0 : i32
    %dma_start3A_899 = arith.constant 0 : i32
    %dma_start3A_900 = arith.constant 0 : i32
    %dma_start3A_901 = tpu.memref_slice %arg8[%dma_start3A_898, %dma_start3A_899, %dma_start3A_900] : memref<2x48x512xi32, #tpu.memory_space<vmem>> -> memref<1x48x512xi32, #tpu.memory_space<vmem>>
    %dma_start3A_902 = tpu.memref_squeeze %dma_start3A_901 : memref<1x48x512xi32, #tpu.memory_space<vmem>> -> memref<48x512xi32, #tpu.memory_space<vmem>>
    %dma_start3A_903 = arith.constant 384 : i32
    %dma_start3A_904 = tpu.memref_slice %arg2[%dma_start3A_903, %mul3A_2] : memref<500x16384xi32, #tpu.memory_space<hbm>> -> memref<48x512xi32, #tpu.memory_space<hbm>>
    %dma_start3A_905 = arith.constant 0 : i32
    %dma_start3A_906 = arith.constant 0 : i32
    %dma_start3A_907 = tpu.memref_slice %arg8[%dma_start3A_898, %dma_start3A_905, %dma_start3A_906] : memref<2x48x512xi32, #tpu.memory_space<vmem>> -> memref<1x48x512xi32, #tpu.memory_space<vmem>>
    %dma_start3A_908 = tpu.memref_squeeze %dma_start3A_907 : memref<1x48x512xi32, #tpu.memory_space<vmem>> -> memref<48x512xi32, #tpu.memory_space<vmem>>
    %dma_start3A_909 = arith.constant 384 : i32
    %dma_start3A_910 = tpu.memref_slice %arg2[%dma_start3A_909, %mul3A_2] : memref<500x16384xi32, #tpu.memory_space<hbm>> -> memref<48x512xi32, #tpu.memory_space<hbm>>
    tpu.enqueue_dma source(%dma_start3A_910 : memref<48x512xi32, #tpu.memory_space<hbm>>) target(%dma_start3A_908 : memref<48x512xi32, #tpu.memory_space<vmem>>) target_semaphore(%arg12 : memref<!tpu.dma_semaphore, #tpu.memory_space<semaphore_mem>>)
    %dma_wait3A_911 = arith.constant 1 : i32
    %dma_wait3A_912 = arith.constant 0 : i32
    %dma_wait3A_913 = arith.constant 0 : i32
    %dma_wait3A_914 = tpu.memref_slice %arg8[%dma_wait3A_911, %dma_wait3A_912, %dma_wait3A_913] : memref<2x48x512xi32, #tpu.memory_space<vmem>> -> memref<1x48x512xi32, #tpu.memory_space<vmem>>
    %dma_wait3A_915 = tpu.memref_squeeze %dma_wait3A_914 : memref<1x48x512xi32, #tpu.memory_space<vmem>> -> memref<48x512xi32, #tpu.memory_space<vmem>>
    %dma_wait3A_916 = arith.constant 336 : i32
    %dma_wait3A_917 = tpu.memref_slice %arg2[%dma_wait3A_916, %mul3A_2] : memref<500x16384xi32, #tpu.memory_space<hbm>> -> memref<48x512xi32, #tpu.memory_space<hbm>>
    %dma_wait3A_918 = arith.constant 0 : i32
    %dma_wait3A_919 = arith.constant 0 : i32
    %dma_wait3A_920 = tpu.memref_slice %arg8[%dma_wait3A_911, %dma_wait3A_918, %dma_wait3A_919] : memref<2x48x512xi32, #tpu.memory_space<vmem>> -> memref<1x48x512xi32, #tpu.memory_space<vmem>>
    %dma_wait3A_921 = tpu.memref_squeeze %dma_wait3A_920 : memref<1x48x512xi32, #tpu.memory_space<vmem>> -> memref<48x512xi32, #tpu.memory_space<vmem>>
    %dma_wait3A_922 = arith.constant 336 : i32
    %dma_wait3A_923 = tpu.memref_slice %arg2[%dma_wait3A_922, %mul3A_2] : memref<500x16384xi32, #tpu.memory_space<hbm>> -> memref<48x512xi32, #tpu.memory_space<hbm>>
    tpu.wait_dma2 semaphore(%arg13 : memref<!tpu.dma_semaphore, #tpu.memory_space<semaphore_mem>>) src(%dma_wait3A_923 : memref<48x512xi32, #tpu.memory_space<hbm>>) dst(%dma_wait3A_921 : memref<48x512xi32, #tpu.memory_space<vmem>>)
    %dma_wait3A_924 = arith.constant 1 : i32
    %dma_wait3A_925 = arith.constant 0 : i32
    %dma_wait3A_926 = arith.constant 0 : i32
    %dma_wait3A_927 = tpu.memref_slice %arg9[%dma_wait3A_924, %dma_wait3A_925, %dma_wait3A_926] : memref<2x48x512xf32, #tpu.memory_space<vmem>> -> memref<1x48x512xf32, #tpu.memory_space<vmem>>
    %dma_wait3A_928 = tpu.memref_squeeze %dma_wait3A_927 : memref<1x48x512xf32, #tpu.memory_space<vmem>> -> memref<48x512xf32, #tpu.memory_space<vmem>>
    %dma_wait3A_929 = arith.constant 240 : i32
    %dma_wait3A_930 = tpu.memref_slice %arg5[%dma_wait3A_929, %mul3A_2] : memref<500x16384xf32, #tpu.memory_space<hbm>> -> memref<48x512xf32, #tpu.memory_space<hbm>>
    %dma_wait3A_931 = arith.constant 240 : i32
    %dma_wait3A_932 = tpu.memref_slice %arg5[%dma_wait3A_931, %mul3A_2] : memref<500x16384xf32, #tpu.memory_space<hbm>> -> memref<48x512xf32, #tpu.memory_space<hbm>>
    %dma_wait3A_933 = arith.constant 0 : i32
    %dma_wait3A_934 = arith.constant 0 : i32
    %dma_wait3A_935 = tpu.memref_slice %arg9[%dma_wait3A_924, %dma_wait3A_933, %dma_wait3A_934] : memref<2x48x512xf32, #tpu.memory_space<vmem>> -> memref<1x48x512xf32, #tpu.memory_space<vmem>>
    %dma_wait3A_936 = tpu.memref_squeeze %dma_wait3A_935 : memref<1x48x512xf32, #tpu.memory_space<vmem>> -> memref<48x512xf32, #tpu.memory_space<vmem>>
    tpu.wait_dma2 semaphore(%arg15 : memref<!tpu.dma_semaphore, #tpu.memory_space<semaphore_mem>>) src(%dma_wait3A_936 : memref<48x512xf32, #tpu.memory_space<vmem>>) dst(%dma_wait3A_932 : memref<48x512xf32, #tpu.memory_space<hbm>>)
    %scan3A_937 = arith.constant 0 : i32
    %scan3A_938 = arith.constant 1 : i32
    %scan3A_939 = arith.constant 1 : i32
    %scan3A_940 = arith.constant 0 : i32
    %scan3A_941 = arith.constant 48 : i32
    %scan3A_942 = arith.addi %scan3A_940, %scan3A_941 : i32
    %scan3A_943 = arith.constant 1 : i32
    scf.for %scan3A_1109 = %scan3A_940 to %scan3A_942 step %scan3A_943  : i32 {
      %add3A_1110 = arith.constant 336 : i32
      %add3A_1111 = arith.addi %add3A_1110, %scan3A_1109 : i32
      %get3A_1112 = arith.index_cast %add3A_1111 : i32 to index
      %get3A_1113 = tpu.vector_load %arg7[%get3A_1112] {strides = array<i32>} : memref<528xf32, #tpu.memory_space<vmem>>, vector<16xf32>,
      %slice3A = vector.extract_strided_slice %get3A_1113 {offsets = [0], sizes = [1], strides = [1]} : vector<16xf32> to vector<1xf32>
      %squeeze3A = vector.extract %slice3A[0] : f32 from vector<1xf32>
      %parallel_loop3A = arith.constant 0 : i32
      %parallel_loop3A_1114 = arith.constant 32 : i32
      %parallel_loop3A_1115 = arith.constant 1 : i32
      scf.for %parallel_loop3A_1116 = %parallel_loop3A to %parallel_loop3A_1114 step %parallel_loop3A_1115  : i32 {
        %parallel_loop3A_1117 = arith.constant 4 : i32
        %parallel_loop3A_1118 = arith.shli %parallel_loop3A_1116, %parallel_loop3A_1117 : i32
        %parallel_loop3A_1119 = arith.constant 0 : i32
        %parallel_loop3A_1120 = arith.constant 0 : i32
        %parallel_loop3A_1121 = tpu.memref_slice %arg8[%scan3A_938, %parallel_loop3A_1119, %parallel_loop3A_1120] : memref<2x48x512xi32, #tpu.memory_space<vmem>> -> memref<1x48x512xi32, #tpu.memory_space<vmem>>
        %parallel_loop3A_1122 = tpu.memref_squeeze %parallel_loop3A_1121 : memref<1x48x512xi32, #tpu.memory_space<vmem>> -> memref<48x512xi32, #tpu.memory_space<vmem>>
        %parallel_loop3A_1123 = arith.index_cast %scan3A_1109 : i32 to index
        %parallel_loop3A_1124 = arith.index_cast %parallel_loop3A_1118 : i32 to index
        %parallel_loop3A_1125 = tpu.vector_load %parallel_loop3A_1122[%parallel_loop3A_1123, %parallel_loop3A_1124] {strides = array<i32>} : memref<48x512xi32, #tpu.memory_space<vmem>>, vector<16xi32>,
        %parallel_loop3A_1126 = tpu.vector_load_idx %arg6[%parallel_loop3A_1125] : memref<1024xf32, #tpu.memory_space<vmem>>[vector<16xi32>], vector<16xf32>,
        %parallel_loop3A_1127 = vector.broadcast %squeeze3A : f32 to vector<16xf32>
        %parallel_loop3A_1128 = arith.mulf %parallel_loop3A_1126, %parallel_loop3A_1127 : vector<16xf32>
        %parallel_loop3A_1129 = arith.constant 0 : i32
        %parallel_loop3A_1130 = arith.constant 0 : i32
        %parallel_loop3A_1131 = tpu.memref_slice %arg9[%scan3A_939, %parallel_loop3A_1129, %parallel_loop3A_1130] : memref<2x48x512xf32, #tpu.memory_space<vmem>> -> memref<1x48x512xf32, #tpu.memory_space<vmem>>
        %parallel_loop3A_1132 = tpu.memref_squeeze %parallel_loop3A_1131 : memref<1x48x512xf32, #tpu.memory_space<vmem>> -> memref<48x512xf32, #tpu.memory_space<vmem>>
        %parallel_loop3A_1133 = arith.index_cast %scan3A_1109 : i32 to index
        %parallel_loop3A_1134 = arith.index_cast %parallel_loop3A_1118 : i32 to index
        %parallel_loop3A_1135 = tpu.vector_load %parallel_loop3A_1132[%parallel_loop3A_1133, %parallel_loop3A_1134] {strides = array<i32>} : memref<48x512xf32, #tpu.memory_space<vmem>>, vector<16xf32>,
        tpu.vector_store %parallel_loop3A_1132[%parallel_loop3A_1133, %parallel_loop3A_1134], %parallel_loop3A_1128 {strides = array<i32>} : memref<48x512xf32, #tpu.memory_space<vmem>>, vector<16xf32>,
      } {sc.loop_unroll_factor = 8 : i64, sc.parallel_access}
    }
    %scan3A_944 = arith.constant 48 : i32
    %dma_start3A_945 = arith.constant 1 : i32
    %dma_start3A_946 = arith.constant 0 : i32
    %dma_start3A_947 = arith.constant 0 : i32
    %dma_start3A_948 = tpu.memref_slice %arg9[%dma_start3A_945, %dma_start3A_946, %dma_start3A_947] : memref<2x48x512xf32, #tpu.memory_space<vmem>> -> memref<1x48x512xf32, #tpu.memory_space<vmem>>
    %dma_start3A_949 = tpu.memref_squeeze %dma_start3A_948 : memref<1x48x512xf32, #tpu.memory_space<vmem>> -> memref<48x512xf32, #tpu.memory_space<vmem>>
    %dma_start3A_950 = arith.constant 336 : i32
    %dma_start3A_951 = tpu.memref_slice %arg5[%dma_start3A_950, %mul3A_2] : memref<500x16384xf32, #tpu.memory_space<hbm>> -> memref<48x512xf32, #tpu.memory_space<hbm>>
    %dma_start3A_952 = arith.constant 336 : i32
    %dma_start3A_953 = tpu.memref_slice %arg5[%dma_start3A_952, %mul3A_2] : memref<500x16384xf32, #tpu.memory_space<hbm>> -> memref<48x512xf32, #tpu.memory_space<hbm>>
    %dma_start3A_954 = arith.constant 0 : i32
    %dma_start3A_955 = arith.constant 0 : i32
    %dma_start3A_956 = tpu.memref_slice %arg9[%dma_start3A_945, %dma_start3A_954, %dma_start3A_955] : memref<2x48x512xf32, #tpu.memory_space<vmem>> -> memref<1x48x512xf32, #tpu.memory_space<vmem>>
    %dma_start3A_957 = tpu.memref_squeeze %dma_start3A_956 : memref<1x48x512xf32, #tpu.memory_space<vmem>> -> memref<48x512xf32, #tpu.memory_space<vmem>>
    tpu.enqueue_dma source(%dma_start3A_957 : memref<48x512xf32, #tpu.memory_space<vmem>>) target(%dma_start3A_953 : memref<48x512xf32, #tpu.memory_space<hbm>>) target_semaphore(%arg15 : memref<!tpu.dma_semaphore, #tpu.memory_space<semaphore_mem>>)
    %dma_start3A_958 = arith.constant 1 : i32
    %dma_start3A_959 = arith.constant 0 : i32
    %dma_start3A_960 = arith.constant 0 : i32
    %dma_start3A_961 = tpu.memref_slice %arg8[%dma_start3A_958, %dma_start3A_959, %dma_start3A_960] : memref<2x48x512xi32, #tpu.memory_space<vmem>> -> memref<1x48x512xi32, #tpu.memory_space<vmem>>
    %dma_start3A_962 = tpu.memref_squeeze %dma_start3A_961 : memref<1x48x512xi32, #tpu.memory_space<vmem>> -> memref<48x512xi32, #tpu.memory_space<vmem>>
    %dma_start3A_963 = arith.constant 432 : i32
    %dma_start3A_964 = tpu.memref_slice %arg2[%dma_start3A_963, %mul3A_2] : memref<500x16384xi32, #tpu.memory_space<hbm>> -> memref<48x512xi32, #tpu.memory_space<hbm>>
    %dma_start3A_965 = arith.constant 0 : i32
    %dma_start3A_966 = arith.constant 0 : i32
    %dma_start3A_967 = tpu.memref_slice %arg8[%dma_start3A_958, %dma_start3A_965, %dma_start3A_966] : memref<2x48x512xi32, #tpu.memory_space<vmem>> -> memref<1x48x512xi32, #tpu.memory_space<vmem>>
    %dma_start3A_968 = tpu.memref_squeeze %dma_start3A_967 : memref<1x48x512xi32, #tpu.memory_space<vmem>> -> memref<48x512xi32, #tpu.memory_space<vmem>>
    %dma_start3A_969 = arith.constant 432 : i32
    %dma_start3A_970 = tpu.memref_slice %arg2[%dma_start3A_969, %mul3A_2] : memref<500x16384xi32, #tpu.memory_space<hbm>> -> memref<48x512xi32, #tpu.memory_space<hbm>>
    tpu.enqueue_dma source(%dma_start3A_970 : memref<48x512xi32, #tpu.memory_space<hbm>>) target(%dma_start3A_968 : memref<48x512xi32, #tpu.memory_space<vmem>>) target_semaphore(%arg13 : memref<!tpu.dma_semaphore, #tpu.memory_space<semaphore_mem>>)
    %dma_wait3A_971 = arith.constant 0 : i32
    %dma_wait3A_972 = arith.constant 0 : i32
    %dma_wait3A_973 = arith.constant 0 : i32
    %dma_wait3A_974 = tpu.memref_slice %arg8[%dma_wait3A_971, %dma_wait3A_972, %dma_wait3A_973] : memref<2x48x512xi32, #tpu.memory_space<vmem>> -> memref<1x48x512xi32, #tpu.memory_space<vmem>>
    %dma_wait3A_975 = tpu.memref_squeeze %dma_wait3A_974 : memref<1x48x512xi32, #tpu.memory_space<vmem>> -> memref<48x512xi32, #tpu.memory_space<vmem>>
    %dma_wait3A_976 = arith.constant 384 : i32
    %dma_wait3A_977 = tpu.memref_slice %arg2[%dma_wait3A_976, %mul3A_2] : memref<500x16384xi32, #tpu.memory_space<hbm>> -> memref<48x512xi32, #tpu.memory_space<hbm>>
    %dma_wait3A_978 = arith.constant 0 : i32
    %dma_wait3A_979 = arith.constant 0 : i32
    %dma_wait3A_980 = tpu.memref_slice %arg8[%dma_wait3A_971, %dma_wait3A_978, %dma_wait3A_979] : memref<2x48x512xi32, #tpu.memory_space<vmem>> -> memref<1x48x512xi32, #tpu.memory_space<vmem>>
    %dma_wait3A_981 = tpu.memref_squeeze %dma_wait3A_980 : memref<1x48x512xi32, #tpu.memory_space<vmem>> -> memref<48x512xi32, #tpu.memory_space<vmem>>
    %dma_wait3A_982 = arith.constant 384 : i32
    %dma_wait3A_983 = tpu.memref_slice %arg2[%dma_wait3A_982, %mul3A_2] : memref<500x16384xi32, #tpu.memory_space<hbm>> -> memref<48x512xi32, #tpu.memory_space<hbm>>
    tpu.wait_dma2 semaphore(%arg12 : memref<!tpu.dma_semaphore, #tpu.memory_space<semaphore_mem>>) src(%dma_wait3A_983 : memref<48x512xi32, #tpu.memory_space<hbm>>) dst(%dma_wait3A_981 : memref<48x512xi32, #tpu.memory_space<vmem>>)
    %dma_wait3A_984 = arith.constant 0 : i32
    %dma_wait3A_985 = arith.constant 0 : i32
    %dma_wait3A_986 = arith.constant 0 : i32
    %dma_wait3A_987 = tpu.memref_slice %arg9[%dma_wait3A_984, %dma_wait3A_985, %dma_wait3A_986] : memref<2x48x512xf32, #tpu.memory_space<vmem>> -> memref<1x48x512xf32, #tpu.memory_space<vmem>>
    %dma_wait3A_988 = tpu.memref_squeeze %dma_wait3A_987 : memref<1x48x512xf32, #tpu.memory_space<vmem>> -> memref<48x512xf32, #tpu.memory_space<vmem>>
    %dma_wait3A_989 = arith.constant 288 : i32
    %dma_wait3A_990 = tpu.memref_slice %arg5[%dma_wait3A_989, %mul3A_2] : memref<500x16384xf32, #tpu.memory_space<hbm>> -> memref<48x512xf32, #tpu.memory_space<hbm>>
    %dma_wait3A_991 = arith.constant 288 : i32
    %dma_wait3A_992 = tpu.memref_slice %arg5[%dma_wait3A_991, %mul3A_2] : memref<500x16384xf32, #tpu.memory_space<hbm>> -> memref<48x512xf32, #tpu.memory_space<hbm>>
    %dma_wait3A_993 = arith.constant 0 : i32
    %dma_wait3A_994 = arith.constant 0 : i32
    %dma_wait3A_995 = tpu.memref_slice %arg9[%dma_wait3A_984, %dma_wait3A_993, %dma_wait3A_994] : memref<2x48x512xf32, #tpu.memory_space<vmem>> -> memref<1x48x512xf32, #tpu.memory_space<vmem>>
    %dma_wait3A_996 = tpu.memref_squeeze %dma_wait3A_995 : memref<1x48x512xf32, #tpu.memory_space<vmem>> -> memref<48x512xf32, #tpu.memory_space<vmem>>
    tpu.wait_dma2 semaphore(%arg14 : memref<!tpu.dma_semaphore, #tpu.memory_space<semaphore_mem>>) src(%dma_wait3A_996 : memref<48x512xf32, #tpu.memory_space<vmem>>) dst(%dma_wait3A_992 : memref<48x512xf32, #tpu.memory_space<hbm>>)
    %scan3A_997 = arith.constant 0 : i32
    %scan3A_998 = arith.constant 0 : i32
    %scan3A_999 = arith.constant 0 : i32
    %scan3A_1000 = arith.constant 0 : i32
    %scan3A_1001 = arith.constant 48 : i32
    %scan3A_1002 = arith.addi %scan3A_1000, %scan3A_1001 : i32
    %scan3A_1003 = arith.constant 1 : i32
    scf.for %scan3A_1109 = %scan3A_1000 to %scan3A_1002 step %scan3A_1003  : i32 {
      %add3A_1110 = arith.constant 384 : i32
      %add3A_1111 = arith.addi %add3A_1110, %scan3A_1109 : i32
      %get3A_1112 = arith.index_cast %add3A_1111 : i32 to index
      %get3A_1113 = tpu.vector_load %arg7[%get3A_1112] {strides = array<i32>} : memref<528xf32, #tpu.memory_space<vmem>>, vector<16xf32>,
      %slice3A = vector.extract_strided_slice %get3A_1113 {offsets = [0], sizes = [1], strides = [1]} : vector<16xf32> to vector<1xf32>
      %squeeze3A = vector.extract %slice3A[0] : f32 from vector<1xf32>
      %parallel_loop3A = arith.constant 0 : i32
      %parallel_loop3A_1114 = arith.constant 32 : i32
      %parallel_loop3A_1115 = arith.constant 1 : i32
      scf.for %parallel_loop3A_1116 = %parallel_loop3A to %parallel_loop3A_1114 step %parallel_loop3A_1115  : i32 {
        %parallel_loop3A_1117 = arith.constant 4 : i32
        %parallel_loop3A_1118 = arith.shli %parallel_loop3A_1116, %parallel_loop3A_1117 : i32
        %parallel_loop3A_1119 = arith.constant 0 : i32
        %parallel_loop3A_1120 = arith.constant 0 : i32
        %parallel_loop3A_1121 = tpu.memref_slice %arg8[%scan3A_998, %parallel_loop3A_1119, %parallel_loop3A_1120] : memref<2x48x512xi32, #tpu.memory_space<vmem>> -> memref<1x48x512xi32, #tpu.memory_space<vmem>>
        %parallel_loop3A_1122 = tpu.memref_squeeze %parallel_loop3A_1121 : memref<1x48x512xi32, #tpu.memory_space<vmem>> -> memref<48x512xi32, #tpu.memory_space<vmem>>
        %parallel_loop3A_1123 = arith.index_cast %scan3A_1109 : i32 to index
        %parallel_loop3A_1124 = arith.index_cast %parallel_loop3A_1118 : i32 to index
        %parallel_loop3A_1125 = tpu.vector_load %parallel_loop3A_1122[%parallel_loop3A_1123, %parallel_loop3A_1124] {strides = array<i32>} : memref<48x512xi32, #tpu.memory_space<vmem>>, vector<16xi32>,
        %parallel_loop3A_1126 = tpu.vector_load_idx %arg6[%parallel_loop3A_1125] : memref<1024xf32, #tpu.memory_space<vmem>>[vector<16xi32>], vector<16xf32>,
        %parallel_loop3A_1127 = vector.broadcast %squeeze3A : f32 to vector<16xf32>
        %parallel_loop3A_1128 = arith.mulf %parallel_loop3A_1126, %parallel_loop3A_1127 : vector<16xf32>
        %parallel_loop3A_1129 = arith.constant 0 : i32
        %parallel_loop3A_1130 = arith.constant 0 : i32
        %parallel_loop3A_1131 = tpu.memref_slice %arg9[%scan3A_999, %parallel_loop3A_1129, %parallel_loop3A_1130] : memref<2x48x512xf32, #tpu.memory_space<vmem>> -> memref<1x48x512xf32, #tpu.memory_space<vmem>>
        %parallel_loop3A_1132 = tpu.memref_squeeze %parallel_loop3A_1131 : memref<1x48x512xf32, #tpu.memory_space<vmem>> -> memref<48x512xf32, #tpu.memory_space<vmem>>
        %parallel_loop3A_1133 = arith.index_cast %scan3A_1109 : i32 to index
        %parallel_loop3A_1134 = arith.index_cast %parallel_loop3A_1118 : i32 to index
        %parallel_loop3A_1135 = tpu.vector_load %parallel_loop3A_1132[%parallel_loop3A_1133, %parallel_loop3A_1134] {strides = array<i32>} : memref<48x512xf32, #tpu.memory_space<vmem>>, vector<16xf32>,
        tpu.vector_store %parallel_loop3A_1132[%parallel_loop3A_1133, %parallel_loop3A_1134], %parallel_loop3A_1128 {strides = array<i32>} : memref<48x512xf32, #tpu.memory_space<vmem>>, vector<16xf32>,
      } {sc.loop_unroll_factor = 8 : i64, sc.parallel_access}
    }
    %scan3A_1004 = arith.constant 48 : i32
    %dma_start3A_1005 = arith.constant 0 : i32
    %dma_start3A_1006 = arith.constant 0 : i32
    %dma_start3A_1007 = arith.constant 0 : i32
    %dma_start3A_1008 = tpu.memref_slice %arg9[%dma_start3A_1005, %dma_start3A_1006, %dma_start3A_1007] : memref<2x48x512xf32, #tpu.memory_space<vmem>> -> memref<1x48x512xf32, #tpu.memory_space<vmem>>
    %dma_start3A_1009 = tpu.memref_squeeze %dma_start3A_1008 : memref<1x48x512xf32, #tpu.memory_space<vmem>> -> memref<48x512xf32, #tpu.memory_space<vmem>>
    %dma_start3A_1010 = arith.constant 384 : i32
    %dma_start3A_1011 = tpu.memref_slice %arg5[%dma_start3A_1010, %mul3A_2] : memref<500x16384xf32, #tpu.memory_space<hbm>> -> memref<48x512xf32, #tpu.memory_space<hbm>>
    %dma_start3A_1012 = arith.constant 384 : i32
    %dma_start3A_1013 = tpu.memref_slice %arg5[%dma_start3A_1012, %mul3A_2] : memref<500x16384xf32, #tpu.memory_space<hbm>> -> memref<48x512xf32, #tpu.memory_space<hbm>>
    %dma_start3A_1014 = arith.constant 0 : i32
    %dma_start3A_1015 = arith.constant 0 : i32
    %dma_start3A_1016 = tpu.memref_slice %arg9[%dma_start3A_1005, %dma_start3A_1014, %dma_start3A_1015] : memref<2x48x512xf32, #tpu.memory_space<vmem>> -> memref<1x48x512xf32, #tpu.memory_space<vmem>>
    %dma_start3A_1017 = tpu.memref_squeeze %dma_start3A_1016 : memref<1x48x512xf32, #tpu.memory_space<vmem>> -> memref<48x512xf32, #tpu.memory_space<vmem>>
    tpu.enqueue_dma source(%dma_start3A_1017 : memref<48x512xf32, #tpu.memory_space<vmem>>) target(%dma_start3A_1013 : memref<48x512xf32, #tpu.memory_space<hbm>>) target_semaphore(%arg14 : memref<!tpu.dma_semaphore, #tpu.memory_space<semaphore_mem>>)
    %dma_wait3A_1018 = arith.constant 1 : i32
    %dma_wait3A_1019 = arith.constant 0 : i32
    %dma_wait3A_1020 = arith.constant 0 : i32
    %dma_wait3A_1021 = tpu.memref_slice %arg8[%dma_wait3A_1018, %dma_wait3A_1019, %dma_wait3A_1020] : memref<2x48x512xi32, #tpu.memory_space<vmem>> -> memref<1x48x512xi32, #tpu.memory_space<vmem>>
    %dma_wait3A_1022 = tpu.memref_squeeze %dma_wait3A_1021 : memref<1x48x512xi32, #tpu.memory_space<vmem>> -> memref<48x512xi32, #tpu.memory_space<vmem>>
    %dma_wait3A_1023 = arith.constant 432 : i32
    %dma_wait3A_1024 = tpu.memref_slice %arg2[%dma_wait3A_1023, %mul3A_2] : memref<500x16384xi32, #tpu.memory_space<hbm>> -> memref<48x512xi32, #tpu.memory_space<hbm>>
    %dma_wait3A_1025 = arith.constant 0 : i32
    %dma_wait3A_1026 = arith.constant 0 : i32
    %dma_wait3A_1027 = tpu.memref_slice %arg8[%dma_wait3A_1018, %dma_wait3A_1025, %dma_wait3A_1026] : memref<2x48x512xi32, #tpu.memory_space<vmem>> -> memref<1x48x512xi32, #tpu.memory_space<vmem>>
    %dma_wait3A_1028 = tpu.memref_squeeze %dma_wait3A_1027 : memref<1x48x512xi32, #tpu.memory_space<vmem>> -> memref<48x512xi32, #tpu.memory_space<vmem>>
    %dma_wait3A_1029 = arith.constant 432 : i32
    %dma_wait3A_1030 = tpu.memref_slice %arg2[%dma_wait3A_1029, %mul3A_2] : memref<500x16384xi32, #tpu.memory_space<hbm>> -> memref<48x512xi32, #tpu.memory_space<hbm>>
    tpu.wait_dma2 semaphore(%arg13 : memref<!tpu.dma_semaphore, #tpu.memory_space<semaphore_mem>>) src(%dma_wait3A_1030 : memref<48x512xi32, #tpu.memory_space<hbm>>) dst(%dma_wait3A_1028 : memref<48x512xi32, #tpu.memory_space<vmem>>)
    %dma_wait3A_1031 = arith.constant 1 : i32
    %dma_wait3A_1032 = arith.constant 0 : i32
    %dma_wait3A_1033 = arith.constant 0 : i32
    %dma_wait3A_1034 = tpu.memref_slice %arg9[%dma_wait3A_1031, %dma_wait3A_1032, %dma_wait3A_1033] : memref<2x48x512xf32, #tpu.memory_space<vmem>> -> memref<1x48x512xf32, #tpu.memory_space<vmem>>
    %dma_wait3A_1035 = tpu.memref_squeeze %dma_wait3A_1034 : memref<1x48x512xf32, #tpu.memory_space<vmem>> -> memref<48x512xf32, #tpu.memory_space<vmem>>
    %dma_wait3A_1036 = arith.constant 336 : i32
    %dma_wait3A_1037 = tpu.memref_slice %arg5[%dma_wait3A_1036, %mul3A_2] : memref<500x16384xf32, #tpu.memory_space<hbm>> -> memref<48x512xf32, #tpu.memory_space<hbm>>
    %dma_wait3A_1038 = arith.constant 336 : i32
    %dma_wait3A_1039 = tpu.memref_slice %arg5[%dma_wait3A_1038, %mul3A_2] : memref<500x16384xf32, #tpu.memory_space<hbm>> -> memref<48x512xf32, #tpu.memory_space<hbm>>
    %dma_wait3A_1040 = arith.constant 0 : i32
    %dma_wait3A_1041 = arith.constant 0 : i32
    %dma_wait3A_1042 = tpu.memref_slice %arg9[%dma_wait3A_1031, %dma_wait3A_1040, %dma_wait3A_1041] : memref<2x48x512xf32, #tpu.memory_space<vmem>> -> memref<1x48x512xf32, #tpu.memory_space<vmem>>
    %dma_wait3A_1043 = tpu.memref_squeeze %dma_wait3A_1042 : memref<1x48x512xf32, #tpu.memory_space<vmem>> -> memref<48x512xf32, #tpu.memory_space<vmem>>
    tpu.wait_dma2 semaphore(%arg15 : memref<!tpu.dma_semaphore, #tpu.memory_space<semaphore_mem>>) src(%dma_wait3A_1043 : memref<48x512xf32, #tpu.memory_space<vmem>>) dst(%dma_wait3A_1039 : memref<48x512xf32, #tpu.memory_space<hbm>>)
    %scan3A_1044 = arith.constant 0 : i32
    %scan3A_1045 = arith.constant 1 : i32
    %scan3A_1046 = arith.constant 1 : i32
    %scan3A_1047 = arith.constant 0 : i32
    %scan3A_1048 = arith.constant 48 : i32
    %scan3A_1049 = arith.addi %scan3A_1047, %scan3A_1048 : i32
    %scan3A_1050 = arith.constant 1 : i32
    scf.for %scan3A_1109 = %scan3A_1047 to %scan3A_1049 step %scan3A_1050  : i32 {
      %add3A_1110 = arith.constant 432 : i32
      %add3A_1111 = arith.addi %add3A_1110, %scan3A_1109 : i32
      %get3A_1112 = arith.index_cast %add3A_1111 : i32 to index
      %get3A_1113 = tpu.vector_load %arg7[%get3A_1112] {strides = array<i32>} : memref<528xf32, #tpu.memory_space<vmem>>, vector<16xf32>,
      %slice3A = vector.extract_strided_slice %get3A_1113 {offsets = [0], sizes = [1], strides = [1]} : vector<16xf32> to vector<1xf32>
      %squeeze3A = vector.extract %slice3A[0] : f32 from vector<1xf32>
      %parallel_loop3A = arith.constant 0 : i32
      %parallel_loop3A_1114 = arith.constant 32 : i32
      %parallel_loop3A_1115 = arith.constant 1 : i32
      scf.for %parallel_loop3A_1116 = %parallel_loop3A to %parallel_loop3A_1114 step %parallel_loop3A_1115  : i32 {
        %parallel_loop3A_1117 = arith.constant 4 : i32
        %parallel_loop3A_1118 = arith.shli %parallel_loop3A_1116, %parallel_loop3A_1117 : i32
        %parallel_loop3A_1119 = arith.constant 0 : i32
        %parallel_loop3A_1120 = arith.constant 0 : i32
        %parallel_loop3A_1121 = tpu.memref_slice %arg8[%scan3A_1045, %parallel_loop3A_1119, %parallel_loop3A_1120] : memref<2x48x512xi32, #tpu.memory_space<vmem>> -> memref<1x48x512xi32, #tpu.memory_space<vmem>>
        %parallel_loop3A_1122 = tpu.memref_squeeze %parallel_loop3A_1121 : memref<1x48x512xi32, #tpu.memory_space<vmem>> -> memref<48x512xi32, #tpu.memory_space<vmem>>
        %parallel_loop3A_1123 = arith.index_cast %scan3A_1109 : i32 to index
        %parallel_loop3A_1124 = arith.index_cast %parallel_loop3A_1118 : i32 to index
        %parallel_loop3A_1125 = tpu.vector_load %parallel_loop3A_1122[%parallel_loop3A_1123, %parallel_loop3A_1124] {strides = array<i32>} : memref<48x512xi32, #tpu.memory_space<vmem>>, vector<16xi32>,
        %parallel_loop3A_1126 = tpu.vector_load_idx %arg6[%parallel_loop3A_1125] : memref<1024xf32, #tpu.memory_space<vmem>>[vector<16xi32>], vector<16xf32>,
        %parallel_loop3A_1127 = vector.broadcast %squeeze3A : f32 to vector<16xf32>
        %parallel_loop3A_1128 = arith.mulf %parallel_loop3A_1126, %parallel_loop3A_1127 : vector<16xf32>
        %parallel_loop3A_1129 = arith.constant 0 : i32
        %parallel_loop3A_1130 = arith.constant 0 : i32
        %parallel_loop3A_1131 = tpu.memref_slice %arg9[%scan3A_1046, %parallel_loop3A_1129, %parallel_loop3A_1130] : memref<2x48x512xf32, #tpu.memory_space<vmem>> -> memref<1x48x512xf32, #tpu.memory_space<vmem>>
        %parallel_loop3A_1132 = tpu.memref_squeeze %parallel_loop3A_1131 : memref<1x48x512xf32, #tpu.memory_space<vmem>> -> memref<48x512xf32, #tpu.memory_space<vmem>>
        %parallel_loop3A_1133 = arith.index_cast %scan3A_1109 : i32 to index
        %parallel_loop3A_1134 = arith.index_cast %parallel_loop3A_1118 : i32 to index
        %parallel_loop3A_1135 = tpu.vector_load %parallel_loop3A_1132[%parallel_loop3A_1133, %parallel_loop3A_1134] {strides = array<i32>} : memref<48x512xf32, #tpu.memory_space<vmem>>, vector<16xf32>,
        tpu.vector_store %parallel_loop3A_1132[%parallel_loop3A_1133, %parallel_loop3A_1134], %parallel_loop3A_1128 {strides = array<i32>} : memref<48x512xf32, #tpu.memory_space<vmem>>, vector<16xf32>,
      } {sc.loop_unroll_factor = 8 : i64, sc.parallel_access}
    }
    %scan3A_1051 = arith.constant 48 : i32
    %dma_start3A_1052 = arith.constant 1 : i32
    %dma_start3A_1053 = arith.constant 0 : i32
    %dma_start3A_1054 = arith.constant 0 : i32
    %dma_start3A_1055 = tpu.memref_slice %arg9[%dma_start3A_1052, %dma_start3A_1053, %dma_start3A_1054] : memref<2x48x512xf32, #tpu.memory_space<vmem>> -> memref<1x48x512xf32, #tpu.memory_space<vmem>>
    %dma_start3A_1056 = tpu.memref_squeeze %dma_start3A_1055 : memref<1x48x512xf32, #tpu.memory_space<vmem>> -> memref<48x512xf32, #tpu.memory_space<vmem>>
    %dma_start3A_1057 = arith.constant 432 : i32
    %dma_start3A_1058 = tpu.memref_slice %arg5[%dma_start3A_1057, %mul3A_2] : memref<500x16384xf32, #tpu.memory_space<hbm>> -> memref<48x512xf32, #tpu.memory_space<hbm>>
    %dma_start3A_1059 = arith.constant 432 : i32
    %dma_start3A_1060 = tpu.memref_slice %arg5[%dma_start3A_1059, %mul3A_2] : memref<500x16384xf32, #tpu.memory_space<hbm>> -> memref<48x512xf32, #tpu.memory_space<hbm>>
    %dma_start3A_1061 = arith.constant 0 : i32
    %dma_start3A_1062 = arith.constant 0 : i32
    %dma_start3A_1063 = tpu.memref_slice %arg9[%dma_start3A_1052, %dma_start3A_1061, %dma_start3A_1062] : memref<2x48x512xf32, #tpu.memory_space<vmem>> -> memref<1x48x512xf32, #tpu.memory_space<vmem>>
    %dma_start3A_1064 = tpu.memref_squeeze %dma_start3A_1063 : memref<1x48x512xf32, #tpu.memory_space<vmem>> -> memref<48x512xf32, #tpu.memory_space<vmem>>
    tpu.enqueue_dma source(%dma_start3A_1064 : memref<48x512xf32, #tpu.memory_space<vmem>>) target(%dma_start3A_1060 : memref<48x512xf32, #tpu.memory_space<hbm>>) target_semaphore(%arg15 : memref<!tpu.dma_semaphore, #tpu.memory_space<semaphore_mem>>)
    %dma_wait3A_1065 = arith.constant 480 : i32
    %dma_wait3A_1066 = tpu.memref_slice %arg2[%dma_wait3A_1065, %mul3A_2] : memref<500x16384xi32, #tpu.memory_space<hbm>> -> memref<20x512xi32, #tpu.memory_space<hbm>>
    %dma_wait3A_1067 = arith.constant 480 : i32
    %dma_wait3A_1068 = tpu.memref_slice %arg2[%dma_wait3A_1067, %mul3A_2] : memref<500x16384xi32, #tpu.memory_space<hbm>> -> memref<20x512xi32, #tpu.memory_space<hbm>>
    tpu.wait_dma2 semaphore(%arg16 : memref<!tpu.dma_semaphore, #tpu.memory_space<semaphore_mem>>) src(%dma_wait3A_1068 : memref<20x512xi32, #tpu.memory_space<hbm>>) dst(%arg10 : memref<20x512xi32, #tpu.memory_space<vmem>>)
    %scan3A_1069 = arith.constant 0 : i32
    %scan3A_1070 = arith.constant 0 : i32
    %scan3A_1071 = arith.constant 20 : i32
    %scan3A_1072 = arith.addi %scan3A_1070, %scan3A_1071 : i32
    %scan3A_1073 = arith.constant 1 : i32
    scf.for %scan3A_1109 = %scan3A_1070 to %scan3A_1072 step %scan3A_1073  : i32 {
      %add3A_1110 = arith.constant 480 : i32
      %add3A_1111 = arith.addi %add3A_1110, %scan3A_1109 : i32
      %get3A_1112 = arith.index_cast %add3A_1111 : i32 to index
      %get3A_1113 = tpu.vector_load %arg7[%get3A_1112] {strides = array<i32>} : memref<528xf32, #tpu.memory_space<vmem>>, vector<16xf32>,
      %slice3A = vector.extract_strided_slice %get3A_1113 {offsets = [0], sizes = [1], strides = [1]} : vector<16xf32> to vector<1xf32>
      %squeeze3A = vector.extract %slice3A[0] : f32 from vector<1xf32>
      %parallel_loop3A = arith.constant 0 : i32
      %parallel_loop3A_1114 = arith.constant 32 : i32
      %parallel_loop3A_1115 = arith.constant 1 : i32
      scf.for %parallel_loop3A_1116 = %parallel_loop3A to %parallel_loop3A_1114 step %parallel_loop3A_1115  : i32 {
        %parallel_loop3A_1117 = arith.constant 4 : i32
        %parallel_loop3A_1118 = arith.shli %parallel_loop3A_1116, %parallel_loop3A_1117 : i32
        %parallel_loop3A_1119 = arith.index_cast %scan3A_1109 : i32 to index
        %parallel_loop3A_1120 = arith.index_cast %parallel_loop3A_1118 : i32 to index
        %parallel_loop3A_1121 = tpu.vector_load %arg10[%parallel_loop3A_1119, %parallel_loop3A_1120] {strides = array<i32>} : memref<20x512xi32, #tpu.memory_space<vmem>>, vector<16xi32>,
        %parallel_loop3A_1122 = tpu.vector_load_idx %arg6[%parallel_loop3A_1121] : memref<1024xf32, #tpu.memory_space<vmem>>[vector<16xi32>], vector<16xf32>,
        %parallel_loop3A_1123 = vector.broadcast %squeeze3A : f32 to vector<16xf32>
        %parallel_loop3A_1124 = arith.mulf %parallel_loop3A_1122, %parallel_loop3A_1123 : vector<16xf32>
        %parallel_loop3A_1125 = arith.index_cast %scan3A_1109 : i32 to index
        %parallel_loop3A_1126 = arith.index_cast %parallel_loop3A_1118 : i32 to index
        %parallel_loop3A_1127 = tpu.vector_load %arg11[%parallel_loop3A_1125, %parallel_loop3A_1126] {strides = array<i32>} : memref<20x512xf32, #tpu.memory_space<vmem>>, vector<16xf32>,
        tpu.vector_store %arg11[%parallel_loop3A_1125, %parallel_loop3A_1126], %parallel_loop3A_1124 {strides = array<i32>} : memref<20x512xf32, #tpu.memory_space<vmem>>, vector<16xf32>,
      } {sc.loop_unroll_factor = 8 : i64, sc.parallel_access}
    }
    %scan3A_1074 = arith.constant 20 : i32
    %dma_start3A_1075 = arith.constant 480 : i32
    %dma_start3A_1076 = tpu.memref_slice %arg5[%dma_start3A_1075, %mul3A_2] : memref<500x16384xf32, #tpu.memory_space<hbm>> -> memref<20x512xf32, #tpu.memory_space<hbm>>
    %dma_start3A_1077 = arith.constant 480 : i32
    %dma_start3A_1078 = tpu.memref_slice %arg5[%dma_start3A_1077, %mul3A_2] : memref<500x16384xf32, #tpu.memory_space<hbm>> -> memref<20x512xf32, #tpu.memory_space<hbm>>
    tpu.enqueue_dma source(%arg11 : memref<20x512xf32, #tpu.memory_space<vmem>>) target(%dma_start3A_1078 : memref<20x512xf32, #tpu.memory_space<hbm>>) target_semaphore(%arg17 : memref<!tpu.dma_semaphore, #tpu.memory_space<semaphore_mem>>)
    %dma_wait3A_1079 = arith.constant 480 : i32
    %dma_wait3A_1080 = tpu.memref_slice %arg5[%dma_wait3A_1079, %mul3A_2] : memref<500x16384xf32, #tpu.memory_space<hbm>> -> memref<20x512xf32, #tpu.memory_space<hbm>>
    %dma_wait3A_1081 = arith.constant 480 : i32
    %dma_wait3A_1082 = tpu.memref_slice %arg5[%dma_wait3A_1081, %mul3A_2] : memref<500x16384xf32, #tpu.memory_space<hbm>> -> memref<20x512xf32, #tpu.memory_space<hbm>>
    tpu.wait_dma2 semaphore(%arg17 : memref<!tpu.dma_semaphore, #tpu.memory_space<semaphore_mem>>) src(%arg11 : memref<20x512xf32, #tpu.memory_space<vmem>>) dst(%dma_wait3A_1082 : memref<20x512xf32, #tpu.memory_space<hbm>>)
    %dma_wait3A_1083 = arith.constant 0 : i32
    %dma_wait3A_1084 = arith.constant 0 : i32
    %dma_wait3A_1085 = arith.constant 0 : i32
    %dma_wait3A_1086 = tpu.memref_slice %arg9[%dma_wait3A_1083, %dma_wait3A_1084, %dma_wait3A_1085] : memref<2x48x512xf32, #tpu.memory_space<vmem>> -> memref<1x48x512xf32, #tpu.memory_space<vmem>>
    %dma_wait3A_1087 = tpu.memref_squeeze %dma_wait3A_1086 : memref<1x48x512xf32, #tpu.memory_space<vmem>> -> memref<48x512xf32, #tpu.memory_space<vmem>>
    %dma_wait3A_1088 = arith.constant 384 : i32
    %dma_wait3A_1089 = tpu.memref_slice %arg5[%dma_wait3A_1088, %mul3A_2] : memref<500x16384xf32, #tpu.memory_space<hbm>> -> memref<48x512xf32, #tpu.memory_space<hbm>>
    %dma_wait3A_1090 = arith.constant 384 : i32
    %dma_wait3A_1091 = tpu.memref_slice %arg5[%dma_wait3A_1090, %mul3A_2] : memref<500x16384xf32, #tpu.memory_space<hbm>> -> memref<48x512xf32, #tpu.memory_space<hbm>>
    %dma_wait3A_1092 = arith.constant 0 : i32
    %dma_wait3A_1093 = arith.constant 0 : i32
    %dma_wait3A_1094 = tpu.memref_slice %arg9[%dma_wait3A_1083, %dma_wait3A_1092, %dma_wait3A_1093] : memref<2x48x512xf32, #tpu.memory_space<vmem>> -> memref<1x48x512xf32, #tpu.memory_space<vmem>>
    %dma_wait3A_1095 = tpu.memref_squeeze %dma_wait3A_1094 : memref<1x48x512xf32, #tpu.memory_space<vmem>> -> memref<48x512xf32, #tpu.memory_space<vmem>>
    tpu.wait_dma2 semaphore(%arg14 : memref<!tpu.dma_semaphore, #tpu.memory_space<semaphore_mem>>) src(%dma_wait3A_1095 : memref<48x512xf32, #tpu.memory_space<vmem>>) dst(%dma_wait3A_1091 : memref<48x512xf32, #tpu.memory_space<hbm>>)
    %dma_wait3A_1096 = arith.constant 1 : i32
    %dma_wait3A_1097 = arith.constant 0 : i32
    %dma_wait3A_1098 = arith.constant 0 : i32
    %dma_wait3A_1099 = tpu.memref_slice %arg9[%dma_wait3A_1096, %dma_wait3A_1097, %dma_wait3A_1098] : memref<2x48x512xf32, #tpu.memory_space<vmem>> -> memref<1x48x512xf32, #tpu.memory_space<vmem>>
    %dma_wait3A_1100 = tpu.memref_squeeze %dma_wait3A_1099 : memref<1x48x512xf32, #tpu.memory_space<vmem>> -> memref<48x512xf32, #tpu.memory_space<vmem>>
    %dma_wait3A_1101 = arith.constant 432 : i32
    %dma_wait3A_1102 = tpu.memref_slice %arg5[%dma_wait3A_1101, %mul3A_2] : memref<500x16384xf32, #tpu.memory_space<hbm>> -> memref<48x512xf32, #tpu.memory_space<hbm>>
    %dma_wait3A_1103 = arith.constant 432 : i32
    %dma_wait3A_1104 = tpu.memref_slice %arg5[%dma_wait3A_1103, %mul3A_2] : memref<500x16384xf32, #tpu.memory_space<hbm>> -> memref<48x512xf32, #tpu.memory_space<hbm>>
    %dma_wait3A_1105 = arith.constant 0 : i32
    %dma_wait3A_1106 = arith.constant 0 : i32
    %dma_wait3A_1107 = tpu.memref_slice %arg9[%dma_wait3A_1096, %dma_wait3A_1105, %dma_wait3A_1106] : memref<2x48x512xf32, #tpu.memory_space<vmem>> -> memref<1x48x512xf32, #tpu.memory_space<vmem>>
    %dma_wait3A_1108 = tpu.memref_squeeze %dma_wait3A_1107 : memref<1x48x512xf32, #tpu.memory_space<vmem>> -> memref<48x512xf32, #tpu.memory_space<vmem>>
    tpu.wait_dma2 semaphore(%arg15 : memref<!tpu.dma_semaphore, #tpu.memory_space<semaphore_mem>>) src(%dma_wait3A_1108 : memref<48x512xf32, #tpu.memory_space<vmem>>) dst(%dma_wait3A_1104 : memref<48x512xf32, #tpu.memory_space<hbm>>)
    return
  }
}

</mosaic_0001>

<sc_bundles>
// kernel: kernel.3.cloned.1.call-start
scs
__scs_entry_jumppad:
0x0: {  	(pc) =	sbr.rel $0x88, $3  }
0x1: {  	(tag) =	ssettag $0x0;
	lr =	simm.s32 $0x1  }
0x2: {  	[smem:$0x3F9E] =	sst lr;
	_ =	strace $0xD0000000  }
0x3: {  	_ = 	snop  }
0x4: {  	_ = 	snop  }
0x5: {  	_ = 	snop  }
0x6: {  	_ = 	snop  }
0x7: {  	_ = 	snop  }
__scs_overlays_trampoline_lowered:
0x8: {  	[smem:$0x3FAD] =	sst s0  }
0x9: {  	[smem:$0x3FAE] =	sst s1  }
0xa: {  	[smem:$0x3FAF] =	sst s2  }
0xb: {  	[smem:$0x3FB0] =	sst s3  }
0xc: {  	[smem:$0x3FB1] =	sst s4  }
0xd: {  	[smem:$0x3FB2] =	sst s5  }
0xe: {  	[smem:$0x3FB3] =	sst s6  }
0xf: {  	[smem:$0x3FB4] =	sst s7  }
0x10: {  	[smem:$0x3FB5] =	sst s8  }
0x11: {  	[smem:$0x3FB6] =	sst s9;
	s0 =	simm.s32 @!p0 $0x0  }
0x12: {  	s1 =	sld [smem:$0x3F9C];
	s0 =	simm.s32 @p0 $0x1  }
0x13: {  	[smem:$0x3FB7] =	sst s0;
	s0 =	simm.s32 @!p1 $0x0  }
0x14: {  	s2 =	sld [smem:$0x3F9B];
	s0 =	simm.s32 @p1 $0x1  }
0x15: {  	[smem:$0x3FB8] =	sst s0;
	s0 =	simm.s32 @!p2 $0x0  }
0x16: {  	s3 =	sld [smem:$0x3FDB];
	s0 =	simm.s32 @p2 $0x1  }
0x17: {  	s4 =	simm.s32 $0x1BF5;
	[smem:$0x3FBA] =	sst s0  }
0x18: {  	s0 =	sld [smem:$0x3F9D];
	_ =	swait.ge [sflag:s4], $0x0  }
0x19: {  	s7 =	sld [smem:$0x3F9E]  }
0x1a: {  	s8 =	sadd.s32 $0xFFFFE003, lr  }
0x1b: {  	s9 =	sadd.s32 $0xFFFFFEF7, lr;
	s5 =	simm.s32 $0xFFFFFFFF;
	p2 =	slt.u32 s8, $0xFFFFF086  }
0x1c: {  	p1 =	slt.u32 s9, $0xF7A;
	s5 =	simm.s32 @!p2 $0x0  }
0x1d: {  	s5 =	simm.s32 @p1 $0x1;
	p0 =	seq.s32 s7, s2  }
0x1e: {  	s7 =	smul.u32 @!p0 $0xF7A, s2;
	p2 =	seq.s32 @!p0 s5, $0x0  }
0x1f: {  	s9 =	smul.u32 $0xF7A, s1;
	s8 =	simm.s32 @!p0 $0x1BF5;
	p2 =	por !p2, p0  }
0x20: {  	[sflag:s8] =	ssyncset.s32 @!p0 $0xFFFFF086;
	s6 =	sadd.s32 @!p0 s3, s7;
	s7 =	simm.s32 @!p0 $0x108  }
0x21: {  	s3 =	sadd.s32 s3, s9;
	s6 =	sadd.s32 @!p0 $0x88, s6;
	s7 =	simm.s32 @p2 $0x1082  }
0x22: {  	[simem:s7], [sflag:s8] =	dma.local @!p0 [hbm:s6], $0xF7A  }
0x23: {  	s9 =	sor.u32 $0xD0000000, s2;
	s6 =	simm.s32 $0x108;
	_ =	swait.ge @!p0 [sflag:s8], $0x0  }
0x24: {  	s3 =	sadd.s32 $0x88, s3;
	s6 =	simm.s32 @!p1 $0x1082;
	[sflag:s4] =	ssyncset.s32 $0xFFFFF086  }
0x25: {  	[simem:s6], [sflag:s4] =	dma.local [hbm:s3], $0xF7A  }
0x26: {  	[smem:$0x3F9E] =	sst s1;
	(tag) =	ssettag s2;
	_ =	strace s9  }
0x27: {  	s1 =	sld [smem:$0x3FAE]  }
0x28: {  	s2 =	sld [smem:$0x3FAF]  }
0x29: {  	s4 =	sld [smem:$0x3FB1]  }
0x2a: {  	p0 =	seq.s32 s5, $0x0;
	s5 =	sld [smem:$0x3FB2]  }
0x2b: {  	s6 =	sld [smem:$0x3FB3]  }
0x2c: {  	s7 =	sld [smem:$0x3FB4]  }
0x2d: {  	s3 =	simm.s32 $0x108;
	s8 =	sld [smem:$0x3FB5]  }
0x2e: {  	s3 =	simm.s32 @!p0 $0x1082;
	s9 =	sld [smem:$0x3FB6]  }
0x2f: {  	lr =	sadd.s32 s0, s3;
	s0 =	sld [smem:$0x3FAD]  }
0x30: {  	s3 =	sld [smem:$0x3FB0]  }
0x31: {  	[smem:$0x3FB9] =	sst s10  }
0x32: {  	s10 =	sld [smem:$0x3FB7];
	_ =	sdelay $0x3  }
0x33: {  	p0 =	seq.s32 s10, $0x1;
	s10 =	sld [smem:$0x3FB9];
	_ =	sdelay $0x3  }
0x34: {  	[smem:$0x3FB9] =	sst s10  }
0x35: {  	s10 =	sld [smem:$0x3FB8];
	_ =	sdelay $0x3  }
0x36: {  	p1 =	seq.s32 s10, $0x1;
	s10 =	sld [smem:$0x3FB9];
	_ =	sdelay $0x3  }
0x37: {  	[smem:$0x3FB9] =	sst s10  }
0x38: {  	s10 =	sld [smem:$0x3FBA]  }
0x39: {  	_ = 	snop;
	(pc) =	sbr.ind lr, $3  }
0x3a: {  	_ = 	snop  }
0x3b: {  	_ = 	snop  }
0x3c: {  	p2 =	seq.s32 s10, $0x1;
	s10 =	sld [smem:$0x3FB9]  }
0x3d: {  	_ =	shalt  }
0x3e: {  	_ =	shalt  }
0x3f: {  	_ =	shalt  }
0x40: {  	_ =	shalt  }
0x41: {  	_ =	shalt  }
0x42: {  	_ =	shalt  }
0x43: {  	_ =	shalt  }
0x44: {  	_ =	shalt  }
0x45: {  	_ =	shalt  }
0x46: {  	_ =	shalt  }
0x47: {  	_ =	shalt  }
0x48: {  	_ =	shalt  }
0x49: {  	_ =	shalt  }
0x4a: {  	_ =	shalt  }
0x4b: {  	_ =	shalt  }
0x4c: {  	_ =	shalt  }
0x4d: {  	_ =	shalt  }
0x4e: {  	_ =	shalt  }
0x4f: {  	_ =	shalt  }
0x50: {  	_ =	shalt  }
0x51: {  	_ =	shalt  }
0x52: {  	_ =	shalt  }
0x53: {  	_ =	shalt  }
0x54: {  	_ =	shalt  }
0x55: {  	_ =	shalt  }
0x56: {  	_ =	shalt  }
0x57: {  	_ =	shalt  }
0x58: {  	_ =	shalt  }
0x59: {  	_ =	shalt  }
0x5a: {  	_ =	shalt  }
0x5b: {  	_ =	shalt  }
0x5c: {  	_ =	shalt  }
0x5d: {  	_ =	shalt  }
0x5e: {  	_ =	shalt  }
0x5f: {  	_ =	shalt  }
0x60: {  	_ =	shalt  }
0x61: {  	_ =	shalt  }
0x62: {  	_ =	shalt  }
0x63: {  	_ =	shalt  }
0x64: {  	_ =	shalt  }
0x65: {  	_ =	shalt  }
0x66: {  	_ =	shalt  }
0x67: {  	_ =	shalt  }
0x68: {  	_ =	shalt  }
0x69: {  	_ =	shalt  }
0x6a: {  	_ =	shalt  }
0x6b: {  	_ =	shalt  }
0x6c: {  	_ =	shalt  }
0x6d: {  	_ =	shalt  }
0x6e: {  	_ =	shalt  }
0x6f: {  	_ =	shalt  }
0x70: {  	_ =	shalt  }
0x71: {  	_ =	shalt  }
0x72: {  	_ =	shalt  }
0x73: {  	_ =	shalt  }
0x74: {  	_ =	shalt  }
0x75: {  	_ =	shalt  }
0x76: {  	_ =	shalt  }
0x77: {  	_ =	shalt  }
0x78: {  	_ =	shalt  }
0x79: {  	_ =	shalt  }
0x7a: {  	_ =	shalt  }
0x7b: {  	_ =	shalt  }
0x7c: {  	_ =	shalt  }
0x7d: {  	_ =	shalt  }
0x7e: {  	_ =	shalt  }
0x7f: {  	_ =	shalt  }
0x80: {  	_ =	shalt  }
0x81: {  	_ =	shalt  }
0x82: {  	_ =	shalt  }
0x83: {  	_ =	shalt  }
0x84: {  	_ =	shalt  }
0x85: {  	_ =	shalt  }
0x86: {  	_ =	shalt  }
0x87: {  	_ =	shalt  }
.Lfunc_end0:
.L_simem_size_0:
called_computation_lowered:
.L_overlay_start_0:
0x88: {  	s2 =	sld [smem:$0x3FD9]  }
0x89: {  	s3 =	sld [smem:$0x3FFE];
	_ =	sdelay $0x1  }
0x8a: {  	s1 =	srdreg.scid  }
0x8b: {  	s0 =	sand.u32 $0x1, s1  }
0x8c: {  	s18 =	sshll.u32 s0, $0xA;
	s2 =	sadd.s32 s3, s2  }
0x8d: {  	s2 =	sadd.s32 s2, s18  }
0x8e: {  	[smem:$0x3FC5] =	sst s2  }
0x8f: {  	_ = 	snop  }
0x90: {  	s2 =	sld [smem:$0x3FC9]  }
0x91: {  	s19 =	sld [smem:$0x3FC8]  }
0x92: {  	s4 =	sld [smem:$0x3FC7]  }
0x93: {  	s5 =	sld [smem:$0x3FD0];
	(tm) =	ssettm $0x1  }
0x94: {  	s6 =	sld [smem:$0x3FFB];
	_ =	sdelay $0x3  }
0x95: {  	_ =	strace s6  }
0x96: {  	s6 =	sld [smem:$0x3FFC];
	_ =	sdelay $0x3  }
0x97: {  	_ =	strace s6  }
0x98: {  	s6 =	sld [smem:$0x3FFD];
	_ =	sdelay $0x3  }
0x99: {  	_ =	strace s6  }
0x9a: {  	_ =	strace $0x8FFFFFFF  }
0x9b: {  	s20 =	sld [smem:$0x3FDB];
	_ =	sdelay $0x1  }
0x9c: {  	s7 =	simm.s32 $_scs_section_size  }
0x9d: {  	s8 =	simm.s32 $_size__tile_overlayer_lowered;
	s9 =	simm.s32 $_tile_overlayer_lowered  }
0x9e: {  	s23 =	simm.s32 $0x1BFF;
	s22 =	sshll.u32 s9, $0x1;
	s6 =	sadd.s32 s7, s20  }
0x9f: {  	s10 =	simm.s32 $0x0;
	s21 =	sshll.u32 s8, $0x1;
	s8 =	sadd.s32 s22, s6  }
0xa0: {  	[timem:s10], [sflag:s23] =	dma.local [hbm:s8], s21  }
0xa1: {  	_ =	swait.ge [sflag:s23], s21  }
0xa2: {  	s7 =	ssub.s32 $0x0, s21;
	[sflag:s23] =	ssyncset.done $0x0  }
0xa3: {  	[sflag:s23] =	ssyncadd.s32 s7;
	_ =	sdelay $0x1  }
0xa4: {  	s24 =	simm.s32 $0x1B8B  }
0xa5: {  	_ =	swait.ge [sflag:s24], $0x1  }
0xa6: {  	[sflag:s24] =	ssyncset.done $0x0  }
0xa7: {  	s25 =	simm.s32 $0x1B8E;
	[sflag:s24] =	ssyncadd.s32 $0xFFFFFFFF  }
0xa8: {  	s26 =	simm.s32 $execute0_lowered;
	[smem:$0x3FD2] =	sst s25  }
0xa9: {  	s7 =	sshll.u32 s26, $0x1;
	_ =	strace $0x80000046;
	[dreg:$0x1] =	wrdreg $0xFFFFFFFF  }
0xaa: {  	s28 =	simm.s32 $_size_execute0_lowered;
	s6 =	sadd.s32 s6, s7;
	[dreg:$0x0] =	wrdreg $0x0  }
0xab: {  	s7 =	sshll.u32 s28, $0x1;
	[dreg:$0x2] =	wrdreg s6  }
0xac: {  	[dreg:$0x3] =	wrdreg s7  }
0xad: {  	[dreg:$0x4] =	wrdreg $0xC0  }
0xae: {  	_ =	task [dreg:s10], $0x5FFFF  }
0xaf: {  	[dreg:$0x1] =	wrdreg $0xFFFFFFFF  }
0xb0: {  	[dreg:$0x0] =	wrdreg $0x60  }
0xb1: {  	[dreg:$0x2] =	wrdreg s2  }
0xb2: {  	[dreg:$0x3] =	wrdreg s19  }
0xb3: {  	[dreg:$0x4] =	wrdreg s4  }
0xb4: {  	[dreg:$0x5] =	wrdreg s5  }
0xb5: {  	[dreg:$0x6] =	wrdreg $0x9  }
0xb6: {  	_ =	task.clear_ibuf [dreg:s10], $0x7FFFF;
	_ =	strace $0x90000046  }
0xb7: {  	s29 =	simm.s32 $0x9;
	_ =	strace $0x80000048  }
0xb8: {  	_ =	swait.ge [sflag:s29], $0x1  }
0xb9: {  	[sflag:s29] =	ssyncadd.s32 $0xFFFFFFFF  }
0xba: {  	_ =	strace $0x90000048  }
0xbb: {  	_ =	sfence  }
0xbc: {  	s30 =	sld [smem:$0x0];
	_ =	sdelay $0x2  }
0xbd: {  	s31 =	sshll.u32 s1, $0xD;
	s1 =	sshrl.u32 s1, $0x2  }
0xbe: {  	s3 =	sand.u32 $0x4000, s31;
	s1 =	sadd.s32 s1, s30  }
0xbf: {  	s0 =	sor.u32 s3, s0;
	s1 =	sshll.u32 s1, $0x11  }
0xc0: {  	s0 =	sor.u32 s1, s0  }
0xc1: {  	s0 =	sadd.s32 $0x8F2B, s0  }
0xc2: {  	[sflag:s0] =	ssyncadd.remote.s32 $0x1  }
0xc3: {  	_ =	sfence.sel $0xFFFF  }
0xc4: {  	[dreg:$0x0] =	wrdreg $0xFFFFFFFF;
	(pc) =	sbr.abs _section_cstart, $3  }
0xc5: {  	[dreg:$0x1] =	wrdreg $0xFFFFFFFF  }
0xc6: {  	_ =	task.clear_ibuf [dreg:s10], $0x2FFFF;
	_ =	strace $0x9FFFFFFF  }
0xc7: {  	(tm) =	ssettm $0x7FFFFFFF  }
tec
execute0_lowered:
.L_overlay_start_1:
0x0: {  	(tag) =	ssettag $0x1  }
0x1: {  	s0 =	rddreg [dreg:$0x0];
	s1 =	srdreg.scid  }
0x2: {  	s2 =	rddreg [dreg:$0x3];
	s3 =	stileid.u32;
	s29 =	simm.s32 $0x7  }
0x3: {  	s31 =	simm.s32 $0x1000;
	s30 =	simm.s32 $0x1;
	s1 =	sand.u32 $0x1, s1  }
0x4: {  	s10 =	simm.s32 $0x0;
	s5 =	sshll.u32 s3, $0xA;
	s4 =	ssub.s32 $0x2, s1  }
0x5: {  	s3 =	simm.s32 $0x0;
	s1 =	sshll.u32 s1, $0x9;
	s6 =	sshrl.u32 s4, $0x1  }
0x6: {  	[smem:$0x7FF] =	sst s3;
	s1 =	sor.u32 s1, s5;
	s4 =	ssub.s32 s4, s6  }
0x7: {  	s5 =	sor.u32 $0x18000, s1;
	s13 =	sor.u32 $0xF0000, s1;
	s7 =	sadd.s32 s0, s1  }
0x8: {  	s15 =	sadd.s32 s2, s1;
	s16 =	sor.u32 $0x30000, s1;
	[dreg:$0x5] =	wrdreg s7  }
0x9: {  	s8 =	sor.u32 $0x48000, s1;
	s14 =	sadd.s32 s0, s5;
	[dreg:$0x7] =	wrdreg s15  }
0xa: {  	s19 =	sor.u32 $0x60000, s1;
	s9 =	sadd.s32 s0, s16;
	[dreg:$0x6] =	wrdreg s14  }
0xb: {  	s20 =	sor.u32 $0x78000, s1;
	s5 =	sadd.s32 s2, s5;
	[dreg:$0x8] =	wrdreg s9  }
0xc: {  	s23 =	sor.u32 $0x90000, s1;
	s17 =	sadd.s32 s0, s8;
	[dreg:$0x9] =	wrdreg s5  }
0xd: {  	s24 =	sor.u32 $0xA8000, s1;
	s18 =	sadd.s32 s2, s16;
	[dreg:$0xa] =	wrdreg s17  }
0xe: {  	s26 =	sor.u32 $0xC0000, s1;
	s21 =	sadd.s32 s0, s19;
	[dreg:$0xb] =	wrdreg s18  }
0xf: {  	s1 =	sor.u32 $0xD8000, s1;
	s8 =	sadd.s32 s2, s8;
	[dreg:$0xc] =	wrdreg s21  }
0x10: {  	s6 =	simm.s32 $0x3;
	s22 =	sadd.s32 s0, s20;
	[dreg:$0xd] =	wrdreg s8  }
0x11: {  	s25 =	sadd.s32 s0, s23;
	s7 =	sadd.s32 s2, s20;
	[dreg:$0xe] =	wrdreg s22  }
0x12: {  	s20 =	sadd.s32 s2, s24;
	s28 =	smax.u32 s4, $0x1;
	[dreg:$0x10] =	wrdreg s25  }
0x13: {  	s4 =	simm.s32 $0x2;
	s5 =	sadd.s32 s2, s19;
	[dreg:$0x11] =	wrdreg s7  }
0x14: {  	s17 =	sadd.s32 s0, s24;
	s18 =	sadd.s32 s2, s23;
	s21 =	sadd.s32 s0, s13  }
0x15: {  	s22 =	sadd.s32 s0, s26;
	s23 =	sadd.s32 s0, s1;
	s24 =	sadd.s32 s2, s26  }
0x16: {  	s25 =	sadd.s32 s2, s1;
	s26 =	sadd.s32 s2, s13;
	s19 =	simm.s32 $0x20000  }
0x17: {  	s1 =	simm.s32 $0x680;
	s2 =	simm.s32 $0x6680;
	s0 =	simm.s32 $0xC680  }
0x18: {  	s7 =	simm.s32 $0x4;
	s8 =	simm.s32 $0x5;
	[dreg:$0xf] =	wrdreg s5  }
0x19: {  	v0 =	vimm.f32 $0.0e+00;
	s9 =	simm.s32 $0x6;
	s5 =	simm.s32 $0x12680;
	_ =	strace $0x80000047  }
.LBB2_1:
0x1a: {  	[tilespmem:$0x5F0] =	vst v0  }
0x1b: {  	[tilespmem:$0x600] =	vst v0;
	s11 =	rddreg [dreg:$0x1]  }
0x1c: {  	[tilespmem:s3], [sflag:$0x7] =	stream.linear.gather [hbm4b:s11+s3], $0x400, $0x38;
	[tilespmem:$0x1E680] =	vst v63  }
0x1d: {  	_ =	swait.ge [sflag:s29], $0x400  }
0x1e: {  	[sflag:s29] =	ssyncset.done $0x0  }
0x1f: {  	[sflag:s29] =	ssyncadd.s32 $0xFFFFFC00  }
0x20: {  	s12 =	simm.s32 $0x400;
	s13 =	rddreg [dreg:$0x2]  }
0x21: {  	[tilespmem:s12], [sflag:$0x7] =	stream.linear.gather [hbm4b:s13+s3], $0x1F4, $0x38;
	[tilespmem:$0x1E680] =	vst v63  }
0x22: {  	_ =	swait.ge [sflag:s29], $0x1F4  }
0x23: {  	[sflag:s29] =	ssyncset.done $0x0  }
0x24: {  	[sflag:s29] =	ssyncadd.s32 $0xFFFFFE0C  }
0x25: {  	v1 =	vld [tilespmem:$0x0]  }
0x26: {  	v2 =	vld [tilespmem:$0x10]  }
0x27: {  	v3 =	vld [tilespmem:$0x20]  }
0x28: {  	v4 =	vld [tilespmem:$0x30]  }
0x29: {  	v5 =	vld [tilespmem:$0x40]  }
0x2a: {  	v6 =	vld [tilespmem:$0x50];
	v1 =	vmul.f32 $1.442695020e+00, v1  }
0x2b: {  	v7 =	vld [tilespmem:$0x60];
	v2 =	vmul.f32 $1.442695020e+00, v2  }
0x2c: {  	(erf) = vpow2.f32 v1;
	v1 =	vmul.f32 $1.442695020e+00, v3;
	v3 =	vld [tilespmem:$0x70]  }
0x2d: {  	v15 =	vld [tilespmem:$0x80];
	(erf) = vpow2.f32 v2;
	v2 =	vmul.f32 $1.442695020e+00, v4  }
0x2e: {  	v16 =	vld [tilespmem:$0x90];
	(erf) = vpow2.f32 v1;
	v1 =	vmul.f32 $1.442695020e+00, v5  }
0x2f: {  	v17 =	vld [tilespmem:$0xA0];
	(erf) = vpow2.f32 v2;
	v2 =	vmul.f32 $1.442695020e+00, v6  }
0x30: {  	v18 =	vld [tilespmem:$0xB0];
	(erf) = vpow2.f32 v1;
	v1 =	vmul.f32 $1.442695020e+00, v7  }
0x31: {  	(erf) = vpow2.f32 v2;
	v2 =	vmul.f32 $1.442695020e+00, v3;
	v3 =	vld [tilespmem:$0xC0]  }
0x32: {  	v19 =	vld [tilespmem:$0xD0];
	(erf) = vpow2.f32 v1;
	v1 =	vmul.f32 $1.442695020e+00, v15  }
0x33: {  	v20 =	vld [tilespmem:$0xE0];
	(erf) = vpow2.f32 v2;
	v2 =	vmul.f32 $1.442695020e+00, v16  }
0x34: {  	v21 =	vld [tilespmem:$0xF0];
	(erf) = vpow2.f32 v1;
	v1 =	vmul.f32 $1.442695020e+00, v17  }
0x35: {  	v22 =	vld [tilespmem:$0x100];
	v8 =	vpop (erf);
	(erf) = vpow2.f32 v2;
	v2 =	vmul.f32 $1.442695020e+00, v18  }
0x36: {  	v23 =	vpop (erf);
	(erf) = vpow2.f32 v1;
	v1 =	vmul.f32 $1.442695020e+00, v3;
	v3 =	vld [tilespmem:$0x110]  }
0x37: {  	v25 =	vld [tilespmem:$0x120];
	[tilespmem:$0x0] =	vst v8;
	v24 =	vpop (erf);
	(erf) = vpow2.f32 v2;
	v2 =	vmul.f32 $1.442695020e+00, v19  }
0x38: {  	v27 =	vld [tilespmem:$0x130];
	[tilespmem:$0x10] =	vst v23;
	v26 =	vpop (erf);
	(erf) = vpow2.f32 v1;
	v1 =	vmul.f32 $1.442695020e+00, v20  }
0x39: {  	v29 =	vld [tilespmem:$0x140];
	[tilespmem:$0x20] =	vst v24;
	v28 =	vpop (erf);
	(erf) = vpow2.f32 v2;
	v2 =	vmul.f32 $1.442695020e+00, v21  }
0x3a: {  	v31 =	vld [tilespmem:$0x150];
	[tilespmem:$0x30] =	vst v26;
	v30 =	vpop (erf);
	(erf) = vpow2.f32 v1;
	v1 =	vmul.f32 $1.442695020e+00, v22  }
0x3b: {  	[tilespmem:$0x40] =	vst v28;
	v32 =	vpop (erf);
	(erf) = vpow2.f32 v2;
	v2 =	vmul.f32 $1.442695020e+00, v3;
	v3 =	vld [tilespmem:$0x160]  }
0x3c: {  	v34 =	vld [tilespmem:$0x170];
	[tilespmem:$0x50] =	vst v30;
	v33 =	vpop (erf);
	(erf) = vpow2.f32 v1;
	v1 =	vmul.f32 $1.442695020e+00, v25  }
0x3d: {  	v36 =	vld [tilespmem:$0x180];
	[tilespmem:$0x60] =	vst v32;
	v35 =	vpop (erf);
	(erf) = vpow2.f32 v2;
	v2 =	vmul.f32 $1.442695020e+00, v27  }
0x3e: {  	v38 =	vld [tilespmem:$0x190];
	[tilespmem:$0x70] =	vst v33;
	v37 =	vpop (erf);
	(erf) = vpow2.f32 v1;
	v1 =	vmul.f32 $1.442695020e+00, v29  }
0x3f: {  	v40 =	vld [tilespmem:$0x1A0];
	[tilespmem:$0x80] =	vst v35;
	v39 =	vpop (erf);
	(erf) = vpow2.f32 v2;
	v2 =	vmul.f32 $1.442695020e+00, v31  }
0x40: {  	[tilespmem:$0x90] =	vst v37;
	v41 =	vpop (erf);
	(erf) = vpow2.f32 v1;
	v1 =	vmul.f32 $1.442695020e+00, v3;
	v3 =	vld [tilespmem:$0x1B0]  }
0x41: {  	v43 =	vld [tilespmem:$0x1C0];
	[tilespmem:$0xA0] =	vst v39;
	v42 =	vpop (erf);
	(erf) = vpow2.f32 v2;
	v2 =	vmul.f32 $1.442695020e+00, v34  }
0x42: {  	v45 =	vld [tilespmem:$0x1D0];
	[tilespmem:$0xB0] =	vst v41;
	v44 =	vpop (erf);
	(erf) = vpow2.f32 v1;
	v1 =	vmul.f32 $1.442695020e+00, v36  }
0x43: {  	v47 =	vld [tilespmem:$0x1E0];
	[tilespmem:$0xC0] =	vst v42;
	v46 =	vpop (erf);
	(erf) = vpow2.f32 v2;
	v2 =	vmul.f32 $1.442695020e+00, v38  }
0x44: {  	v49 =	vld [tilespmem:$0x1F0];
	[tilespmem:$0xD0] =	vst v44;
	v48 =	vpop (erf);
	(erf) = vpow2.f32 v1;
	v1 =	vmul.f32 $1.442695020e+00, v40  }
0x45: {  	[tilespmem:$0xE0] =	vst v46;
	v50 =	vpop (erf);
	(erf) = vpow2.f32 v2;
	v2 =	vmul.f32 $1.442695020e+00, v3;
	v3 =	vld [tilespmem:$0x200]  }
0x46: {  	v52 =	vld [tilespmem:$0x210];
	[tilespmem:$0xF0] =	vst v48;
	v51 =	vpop (erf);
	(erf) = vpow2.f32 v1;
	v1 =	vmul.f32 $1.442695020e+00, v43  }
0x47: {  	v54 =	vld [tilespmem:$0x220];
	[tilespmem:$0x100] =	vst v50;
	v53 =	vpop (erf);
	(erf) = vpow2.f32 v2;
	v2 =	vmul.f32 $1.442695020e+00, v45  }
0x48: {  	v56 =	vld [tilespmem:$0x230];
	[tilespmem:$0x110] =	vst v51;
	v55 =	vpop (erf);
	(erf) = vpow2.f32 v1;
	v1 =	vmul.f32 $1.442695020e+00, v47  }
0x49: {  	v58 =	vld [tilespmem:$0x240];
	[tilespmem:$0x120] =	vst v53;
	v57 =	vpop (erf);
	(erf) = vpow2.f32 v2;
	v2 =	vmul.f32 $1.442695020e+00, v49  }
0x4a: {  	[tilespmem:$0x130] =	vst v55;
	v59 =	vpop (erf);
	(erf) = vpow2.f32 v1;
	v1 =	vmul.f32 $1.442695020e+00, v3;
	v3 =	vld [tilespmem:$0x250]  }
0x4b: {  	v61 =	vld [tilespmem:$0x260];
	[tilespmem:$0x140] =	vst v57;
	v60 =	vpop (erf);
	(erf) = vpow2.f32 v2;
	v2 =	vmul.f32 $1.442695020e+00, v52  }
0x4c: {  	v63 =	vld [tilespmem:$0x270];
	[tilespmem:$0x150] =	vst v59;
	v62 =	vpop (erf);
	(erf) = vpow2.f32 v1;
	v1 =	vmul.f32 $1.442695020e+00, v54  }
0x4d: {  	v13 =	vld [tilespmem:$0x280];
	[tilespmem:$0x160] =	vst v60;
	v12 =	vpop (erf);
	(erf) = vpow2.f32 v2;
	v2 =	vmul.f32 $1.442695020e+00, v56  }
0x4e: {  	v15 =	vld [tilespmem:$0x290];
	[tilespmem:$0x170] =	vst v62;
	v14 =	vpop (erf);
	(erf) = vpow2.f32 v1;
	v1 =	vmul.f32 $1.442695020e+00, v58  }
0x4f: {  	[tilespmem:$0x180] =	vst v12;
	v16 =	vpop (erf);
	(erf) = vpow2.f32 v2;
	v2 =	vmul.f32 $1.442695020e+00, v3;
	v3 =	vld [tilespmem:$0x2A0]  }
0x50: {  	v18 =	vld [tilespmem:$0x2B0];
	[tilespmem:$0x190] =	vst v14;
	v17 =	vpop (erf);
	(erf) = vpow2.f32 v1;
	v1 =	vmul.f32 $1.442695020e+00, v61  }
0x51: {  	v20 =	vld [tilespmem:$0x2C0];
	[tilespmem:$0x1A0] =	vst v16;
	v19 =	vpop (erf);
	(erf) = vpow2.f32 v2;
	v2 =	vmul.f32 $1.442695020e+00, v63  }
0x52: {  	v22 =	vld [tilespmem:$0x2D0];
	[tilespmem:$0x1B0] =	vst v17;
	v21 =	vpop (erf);
	(erf) = vpow2.f32 v1;
	v1 =	vmul.f32 $1.442695020e+00, v13  }
0x53: {  	v24 =	vld [tilespmem:$0x2E0];
	[tilespmem:$0x1C0] =	vst v19;
	v23 =	vpop (erf);
	(erf) = vpow2.f32 v2;
	v2 =	vmul.f32 $1.442695020e+00, v15  }
0x54: {  	[tilespmem:$0x1D0] =	vst v21;
	v25 =	vpop (erf);
	(erf) = vpow2.f32 v1;
	v1 =	vmul.f32 $1.442695020e+00, v3;
	v3 =	vld [tilespmem:$0x2F0]  }
0x55: {  	v27 =	vld [tilespmem:$0x300];
	[tilespmem:$0x1E0] =	vst v23;
	v26 =	vpop (erf);
	(erf) = vpow2.f32 v2;
	v2 =	vmul.f32 $1.442695020e+00, v18  }
0x56: {  	v29 =	vld [tilespmem:$0x310];
	[tilespmem:$0x1F0] =	vst v25;
	v28 =	vpop (erf);
	(erf) = vpow2.f32 v1;
	v1 =	vmul.f32 $1.442695020e+00, v20  }
0x57: {  	v31 =	vld [tilespmem:$0x320];
	[tilespmem:$0x200] =	vst v26;
	v30 =	vpop (erf);
	(erf) = vpow2.f32 v2;
	v2 =	vmul.f32 $1.442695020e+00, v22  }
0x58: {  	v33 =	vld [tilespmem:$0x330];
	[tilespmem:$0x210] =	vst v28;
	v32 =	vpop (erf);
	(erf) = vpow2.f32 v1;
	v1 =	vmul.f32 $1.442695020e+00, v24  }
0x59: {  	[tilespmem:$0x220] =	vst v30;
	v34 =	vpop (erf);
	(erf) = vpow2.f32 v2;
	v2 =	vmul.f32 $1.442695020e+00, v3;
	v3 =	vld [tilespmem:$0x340]  }
0x5a: {  	v36 =	vld [tilespmem:$0x350];
	[tilespmem:$0x230] =	vst v32;
	v35 =	vpop (erf);
	(erf) = vpow2.f32 v1;
	v1 =	vmul.f32 $1.442695020e+00, v27  }
0x5b: {  	v38 =	vld [tilespmem:$0x360];
	[tilespmem:$0x240] =	vst v34;
	v37 =	vpop (erf);
	(erf) = vpow2.f32 v2;
	v2 =	vmul.f32 $1.442695020e+00, v29  }
0x5c: {  	v40 =	vld [tilespmem:$0x370];
	[tilespmem:$0x250] =	vst v35;
	v39 =	vpop (erf);
	(erf) = vpow2.f32 v1;
	v1 =	vmul.f32 $1.442695020e+00, v31  }
0x5d: {  	v42 =	vld [tilespmem:$0x380];
	[tilespmem:$0x260] =	vst v37;
	v41 =	vpop (erf);
	(erf) = vpow2.f32 v2;
	v2 =	vmul.f32 $1.442695020e+00, v33  }
0x5e: {  	[tilespmem:$0x270] =	vst v39;
	v43 =	vpop (erf);
	(erf) = vpow2.f32 v1;
	v1 =	vmul.f32 $1.442695020e+00, v3;
	v3 =	vld [tilespmem:$0x390]  }
0x5f: {  	v45 =	vld [tilespmem:$0x3A0];
	[tilespmem:$0x280] =	vst v41;
	v44 =	vpop (erf);
	(erf) = vpow2.f32 v2;
	v2 =	vmul.f32 $1.442695020e+00, v36  }
0x60: {  	v47 =	vld [tilespmem:$0x3B0];
	[tilespmem:$0x290] =	vst v43;
	v46 =	vpop (erf);
	(erf) = vpow2.f32 v1;
	v1 =	vmul.f32 $1.442695020e+00, v38  }
0x61: {  	v49 =	vld [tilespmem:$0x3C0];
	[tilespmem:$0x2A0] =	vst v44;
	v48 =	vpop (erf);
	(erf) = vpow2.f32 v2;
	v2 =	vmul.f32 $1.442695020e+00, v40  }
0x62: {  	v51 =	vld [tilespmem:$0x3D0];
	[tilespmem:$0x2B0] =	vst v46;
	v50 =	vpop (erf);
	(erf) = vpow2.f32 v1;
	v1 =	vmul.f32 $1.442695020e+00, v42  }
0x63: {  	[tilespmem:$0x2C0] =	vst v48;
	v52 =	vpop (erf);
	(erf) = vpow2.f32 v2;
	v2 =	vmul.f32 $1.442695020e+00, v3;
	v3 =	vld [tilespmem:$0x3E0]  }
0x64: {  	v54 =	vld [tilespmem:$0x3F0];
	[tilespmem:$0x2D0] =	vst v50;
	v53 =	vpop (erf);
	(erf) = vpow2.f32 v1;
	v1 =	vmul.f32 $1.442695020e+00, v45  }
0x65: {  	v56 =	vld [tilespmem:$0x400];
	[tilespmem:$0x2E0] =	vst v52;
	v55 =	vpop (erf);
	(erf) = vpow2.f32 v2;
	v2 =	vmul.f32 $1.442695020e+00, v47  }
0x66: {  	v58 =	vld [tilespmem:$0x410];
	[tilespmem:$0x2F0] =	vst v53;
	v57 =	vpop (erf);
	(erf) = vpow2.f32 v1;
	v1 =	vmul.f32 $1.442695020e+00, v49  }
0x67: {  	v60 =	vld [tilespmem:$0x420];
	[tilespmem:$0x300] =	vst v55;
	v59 =	vpop (erf);
	(erf) = vpow2.f32 v2;
	v2 =	vmul.f32 $1.442695020e+00, v51  }
0x68: {  	[tilespmem:$0x310] =	vst v57;
	v61 =	vpop (erf);
	(erf) = vpow2.f32 v1;
	v1 =	vmul.f32 $1.442695020e+00, v3;
	v3 =	vld [tilespmem:$0x430]  }
0x69: {  	v63 =	vld [tilespmem:$0x440];
	[tilespmem:$0x320] =	vst v59;
	v62 =	vpop (erf);
	(erf) = vpow2.f32 v2;
	v2 =	vmul.f32 $1.442695020e+00, v54  }
0x6a: {  	v13 =	vld [tilespmem:$0x450];
	[tilespmem:$0x330] =	vst v61;
	v12 =	vpop (erf);
	(erf) = vpow2.f32 v1;
	v1 =	vmul.f32 $1.442695020e+00, v56  }
0x6b: {  	v15 =	vld [tilespmem:$0x460];
	[tilespmem:$0x340] =	vst v62;
	v14 =	vpop (erf);
	(erf) = vpow2.f32 v2;
	v2 =	vmul.f32 $1.442695020e+00, v58  }
0x6c: {  	v17 =	vld [tilespmem:$0x470];
	[tilespmem:$0x350] =	vst v12;
	v16 =	vpop (erf);
	(erf) = vpow2.f32 v1;
	v1 =	vmul.f32 $1.442695020e+00, v60  }
0x6d: {  	[tilespmem:$0x360] =	vst v14;
	v18 =	vpop (erf);
	(erf) = vpow2.f32 v2;
	v2 =	vmul.f32 $1.442695020e+00, v3;
	v3 =	vld [tilespmem:$0x480]  }
0x6e: {  	v20 =	vld [tilespmem:$0x490];
	[tilespmem:$0x370] =	vst v16;
	v19 =	vpop (erf);
	(erf) = vpow2.f32 v1;
	v1 =	vmul.f32 $1.442695020e+00, v63  }
0x6f: {  	v22 =	vld [tilespmem:$0x4A0];
	[tilespmem:$0x380] =	vst v18;
	v21 =	vpop (erf);
	(erf) = vpow2.f32 v2;
	v2 =	vmul.f32 $1.442695020e+00, v13  }
0x70: {  	v24 =	vld [tilespmem:$0x4B0];
	[tilespmem:$0x390] =	vst v19;
	v23 =	vpop (erf);
	(erf) = vpow2.f32 v1;
	v1 =	vmul.f32 $1.442695020e+00, v15  }
0x71: {  	v26 =	vld [tilespmem:$0x4C0];
	[tilespmem:$0x3A0] =	vst v21;
	v25 =	vpop (erf);
	(erf) = vpow2.f32 v2;
	v2 =	vmul.f32 $1.442695020e+00, v17  }
0x72: {  	[tilespmem:$0x3B0] =	vst v23;
	v27 =	vpop (erf);
	(erf) = vpow2.f32 v1;
	v1 =	vmul.f32 $1.442695020e+00, v3;
	v3 =	vld [tilespmem:$0x4D0]  }
0x73: {  	v29 =	vld [tilespmem:$0x4E0];
	[tilespmem:$0x3C0] =	vst v25;
	v28 =	vpop (erf);
	(erf) = vpow2.f32 v2;
	v2 =	vmul.f32 $1.442695020e+00, v20  }
0x74: {  	v31 =	vld [tilespmem:$0x4F0];
	[tilespmem:$0x3D0] =	vst v27;
	v30 =	vpop (erf);
	(erf) = vpow2.f32 v1;
	v1 =	vmul.f32 $1.442695020e+00, v22  }
0x75: {  	v33 =	vld [tilespmem:$0x500];
	[tilespmem:$0x3E0] =	vst v28;
	v32 =	vpop (erf);
	(erf) = vpow2.f32 v2;
	v2 =	vmul.f32 $1.442695020e+00, v24  }
0x76: {  	v35 =	vld [tilespmem:$0x510];
	[tilespmem:$0x3F0] =	vst v30;
	v34 =	vpop (erf);
	(erf) = vpow2.f32 v1;
	v1 =	vmul.f32 $1.442695020e+00, v26  }
0x77: {  	[tilespmem:$0x400] =	vst v32;
	v36 =	vpop (erf);
	(erf) = vpow2.f32 v2;
	v2 =	vmul.f32 $1.442695020e+00, v3;
	v3 =	vld [tilespmem:$0x520]  }
0x78: {  	v38 =	vld [tilespmem:$0x530];
	[tilespmem:$0x410] =	vst v34;
	v37 =	vpop (erf);
	(erf) = vpow2.f32 v1;
	v1 =	vmul.f32 $1.442695020e+00, v29  }
0x79: {  	v40 =	vld [tilespmem:$0x540];
	[tilespmem:$0x420] =	vst v36;
	v39 =	vpop (erf);
	(erf) = vpow2.f32 v2;
	v2 =	vmul.f32 $1.442695020e+00, v31  }
0x7a: {  	v42 =	vld [tilespmem:$0x550];
	[tilespmem:$0x430] =	vst v37;
	v41 =	vpop (erf);
	(erf) = vpow2.f32 v1;
	v1 =	vmul.f32 $1.442695020e+00, v33  }
0x7b: {  	v44 =	vld [tilespmem:$0x560];
	[tilespmem:$0x440] =	vst v39;
	v43 =	vpop (erf);
	(erf) = vpow2.f32 v2;
	v2 =	vmul.f32 $1.442695020e+00, v35  }
0x7c: {  	[tilespmem:$0x450] =	vst v41;
	v45 =	vpop (erf);
	(erf) = vpow2.f32 v1;
	v1 =	vmul.f32 $1.442695020e+00, v3;
	v3 =	vld [tilespmem:$0x570]  }
0x7d: {  	v47 =	vld [tilespmem:$0x580];
	[tilespmem:$0x460] =	vst v43;
	v46 =	vpop (erf);
	(erf) = vpow2.f32 v2;
	v2 =	vmul.f32 $1.442695020e+00, v38  }
0x7e: {  	v49 =	vld [tilespmem:$0x590];
	[tilespmem:$0x470] =	vst v45;
	v48 =	vpop (erf);
	(erf) = vpow2.f32 v1;
	v1 =	vmul.f32 $1.442695020e+00, v40  }
0x7f: {  	v51 =	vld [tilespmem:$0x5A0];
	[tilespmem:$0x480] =	vst v46;
	v50 =	vpop (erf);
	(erf) = vpow2.f32 v2;
	v2 =	vmul.f32 $1.442695020e+00, v42  }
0x80: {  	v53 =	vld [tilespmem:$0x5B0];
	[tilespmem:$0x490] =	vst v48;
	v52 =	vpop (erf);
	(erf) = vpow2.f32 v1;
	v1 =	vmul.f32 $1.442695020e+00, v44  }
0x81: {  	[tilespmem:$0x4A0] =	vst v50;
	v54 =	vpop (erf);
	(erf) = vpow2.f32 v2;
	v2 =	vmul.f32 $1.442695020e+00, v3;
	v3 =	vld [tilespmem:$0x5C0]  }
0x82: {  	v56 =	vld [tilespmem:$0x5D0];
	[tilespmem:$0x4B0] =	vst v52;
	v55 =	vpop (erf);
	(erf) = vpow2.f32 v1;
	v1 =	vmul.f32 $1.442695020e+00, v47  }
0x83: {  	v58 =	vld [tilespmem:$0x5E0];
	[tilespmem:$0x4C0] =	vst v54;
	v57 =	vpop (erf);
	(erf) = vpow2.f32 v2;
	v2 =	vmul.f32 $1.442695020e+00, v49  }
0x84: {  	v60 =	vld [tilespmem:$0x5F0];
	[tilespmem:$0x4D0] =	vst v55;
	v59 =	vpop (erf);
	(erf) = vpow2.f32 v1;
	v1 =	vmul.f32 $1.442695020e+00, v51  }
0x85: {  	v62 =	vld [tilespmem:$0x600];
	[tilespmem:$0x4E0] =	vst v57;
	v61 =	vpop (erf);
	(erf) = vpow2.f32 v2;
	v2 =	vmul.f32 $1.442695020e+00, v53  }
0x86: {  	[tilespmem:$0x4F0] =	vst v59;
	v63 =	vpop (erf);
	(erf) = vpow2.f32 v1;
	v1 =	vmul.f32 $1.442695020e+00, v3  }
0x87: {  	[tilespmem:$0x500] =	vst v61;
	v3 =	vpop (erf);
	(erf) = vpow2.f32 v2;
	v2 =	vmul.f32 $1.442695020e+00, v56  }
0x88: {  	[tilespmem:$0x520] =	vst v3;
	v3 =	vpop (erf);
	(erf) = vpow2.f32 v1;
	v1 =	vmul.f32 $1.442695020e+00, v58  }
0x89: {  	[tilespmem:$0x530] =	vst v3;
	v3 =	vpop (erf);
	(erf) = vpow2.f32 v2;
	v2 =	vmul.f32 $1.442695020e+00, v60  }
0x8a: {  	[tilespmem:$0x540] =	vst v3;
	v3 =	vpop (erf);
	(erf) = vpow2.f32 v1;
	v1 =	vmul.f32 $1.442695020e+00, v62  }
0x8b: {  	[tilespmem:$0x510] =	vst v63  }
0x8c: {  	[tilespmem:$0x550] =	vst v3;
	v3 =	vpop (erf);
	(erf) = vpow2.f32 v2  }
0x8d: {  	[tilespmem:$0x560] =	vst v3;
	v2 =	vpop (erf);
	(erf) = vpow2.f32 v1  }
0x8e: {  	v1 =	vpop (erf);
	[tilespmem:$0x570] =	vst v2  }
0x8f: {  	v2 =	vpop (erf);
	[tilespmem:$0x580] =	vst v1  }
0x90: {  	v1 =	vpop (erf);
	[tilespmem:$0x590] =	vst v2  }
0x91: {  	v2 =	vpop (erf);
	[tilespmem:$0x5A0] =	vst v1  }
0x92: {  	v1 =	vpop (erf);
	[tilespmem:$0x5B0] =	vst v2  }
0x93: {  	v2 =	vpop (erf);
	[tilespmem:$0x5C0] =	vst v1  }
0x94: {  	v1 =	vpop (erf);
	[tilespmem:$0x5D0] =	vst v2  }
0x95: {  	v2 =	vpop (erf);
	[tilespmem:$0x5E0] =	vst v1  }
0x96: {  	[tilespmem:$0x5F0] =	vst v2;
	v1 =	vpop (erf)  }
0x97: {  	s14 =	simm.s32 $0x18680;
	[tilespmem:$0x600] =	vst v1  }
0x98: {  	[tilespmem:s14], [sflag:$0x5] =	stream.strided.gather [hbm4b:s21+s31], $0x3000, s19, s31, $0x38;
	[tilespmem:$0x1E680] =	vst v63  }
0x99: {  	s15 =	rddreg [dreg:$0x5]  }
0x9a: {  	[tilespmem:s1], [sflag:$0x1] =	stream.strided.gather [hbm4b:s15+s31], $0x6000, s19, s31, $0x38;
	[tilespmem:$0x1E680] =	vst v63  }
0x9b: {  	s16 =	rddreg [dreg:$0x6]  }
0x9c: {  	[tilespmem:s2], [sflag:$0x2] =	stream.strided.gather [hbm4b:s16+s31], $0x6000, s19, s31, $0x38;
	[tilespmem:$0x1E680] =	vst v63  }
0x9d: {  	_ =	swait.ge [sflag:s30], $0x6000  }
0x9e: {  	s11 =	simm.s32 $0x0;
	[sflag:s30] =	ssyncset.done $0x0  }
0x9f: {  	s12 =	simm.s32 $0x0;
	s13 =	simm.s32 $0x0;
	[sflag:s30] =	ssyncadd.s32 $0xFFFFA000  }
.LBB2_2:
0xa0: {  	s14 =	sshll.u32 s12, $0x2;
	s15 =	sand.u32 $0x7, s11  }
0xa1: {  	s14 =	sand.u32 $0xFFFFC000, s14;
	s15 =	sshll.u32 s15, $0x9  }
0xa2: {  	s14 =	sor.u32 s15, s14  }
0xa3: {  	s14 =	sshrl.u32 s14, $0x2  }
0xa4: {  	v1 =	vld.msk [tilespmem:s13+$0x400 ss:$0x0], $0xffff;
	s16 =	sadd.s32 $0x6C0, s14  }
0xa5: {  	v2 =	vld [tilespmem:s16+$0x30]  }
0xa6: {  	v3 =	vld [tilespmem:s16+$0xFFFFFFD0]  }
0xa7: {  	v4 =	vld [tilespmem:s16+$0xFFFFFFE0]  }
0xa8: {  	v5 =	vld [tilespmem:s16+$0xFFFFFFF0]  }
0xa9: {  	v8 =	vld [tilespmem:s16+$0x0]  }
0xaa: {  	v9 =	vld [tilespmem:s16+$0x10]  }
0xab: {  	v10 =	vld [tilespmem:s16+$0x20]  }
0xac: {  	v11 =	vld [tilespmem:s16+$0xFFFFFFC0]  }
0xad: {  	v12 =	vld.idx.msk [tilespmem:v2+s3+$0x0], $0xffff  }
0xae: {  	v13 =	vld.idx.msk [tilespmem:v3+s3+$0x0], $0xffff  }
0xaf: {  	v7 =	vld.idx.msk [tilespmem:v4+s3+$0x0], $0xffff  }
0xb0: {  	v6 =	vld.idx.msk [tilespmem:v5+s3+$0x0], $0xffff  }
0xb1: {  	v5 =	vld.idx.msk [tilespmem:v8+s3+$0x0], $0xffff  }
0xb2: {  	v3 =	vld.idx.msk [tilespmem:v9+s3+$0x0], $0xffff  }
0xb3: {  	v2 =	vld.idx.msk [tilespmem:v10+s3+$0x0], $0xffff;
	v8 =	vmul.f32 v12, v1  }
0xb4: {  	s15 =	simm.s32 $0x0;
	s14 =	sadd.s32 $0xC6C0, s14;
	s16 =	sadd.s32 $0x400, s16;
	v4 =	vld.idx.msk [tilespmem:v11+s3+$0x0], $0xffff;
	v9 =	vmul.f32 v13, v1  }
.LBB2_3:
0xb5: {  	v10 =	vld [tilespmem:s16+$0x30];
	s15 =	sadd.s32 $0x8, s15;
	v7 =	vmul.f32 v7, v1;
	[tilespmem:s14+$0x30] =	vst v8  }
0xb6: {  	v6 =	vmul.f32 v6, v1;
	v8 =	vld [tilespmem:s16+$0xFFFFFFD0];
	p0 =	slt.u32 s15, $0x18;
	[tilespmem:s14+$0xFFFFFFD0] =	vst v9  }
0xb7: {  	v5 =	vmul.f32 v5, v1;
	v9 =	vld [tilespmem:s16+$0xFFFFFFE0];
	[tilespmem:s14+$0xFFFFFFE0] =	vst v7  }
0xb8: {  	v3 =	vmul.f32 v3, v1;
	v11 =	vld [tilespmem:s16+$0xFFFFFFF0];
	[tilespmem:s14+$0xFFFFFFF0] =	vst v6  }
0xb9: {  	v2 =	vmul.f32 v2, v1;
	v12 =	vld [tilespmem:s16+$0x0];
	[tilespmem:s14+$0x0] =	vst v5  }
0xba: {  	v4 =	vmul.f32 v4, v1;
	v13 =	vld [tilespmem:s16+$0x10];
	[tilespmem:s14+$0x10] =	vst v3  }
0xbb: {  	v14 =	vld [tilespmem:s16+$0x20];
	[tilespmem:s14+$0x20] =	vst v2  }
0xbc: {  	v15 =	vld [tilespmem:s16+$0xFFFFFFC0];
	[tilespmem:s14+$0xFFFFFFC0] =	vst v4  }
0xbd: {  	v4 =	vld.idx.msk [tilespmem:v10+s3+$0x0], $0xffff  }
0xbe: {  	v10 =	vld.idx.msk [tilespmem:v8+s3+$0x0], $0xffff  }
0xbf: {  	v7 =	vld.idx.msk [tilespmem:v9+s3+$0x0], $0xffff  }
.Ltmp0:
0xc0: {  	v6 =	vld.idx.msk [tilespmem:v11+s3+$0x0], $0xffff;
	(pc) =	sbr.rel @p0 .LBB2_3-.Ltmp0, $4  }
0xc1: {  	v5 =	vld.idx.msk [tilespmem:v12+s3+$0x0], $0xffff  }
0xc2: {  	v3 =	vld.idx.msk [tilespmem:v13+s3+$0x0], $0xffff  }
0xc3: {  	v8 =	vmul.f32 v4, v1;
	v2 =	vld.idx.msk [tilespmem:v14+s3+$0x0], $0xffff  }
0xc4: {  	s16 =	sadd.s32 $0x400, s16;
	s14 =	sadd.s32 $0x400, s14;
	v9 =	vmul.f32 v10, v1;
	v4 =	vld.idx.msk [tilespmem:v15+s3+$0x0], $0xffff  }
0xc5: {  	v7 =	vmul.f32 v7, v1;
	[tilespmem:s14+$0x30] =	vst v8  }
0xc6: {  	v6 =	vmul.f32 v6, v1;
	s13 =	sadd.s32 $0x1, s13;
	[tilespmem:s14+$0xFFFFFFD0] =	vst v9  }
0xc7: {  	v5 =	vmul.f32 v5, v1;
	p0 =	sne.s32 s13, $0x30;
	[tilespmem:s14+$0xFFFFFFE0] =	vst v7  }
.Ltmp1:
0xc8: {  	[tilespmem:s14+$0xFFFFFFF0] =	vst v6;
	v3 =	vmul.f32 v3, v1;
	(pc) =	sbr.rel @p0 .LBB2_2-.Ltmp1, $4  }
0xc9: {  	[tilespmem:s14+$0x0] =	vst v5;
	v2 =	vmul.f32 v2, v1  }
0xca: {  	v1 =	vmul.f32 v4, v1;
	[tilespmem:s14+$0x10] =	vst v3  }
0xcb: {  	[tilespmem:s14+$0x20] =	vst v2  }
0xcc: {  	s12 =	sadd.s32 $0x200, s12;
	s11 =	sadd.s32 $0x1, s11;
	[tilespmem:s14+$0xFFFFFFC0] =	vst v1  }
0xcd: {  	s11 =	rddreg [dreg:$0x7]  }
0xce: {  	[hbm4b:s11+s31] =	stream.strided.scatter [tilespmem:s0], [sflag:$0x3], $0x6000, s19, s31, $0x38;
	[tilespmem:$0x1E680] =	vst v63  }
0xcf: {  	s16 =	rddreg [dreg:$0x8]  }
0xd0: {  	[tilespmem:s1], [sflag:$0x1] =	stream.strided.gather [hbm4b:s16+s31], $0x6000, s19, s31, $0x38;
	[tilespmem:$0x1E680] =	vst v63  }
0xd1: {  	_ =	swait.ge [sflag:s4], $0x6000  }
0xd2: {  	s12 =	simm.s32 $0x0;
	[sflag:s4] =	ssyncset.done $0x0  }
0xd3: {  	s13 =	simm.s32 $0x0;
	s11 =	simm.s32 $0x0;
	[sflag:s4] =	ssyncadd.s32 $0xFFFFA000  }
.LBB2_6:
0xd4: {  	s14 =	sand.u32 $0x7, s12  }
0xd5: {  	s14 =	sshll.u32 s14, $0x9  }
0xd6: {  	s14 =	sshrl.u32 s14, $0x2  }
0xd7: {  	v1 =	vmov s14;
	_ =	sdelay $0x2  }
0xd8: {  	s15 =	sand.u32 $0x3FFFF000, s11  }
0xd9: {  	v2 =	vld.msk [tilespmem:s13+$0x430 ss:$0x0], $0xffff;
	s16 =	sor.u32 $0x680, s15  }
0xda: {  	v3 =	vld.idx.msk [tilespmem:v1+s16+$0x6070 ss:$0x1], $0xffff  }
0xdb: {  	v4 =	vld.idx.msk [tilespmem:v1+s16+$0x6010 ss:$0x1], $0xffff  }
0xdc: {  	v5 =	vld.idx.msk [tilespmem:v1+s16+$0x6020 ss:$0x1], $0xffff  }
0xdd: {  	v6 =	vld.idx.msk [tilespmem:v1+s16+$0x6030 ss:$0x1], $0xffff  }
0xde: {  	v9 =	vld.idx.msk [tilespmem:v1+s16+$0x6040 ss:$0x1], $0xffff  }
0xdf: {  	v10 =	vld.idx.msk [tilespmem:v1+s16+$0x6050 ss:$0x1], $0xffff  }
0xe0: {  	v11 =	vld.idx.msk [tilespmem:v1+s16+$0x6060 ss:$0x1], $0xffff  }
0xe1: {  	v12 =	vld.idx.msk [tilespmem:v1+s16+$0x6000 ss:$0x1], $0xffff  }
0xe2: {  	v13 =	vld.idx.msk [tilespmem:v3+s3+$0x0], $0xffff  }
0xe3: {  	v14 =	vld.idx.msk [tilespmem:v4+s3+$0x0], $0xffff  }
0xe4: {  	v8 =	vld.idx.msk [tilespmem:v5+s3+$0x0], $0xffff  }
0xe5: {  	v7 =	vld.idx.msk [tilespmem:v6+s3+$0x0], $0xffff  }
0xe6: {  	v6 =	vld.idx.msk [tilespmem:v9+s3+$0x0], $0xffff  }
0xe7: {  	v4 =	vld.idx.msk [tilespmem:v10+s3+$0x0], $0xffff  }
0xe8: {  	v3 =	vld.idx.msk [tilespmem:v11+s3+$0x0], $0xffff;
	v9 =	vmul.f32 v13, v2  }
0xe9: {  	s14 =	sadd.s32 $0xC680, s15;
	s15 =	simm.s32 $0x0;
	s16 =	sadd.s32 $0x400, s16;
	v5 =	vld.idx.msk [tilespmem:v12+s3+$0x0], $0xffff;
	v10 =	vmul.f32 v14, v2  }
.LBB2_7:
0xea: {  	v11 =	vld.idx.msk [tilespmem:v1+s16+$0x6070 ss:$0x1], $0xffff;
	s15 =	sadd.s32 $0x8, s15;
	v8 =	vmul.f32 v8, v2;
	[tilespmem:v1+s14+$0x6070 ss:$0x1] =	vst.idx.msk $0xffff, v9  }
0xeb: {  	v7 =	vmul.f32 v7, v2;
	v9 =	vld.idx.msk [tilespmem:v1+s16+$0x6010 ss:$0x1], $0xffff;
	p0 =	slt.u32 s15, $0x18;
	[tilespmem:v1+s14+$0x6010 ss:$0x1] =	vst.idx.msk $0xffff, v10  }
0xec: {  	v6 =	vmul.f32 v6, v2;
	v10 =	vld.idx.msk [tilespmem:v1+s16+$0x6020 ss:$0x1], $0xffff;
	[tilespmem:v1+s14+$0x6020 ss:$0x1] =	vst.idx.msk $0xffff, v8  }
0xed: {  	v4 =	vmul.f32 v4, v2;
	v12 =	vld.idx.msk [tilespmem:v1+s16+$0x6030 ss:$0x1], $0xffff;
	[tilespmem:v1+s14+$0x6030 ss:$0x1] =	vst.idx.msk $0xffff, v7  }
0xee: {  	v3 =	vmul.f32 v3, v2;
	v13 =	vld.idx.msk [tilespmem:v1+s16+$0x6040 ss:$0x1], $0xffff;
	[tilespmem:v1+s14+$0x6040 ss:$0x1] =	vst.idx.msk $0xffff, v6  }
0xef: {  	v5 =	vmul.f32 v5, v2;
	v14 =	vld.idx.msk [tilespmem:v1+s16+$0x6050 ss:$0x1], $0xffff;
	[tilespmem:v1+s14+$0x6050 ss:$0x1] =	vst.idx.msk $0xffff, v4  }
0xf0: {  	v15 =	vld.idx.msk [tilespmem:v1+s16+$0x6060 ss:$0x1], $0xffff;
	[tilespmem:v1+s14+$0x6060 ss:$0x1] =	vst.idx.msk $0xffff, v3  }
0xf1: {  	v16 =	vld.idx.msk [tilespmem:v1+s16+$0x6000 ss:$0x1], $0xffff;
	[tilespmem:v1+s14+$0x6000 ss:$0x1] =	vst.idx.msk $0xffff, v5  }
0xf2: {  	v5 =	vld.idx.msk [tilespmem:v11+s3+$0x0], $0xffff  }
0xf3: {  	v11 =	vld.idx.msk [tilespmem:v9+s3+$0x0], $0xffff  }
0xf4: {  	v8 =	vld.idx.msk [tilespmem:v10+s3+$0x0], $0xffff  }
.Ltmp2:
0xf5: {  	v7 =	vld.idx.msk [tilespmem:v12+s3+$0x0], $0xffff;
	(pc) =	sbr.rel @p0 .LBB2_7-.Ltmp2, $4  }
0xf6: {  	v6 =	vld.idx.msk [tilespmem:v13+s3+$0x0], $0xffff  }
0xf7: {  	v4 =	vld.idx.msk [tilespmem:v14+s3+$0x0], $0xffff  }
0xf8: {  	v9 =	vmul.f32 v5, v2;
	v3 =	vld.idx.msk [tilespmem:v15+s3+$0x0], $0xffff  }
0xf9: {  	s16 =	sadd.s32 $0x400, s16;
	s14 =	sadd.s32 $0x400, s14;
	v10 =	vmul.f32 v11, v2;
	v5 =	vld.idx.msk [tilespmem:v16+s3+$0x0], $0xffff  }
0xfa: {  	_ =	sdelay $0x3  }
0xfb: {  	v8 =	vmul.f32 v8, v2;
	[tilespmem:v1+s14+$0x6070 ss:$0x1] =	vst.idx.msk $0xffff, v9  }
0xfc: {  	v7 =	vmul.f32 v7, v2;
	s13 =	sadd.s32 $0x1, s13;
	[tilespmem:v1+s14+$0x6010 ss:$0x1] =	vst.idx.msk $0xffff, v10  }
0xfd: {  	v6 =	vmul.f32 v6, v2;
	p0 =	sne.s32 s13, $0x30;
	[tilespmem:v1+s14+$0x6020 ss:$0x1] =	vst.idx.msk $0xffff, v8  }
.Ltmp3:
0xfe: {  	[tilespmem:v1+s14+$0x6030 ss:$0x1] =	vst.idx.msk $0xffff, v7;
	v4 =	vmul.f32 v4, v2;
	(pc) =	sbr.rel @p0 .LBB2_6-.Ltmp3, $4  }
0xff: {  	[tilespmem:v1+s14+$0x6040 ss:$0x1] =	vst.idx.msk $0xffff, v6;
	v3 =	vmul.f32 v3, v2  }
0x100: {  	v2 =	vmul.f32 v5, v2;
	[tilespmem:v1+s14+$0x6050 ss:$0x1] =	vst.idx.msk $0xffff, v4  }
0x101: {  	[tilespmem:v1+s14+$0x6060 ss:$0x1] =	vst.idx.msk $0xffff, v3  }
0x102: {  	s12 =	sadd.s32 $0x1, s12;
	s11 =	sadd.s32 $0x200, s11;
	[tilespmem:v1+s14+$0x6000 ss:$0x1] =	vst.idx.msk $0xffff, v2  }
0x103: {  	s11 =	rddreg [dreg:$0x9]  }
0x104: {  	[hbm4b:s11+s31] =	stream.strided.scatter [tilespmem:s5], [sflag:$0x4], $0x6000, s19, s31, $0x38;
	[tilespmem:$0x1E680] =	vst v63  }
0x105: {  	s16 =	rddreg [dreg:$0xa]  }
0x106: {  	[tilespmem:s2], [sflag:$0x2] =	stream.strided.gather [hbm4b:s16+s31], $0x6000, s19, s31, $0x38;
	[tilespmem:$0x1E680] =	vst v63  }
0x107: {  	_ =	swait.ge [sflag:s30], $0x6000  }
0x108: {  	[sflag:s30] =	ssyncset.done $0x0  }
0x109: {  	[sflag:s30] =	ssyncadd.s32 $0xFFFFA000  }
0x10a: {  	_ =	swait.ge [sflag:s6], $0x6000  }
0x10b: {  	s12 =	simm.s32 $0x0;
	[sflag:s6] =	ssyncset.done $0x0  }
0x10c: {  	s13 =	simm.s32 $0x0;
	s11 =	simm.s32 $0x0;
	[sflag:s6] =	ssyncadd.s32 $0xFFFFA000  }
.LBB2_10:
0x10d: {  	s14 =	sshll.u32 s12, $0x2;
	s15 =	sand.u32 $0x7, s11  }
0x10e: {  	s14 =	sand.u32 $0xFFFFC000, s14;
	s15 =	sshll.u32 s15, $0x9  }
0x10f: {  	s14 =	sor.u32 s15, s14  }
0x110: {  	s14 =	sshrl.u32 s14, $0x2  }
0x111: {  	v1 =	vld.msk [tilespmem:s13+$0x460 ss:$0x0], $0xffff;
	s16 =	sadd.s32 $0x6C0, s14  }
0x112: {  	v2 =	vld [tilespmem:s16+$0x30]  }
0x113: {  	v3 =	vld [tilespmem:s16+$0xFFFFFFD0]  }
0x114: {  	v4 =	vld [tilespmem:s16+$0xFFFFFFE0]  }
0x115: {  	v5 =	vld [tilespmem:s16+$0xFFFFFFF0]  }
0x116: {  	v8 =	vld [tilespmem:s16+$0x0]  }
0x117: {  	v9 =	vld [tilespmem:s16+$0x10]  }
0x118: {  	v10 =	vld [tilespmem:s16+$0x20]  }
0x119: {  	v11 =	vld [tilespmem:s16+$0xFFFFFFC0]  }
0x11a: {  	v12 =	vld.idx.msk [tilespmem:v2+s3+$0x0], $0xffff  }
0x11b: {  	v13 =	vld.idx.msk [tilespmem:v3+s3+$0x0], $0xffff  }
0x11c: {  	v7 =	vld.idx.msk [tilespmem:v4+s3+$0x0], $0xffff  }
0x11d: {  	v6 =	vld.idx.msk [tilespmem:v5+s3+$0x0], $0xffff  }
0x11e: {  	v5 =	vld.idx.msk [tilespmem:v8+s3+$0x0], $0xffff  }
0x11f: {  	v3 =	vld.idx.msk [tilespmem:v9+s3+$0x0], $0xffff  }
0x120: {  	v2 =	vld.idx.msk [tilespmem:v10+s3+$0x0], $0xffff;
	v8 =	vmul.f32 v12, v1  }
0x121: {  	s15 =	simm.s32 $0x0;
	s14 =	sadd.s32 $0xC6C0, s14;
	s16 =	sadd.s32 $0x400, s16;
	v4 =	vld.idx.msk [tilespmem:v11+s3+$0x0], $0xffff;
	v9 =	vmul.f32 v13, v1  }
.LBB2_11:
0x122: {  	v10 =	vld [tilespmem:s16+$0x30];
	s15 =	sadd.s32 $0x8, s15;
	v7 =	vmul.f32 v7, v1;
	[tilespmem:s14+$0x30] =	vst v8  }
0x123: {  	v6 =	vmul.f32 v6, v1;
	v8 =	vld [tilespmem:s16+$0xFFFFFFD0];
	p0 =	slt.u32 s15, $0x18;
	[tilespmem:s14+$0xFFFFFFD0] =	vst v9  }
0x124: {  	v5 =	vmul.f32 v5, v1;
	v9 =	vld [tilespmem:s16+$0xFFFFFFE0];
	[tilespmem:s14+$0xFFFFFFE0] =	vst v7  }
0x125: {  	v3 =	vmul.f32 v3, v1;
	v11 =	vld [tilespmem:s16+$0xFFFFFFF0];
	[tilespmem:s14+$0xFFFFFFF0] =	vst v6  }
0x126: {  	v2 =	vmul.f32 v2, v1;
	v12 =	vld [tilespmem:s16+$0x0];
	[tilespmem:s14+$0x0] =	vst v5  }
0x127: {  	v4 =	vmul.f32 v4, v1;
	v13 =	vld [tilespmem:s16+$0x10];
	[tilespmem:s14+$0x10] =	vst v3  }
0x128: {  	v14 =	vld [tilespmem:s16+$0x20];
	[tilespmem:s14+$0x20] =	vst v2  }
0x129: {  	v15 =	vld [tilespmem:s16+$0xFFFFFFC0];
	[tilespmem:s14+$0xFFFFFFC0] =	vst v4  }
0x12a: {  	v4 =	vld.idx.msk [tilespmem:v10+s3+$0x0], $0xffff  }
0x12b: {  	v10 =	vld.idx.msk [tilespmem:v8+s3+$0x0], $0xffff  }
0x12c: {  	v7 =	vld.idx.msk [tilespmem:v9+s3+$0x0], $0xffff  }
.Ltmp4:
0x12d: {  	v6 =	vld.idx.msk [tilespmem:v11+s3+$0x0], $0xffff;
	(pc) =	sbr.rel @p0 .LBB2_11-.Ltmp4, $4  }
0x12e: {  	v5 =	vld.idx.msk [tilespmem:v12+s3+$0x0], $0xffff  }
0x12f: {  	v3 =	vld.idx.msk [tilespmem:v13+s3+$0x0], $0xffff  }
0x130: {  	v8 =	vmul.f32 v4, v1;
	v2 =	vld.idx.msk [tilespmem:v14+s3+$0x0], $0xffff  }
0x131: {  	s16 =	sadd.s32 $0x400, s16;
	s14 =	sadd.s32 $0x400, s14;
	v9 =	vmul.f32 v10, v1;
	v4 =	vld.idx.msk [tilespmem:v15+s3+$0x0], $0xffff  }
0x132: {  	v7 =	vmul.f32 v7, v1;
	[tilespmem:s14+$0x30] =	vst v8  }
0x133: {  	v6 =	vmul.f32 v6, v1;
	s13 =	sadd.s32 $0x1, s13;
	[tilespmem:s14+$0xFFFFFFD0] =	vst v9  }
0x134: {  	v5 =	vmul.f32 v5, v1;
	p0 =	sne.s32 s13, $0x30;
	[tilespmem:s14+$0xFFFFFFE0] =	vst v7  }
.Ltmp5:
0x135: {  	[tilespmem:s14+$0xFFFFFFF0] =	vst v6;
	v3 =	vmul.f32 v3, v1;
	(pc) =	sbr.rel @p0 .LBB2_10-.Ltmp5, $4  }
0x136: {  	[tilespmem:s14+$0x0] =	vst v5;
	v2 =	vmul.f32 v2, v1  }
0x137: {  	v1 =	vmul.f32 v4, v1;
	[tilespmem:s14+$0x10] =	vst v3  }
0x138: {  	[tilespmem:s14+$0x20] =	vst v2  }
0x139: {  	s12 =	sadd.s32 $0x200, s12;
	s11 =	sadd.s32 $0x1, s11;
	[tilespmem:s14+$0xFFFFFFC0] =	vst v1  }
0x13a: {  	s11 =	rddreg [dreg:$0xb]  }
0x13b: {  	[hbm4b:s11+s31] =	stream.strided.scatter [tilespmem:s0], [sflag:$0x3], $0x6000, s19, s31, $0x38;
	[tilespmem:$0x1E680] =	vst v63  }
0x13c: {  	s16 =	rddreg [dreg:$0xc]  }
0x13d: {  	[tilespmem:s1], [sflag:$0x1] =	stream.strided.gather [hbm4b:s16+s31], $0x6000, s19, s31, $0x38;
	[tilespmem:$0x1E680] =	vst v63  }
0x13e: {  	_ =	swait.ge [sflag:s4], $0x6000  }
0x13f: {  	[sflag:s4] =	ssyncset.done $0x0  }
0x140: {  	[sflag:s4] =	ssyncadd.s32 $0xFFFFA000  }
0x141: {  	_ =	swait.ge [sflag:s7], $0x6000  }
0x142: {  	s12 =	simm.s32 $0x0;
	[sflag:s7] =	ssyncset.done $0x0  }
0x143: {  	s13 =	simm.s32 $0x0;
	s11 =	simm.s32 $0x0;
	[sflag:s7] =	ssyncadd.s32 $0xFFFFA000  }
.LBB2_14:
0x144: {  	s14 =	sand.u32 $0x7, s12  }
0x145: {  	s14 =	sshll.u32 s14, $0x9  }
0x146: {  	s14 =	sshrl.u32 s14, $0x2  }
0x147: {  	v1 =	vmov s14;
	_ =	sdelay $0x2  }
0x148: {  	s15 =	sand.u32 $0x3FFFF000, s11  }
0x149: {  	v2 =	vld.msk [tilespmem:s13+$0x490 ss:$0x0], $0xffff;
	s16 =	sor.u32 $0x680, s15  }
0x14a: {  	v3 =	vld.idx.msk [tilespmem:v1+s16+$0x6070 ss:$0x1], $0xffff  }
0x14b: {  	v4 =	vld.idx.msk [tilespmem:v1+s16+$0x6010 ss:$0x1], $0xffff  }
0x14c: {  	v5 =	vld.idx.msk [tilespmem:v1+s16+$0x6020 ss:$0x1], $0xffff  }
0x14d: {  	v6 =	vld.idx.msk [tilespmem:v1+s16+$0x6030 ss:$0x1], $0xffff  }
0x14e: {  	v9 =	vld.idx.msk [tilespmem:v1+s16+$0x6040 ss:$0x1], $0xffff  }
0x14f: {  	v10 =	vld.idx.msk [tilespmem:v1+s16+$0x6050 ss:$0x1], $0xffff  }
0x150: {  	v11 =	vld.idx.msk [tilespmem:v1+s16+$0x6060 ss:$0x1], $0xffff  }
0x151: {  	v12 =	vld.idx.msk [tilespmem:v1+s16+$0x6000 ss:$0x1], $0xffff  }
0x152: {  	v13 =	vld.idx.msk [tilespmem:v3+s3+$0x0], $0xffff  }
0x153: {  	v14 =	vld.idx.msk [tilespmem:v4+s3+$0x0], $0xffff  }
0x154: {  	v8 =	vld.idx.msk [tilespmem:v5+s3+$0x0], $0xffff  }
0x155: {  	v7 =	vld.idx.msk [tilespmem:v6+s3+$0x0], $0xffff  }
0x156: {  	v6 =	vld.idx.msk [tilespmem:v9+s3+$0x0], $0xffff  }
0x157: {  	v4 =	vld.idx.msk [tilespmem:v10+s3+$0x0], $0xffff  }
0x158: {  	v3 =	vld.idx.msk [tilespmem:v11+s3+$0x0], $0xffff;
	v9 =	vmul.f32 v13, v2  }
0x159: {  	s14 =	sadd.s32 $0xC680, s15;
	s15 =	simm.s32 $0x0;
	s16 =	sadd.s32 $0x400, s16;
	v5 =	vld.idx.msk [tilespmem:v12+s3+$0x0], $0xffff;
	v10 =	vmul.f32 v14, v2  }
.LBB2_15:
0x15a: {  	v11 =	vld.idx.msk [tilespmem:v1+s16+$0x6070 ss:$0x1], $0xffff;
	s15 =	sadd.s32 $0x8, s15;
	v8 =	vmul.f32 v8, v2;
	[tilespmem:v1+s14+$0x6070 ss:$0x1] =	vst.idx.msk $0xffff, v9  }
0x15b: {  	v7 =	vmul.f32 v7, v2;
	v9 =	vld.idx.msk [tilespmem:v1+s16+$0x6010 ss:$0x1], $0xffff;
	p0 =	slt.u32 s15, $0x18;
	[tilespmem:v1+s14+$0x6010 ss:$0x1] =	vst.idx.msk $0xffff, v10  }
0x15c: {  	v6 =	vmul.f32 v6, v2;
	v10 =	vld.idx.msk [tilespmem:v1+s16+$0x6020 ss:$0x1], $0xffff;
	[tilespmem:v1+s14+$0x6020 ss:$0x1] =	vst.idx.msk $0xffff, v8  }
0x15d: {  	v4 =	vmul.f32 v4, v2;
	v12 =	vld.idx.msk [tilespmem:v1+s16+$0x6030 ss:$0x1], $0xffff;
	[tilespmem:v1+s14+$0x6030 ss:$0x1] =	vst.idx.msk $0xffff, v7  }
0x15e: {  	v3 =	vmul.f32 v3, v2;
	v13 =	vld.idx.msk [tilespmem:v1+s16+$0x6040 ss:$0x1], $0xffff;
	[tilespmem:v1+s14+$0x6040 ss:$0x1] =	vst.idx.msk $0xffff, v6  }
0x15f: {  	v5 =	vmul.f32 v5, v2;
	v14 =	vld.idx.msk [tilespmem:v1+s16+$0x6050 ss:$0x1], $0xffff;
	[tilespmem:v1+s14+$0x6050 ss:$0x1] =	vst.idx.msk $0xffff, v4  }
0x160: {  	v15 =	vld.idx.msk [tilespmem:v1+s16+$0x6060 ss:$0x1], $0xffff;
	[tilespmem:v1+s14+$0x6060 ss:$0x1] =	vst.idx.msk $0xffff, v3  }
0x161: {  	v16 =	vld.idx.msk [tilespmem:v1+s16+$0x6000 ss:$0x1], $0xffff;
	[tilespmem:v1+s14+$0x6000 ss:$0x1] =	vst.idx.msk $0xffff, v5  }
0x162: {  	v5 =	vld.idx.msk [tilespmem:v11+s3+$0x0], $0xffff  }
0x163: {  	v11 =	vld.idx.msk [tilespmem:v9+s3+$0x0], $0xffff  }
0x164: {  	v8 =	vld.idx.msk [tilespmem:v10+s3+$0x0], $0xffff  }
.Ltmp6:
0x165: {  	v7 =	vld.idx.msk [tilespmem:v12+s3+$0x0], $0xffff;
	(pc) =	sbr.rel @p0 .LBB2_15-.Ltmp6, $4  }
0x166: {  	v6 =	vld.idx.msk [tilespmem:v13+s3+$0x0], $0xffff  }
0x167: {  	v4 =	vld.idx.msk [tilespmem:v14+s3+$0x0], $0xffff  }
0x168: {  	v9 =	vmul.f32 v5, v2;
	v3 =	vld.idx.msk [tilespmem:v15+s3+$0x0], $0xffff  }
0x169: {  	s16 =	sadd.s32 $0x400, s16;
	s14 =	sadd.s32 $0x400, s14;
	v10 =	vmul.f32 v11, v2;
	v5 =	vld.idx.msk [tilespmem:v16+s3+$0x0], $0xffff  }
0x16a: {  	_ =	sdelay $0x3  }
0x16b: {  	v8 =	vmul.f32 v8, v2;
	[tilespmem:v1+s14+$0x6070 ss:$0x1] =	vst.idx.msk $0xffff, v9  }
0x16c: {  	v7 =	vmul.f32 v7, v2;
	s13 =	sadd.s32 $0x1, s13;
	[tilespmem:v1+s14+$0x6010 ss:$0x1] =	vst.idx.msk $0xffff, v10  }
0x16d: {  	v6 =	vmul.f32 v6, v2;
	p0 =	sne.s32 s13, $0x30;
	[tilespmem:v1+s14+$0x6020 ss:$0x1] =	vst.idx.msk $0xffff, v8  }
.Ltmp7:
0x16e: {  	[tilespmem:v1+s14+$0x6030 ss:$0x1] =	vst.idx.msk $0xffff, v7;
	v4 =	vmul.f32 v4, v2;
	(pc) =	sbr.rel @p0 .LBB2_14-.Ltmp7, $4  }
0x16f: {  	[tilespmem:v1+s14+$0x6040 ss:$0x1] =	vst.idx.msk $0xffff, v6;
	v3 =	vmul.f32 v3, v2  }
0x170: {  	v2 =	vmul.f32 v5, v2;
	[tilespmem:v1+s14+$0x6050 ss:$0x1] =	vst.idx.msk $0xffff, v4  }
0x171: {  	[tilespmem:v1+s14+$0x6060 ss:$0x1] =	vst.idx.msk $0xffff, v3  }
0x172: {  	s12 =	sadd.s32 $0x1, s12;
	s11 =	sadd.s32 $0x200, s11;
	[tilespmem:v1+s14+$0x6000 ss:$0x1] =	vst.idx.msk $0xffff, v2  }
0x173: {  	s11 =	rddreg [dreg:$0xd]  }
0x174: {  	[hbm4b:s11+s31] =	stream.strided.scatter [tilespmem:s5], [sflag:$0x4], $0x6000, s19, s31, $0x38;
	[tilespmem:$0x1E680] =	vst v63  }
0x175: {  	s16 =	rddreg [dreg:$0xe]  }
0x176: {  	[tilespmem:s2], [sflag:$0x2] =	stream.strided.gather [hbm4b:s16+s31], $0x6000, s19, s31, $0x38;
	[tilespmem:$0x1E680] =	vst v63  }
0x177: {  	_ =	swait.ge [sflag:s30], $0x6000  }
0x178: {  	[sflag:s30] =	ssyncset.done $0x0  }
0x179: {  	[sflag:s30] =	ssyncadd.s32 $0xFFFFA000  }
0x17a: {  	_ =	swait.ge [sflag:s6], $0x6000  }
0x17b: {  	s12 =	simm.s32 $0x0;
	[sflag:s6] =	ssyncset.done $0x0  }
0x17c: {  	s13 =	simm.s32 $0x0;
	s11 =	simm.s32 $0x0;
	[sflag:s6] =	ssyncadd.s32 $0xFFFFA000  }
.LBB2_18:
0x17d: {  	s14 =	sshll.u32 s12, $0x2;
	s15 =	sand.u32 $0x7, s11  }
0x17e: {  	s14 =	sand.u32 $0xFFFFC000, s14;
	s15 =	sshll.u32 s15, $0x9  }
0x17f: {  	s14 =	sor.u32 s15, s14  }
0x180: {  	s14 =	sshrl.u32 s14, $0x2  }
0x181: {  	v1 =	vld.msk [tilespmem:s13+$0x4C0 ss:$0x0], $0xffff;
	s16 =	sadd.s32 $0x6C0, s14  }
0x182: {  	v2 =	vld [tilespmem:s16+$0x30]  }
0x183: {  	v3 =	vld [tilespmem:s16+$0xFFFFFFD0]  }
0x184: {  	v4 =	vld [tilespmem:s16+$0xFFFFFFE0]  }
0x185: {  	v5 =	vld [tilespmem:s16+$0xFFFFFFF0]  }
0x186: {  	v8 =	vld [tilespmem:s16+$0x0]  }
0x187: {  	v9 =	vld [tilespmem:s16+$0x10]  }
0x188: {  	v10 =	vld [tilespmem:s16+$0x20]  }
0x189: {  	v11 =	vld [tilespmem:s16+$0xFFFFFFC0]  }
0x18a: {  	v12 =	vld.idx.msk [tilespmem:v2+s3+$0x0], $0xffff  }
0x18b: {  	v13 =	vld.idx.msk [tilespmem:v3+s3+$0x0], $0xffff  }
0x18c: {  	v7 =	vld.idx.msk [tilespmem:v4+s3+$0x0], $0xffff  }
0x18d: {  	v6 =	vld.idx.msk [tilespmem:v5+s3+$0x0], $0xffff  }
0x18e: {  	v5 =	vld.idx.msk [tilespmem:v8+s3+$0x0], $0xffff  }
0x18f: {  	v3 =	vld.idx.msk [tilespmem:v9+s3+$0x0], $0xffff  }
0x190: {  	v2 =	vld.idx.msk [tilespmem:v10+s3+$0x0], $0xffff;
	v8 =	vmul.f32 v12, v1  }
0x191: {  	s15 =	simm.s32 $0x0;
	s14 =	sadd.s32 $0xC6C0, s14;
	s16 =	sadd.s32 $0x400, s16;
	v4 =	vld.idx.msk [tilespmem:v11+s3+$0x0], $0xffff;
	v9 =	vmul.f32 v13, v1  }
.LBB2_19:
0x192: {  	v10 =	vld [tilespmem:s16+$0x30];
	s15 =	sadd.s32 $0x8, s15;
	v7 =	vmul.f32 v7, v1;
	[tilespmem:s14+$0x30] =	vst v8  }
0x193: {  	v6 =	vmul.f32 v6, v1;
	v8 =	vld [tilespmem:s16+$0xFFFFFFD0];
	p0 =	slt.u32 s15, $0x18;
	[tilespmem:s14+$0xFFFFFFD0] =	vst v9  }
0x194: {  	v5 =	vmul.f32 v5, v1;
	v9 =	vld [tilespmem:s16+$0xFFFFFFE0];
	[tilespmem:s14+$0xFFFFFFE0] =	vst v7  }
0x195: {  	v3 =	vmul.f32 v3, v1;
	v11 =	vld [tilespmem:s16+$0xFFFFFFF0];
	[tilespmem:s14+$0xFFFFFFF0] =	vst v6  }
0x196: {  	v2 =	vmul.f32 v2, v1;
	v12 =	vld [tilespmem:s16+$0x0];
	[tilespmem:s14+$0x0] =	vst v5  }
0x197: {  	v4 =	vmul.f32 v4, v1;
	v13 =	vld [tilespmem:s16+$0x10];
	[tilespmem:s14+$0x10] =	vst v3  }
0x198: {  	v14 =	vld [tilespmem:s16+$0x20];
	[tilespmem:s14+$0x20] =	vst v2  }
0x199: {  	v15 =	vld [tilespmem:s16+$0xFFFFFFC0];
	[tilespmem:s14+$0xFFFFFFC0] =	vst v4  }
0x19a: {  	v4 =	vld.idx.msk [tilespmem:v10+s3+$0x0], $0xffff  }
0x19b: {  	v10 =	vld.idx.msk [tilespmem:v8+s3+$0x0], $0xffff  }
0x19c: {  	v7 =	vld.idx.msk [tilespmem:v9+s3+$0x0], $0xffff  }
.Ltmp8:
0x19d: {  	v6 =	vld.idx.msk [tilespmem:v11+s3+$0x0], $0xffff;
	(pc) =	sbr.rel @p0 .LBB2_19-.Ltmp8, $4  }
0x19e: {  	v5 =	vld.idx.msk [tilespmem:v12+s3+$0x0], $0xffff  }
0x19f: {  	v3 =	vld.idx.msk [tilespmem:v13+s3+$0x0], $0xffff  }
0x1a0: {  	v8 =	vmul.f32 v4, v1;
	v2 =	vld.idx.msk [tilespmem:v14+s3+$0x0], $0xffff  }
0x1a1: {  	s16 =	sadd.s32 $0x400, s16;
	s14 =	sadd.s32 $0x400, s14;
	v9 =	vmul.f32 v10, v1;
	v4 =	vld.idx.msk [tilespmem:v15+s3+$0x0], $0xffff  }
0x1a2: {  	v7 =	vmul.f32 v7, v1;
	[tilespmem:s14+$0x30] =	vst v8  }
0x1a3: {  	v6 =	vmul.f32 v6, v1;
	s13 =	sadd.s32 $0x1, s13;
	[tilespmem:s14+$0xFFFFFFD0] =	vst v9  }
0x1a4: {  	v5 =	vmul.f32 v5, v1;
	p0 =	sne.s32 s13, $0x30;
	[tilespmem:s14+$0xFFFFFFE0] =	vst v7  }
.Ltmp9:
0x1a5: {  	[tilespmem:s14+$0xFFFFFFF0] =	vst v6;
	v3 =	vmul.f32 v3, v1;
	(pc) =	sbr.rel @p0 .LBB2_18-.Ltmp9, $4  }
0x1a6: {  	[tilespmem:s14+$0x0] =	vst v5;
	v2 =	vmul.f32 v2, v1  }
0x1a7: {  	v1 =	vmul.f32 v4, v1;
	[tilespmem:s14+$0x10] =	vst v3  }
0x1a8: {  	[tilespmem:s14+$0x20] =	vst v2  }
0x1a9: {  	s12 =	sadd.s32 $0x200, s12;
	s11 =	sadd.s32 $0x1, s11;
	[tilespmem:s14+$0xFFFFFFC0] =	vst v1  }
0x1aa: {  	s11 =	rddreg [dreg:$0xf]  }
0x1ab: {  	[hbm4b:s11+s31] =	stream.strided.scatter [tilespmem:s0], [sflag:$0x3], $0x6000, s19, s31, $0x38;
	[tilespmem:$0x1E680] =	vst v63  }
0x1ac: {  	s16 =	rddreg [dreg:$0x10]  }
0x1ad: {  	[tilespmem:s1], [sflag:$0x1] =	stream.strided.gather [hbm4b:s16+s31], $0x6000, s19, s31, $0x38;
	[tilespmem:$0x1E680] =	vst v63  }
0x1ae: {  	_ =	swait.ge [sflag:s4], $0x6000  }
0x1af: {  	[sflag:s4] =	ssyncset.done $0x0  }
0x1b0: {  	[sflag:s4] =	ssyncadd.s32 $0xFFFFA000  }
0x1b1: {  	_ =	swait.ge [sflag:s7], $0x6000  }
0x1b2: {  	s12 =	simm.s32 $0x0;
	[sflag:s7] =	ssyncset.done $0x0  }
0x1b3: {  	s13 =	simm.s32 $0x0;
	s11 =	simm.s32 $0x0;
	[sflag:s7] =	ssyncadd.s32 $0xFFFFA000  }
.LBB2_22:
0x1b4: {  	s14 =	sand.u32 $0x7, s12  }
0x1b5: {  	s14 =	sshll.u32 s14, $0x9  }
0x1b6: {  	s14 =	sshrl.u32 s14, $0x2  }
0x1b7: {  	v1 =	vmov s14;
	_ =	sdelay $0x2  }
0x1b8: {  	s15 =	sand.u32 $0x3FFFF000, s11  }
0x1b9: {  	v2 =	vld.msk [tilespmem:s13+$0x4F0 ss:$0x0], $0xffff;
	s16 =	sor.u32 $0x680, s15  }
0x1ba: {  	v3 =	vld.idx.msk [tilespmem:v1+s16+$0x6070 ss:$0x1], $0xffff  }
0x1bb: {  	v4 =	vld.idx.msk [tilespmem:v1+s16+$0x6010 ss:$0x1], $0xffff  }
0x1bc: {  	v5 =	vld.idx.msk [tilespmem:v1+s16+$0x6020 ss:$0x1], $0xffff  }
0x1bd: {  	v6 =	vld.idx.msk [tilespmem:v1+s16+$0x6030 ss:$0x1], $0xffff  }
0x1be: {  	v9 =	vld.idx.msk [tilespmem:v1+s16+$0x6040 ss:$0x1], $0xffff  }
0x1bf: {  	v10 =	vld.idx.msk [tilespmem:v1+s16+$0x6050 ss:$0x1], $0xffff  }
0x1c0: {  	v11 =	vld.idx.msk [tilespmem:v1+s16+$0x6060 ss:$0x1], $0xffff  }
0x1c1: {  	v12 =	vld.idx.msk [tilespmem:v1+s16+$0x6000 ss:$0x1], $0xffff  }
0x1c2: {  	v13 =	vld.idx.msk [tilespmem:v3+s3+$0x0], $0xffff  }
0x1c3: {  	v14 =	vld.idx.msk [tilespmem:v4+s3+$0x0], $0xffff  }
0x1c4: {  	v8 =	vld.idx.msk [tilespmem:v5+s3+$0x0], $0xffff  }
0x1c5: {  	v7 =	vld.idx.msk [tilespmem:v6+s3+$0x0], $0xffff  }
0x1c6: {  	v6 =	vld.idx.msk [tilespmem:v9+s3+$0x0], $0xffff  }
0x1c7: {  	v4 =	vld.idx.msk [tilespmem:v10+s3+$0x0], $0xffff  }
0x1c8: {  	v3 =	vld.idx.msk [tilespmem:v11+s3+$0x0], $0xffff;
	v9 =	vmul.f32 v13, v2  }
0x1c9: {  	s14 =	sadd.s32 $0xC680, s15;
	s15 =	simm.s32 $0x0;
	s16 =	sadd.s32 $0x400, s16;
	v5 =	vld.idx.msk [tilespmem:v12+s3+$0x0], $0xffff;
	v10 =	vmul.f32 v14, v2  }
.LBB2_23:
0x1ca: {  	v11 =	vld.idx.msk [tilespmem:v1+s16+$0x6070 ss:$0x1], $0xffff;
	s15 =	sadd.s32 $0x8, s15;
	v8 =	vmul.f32 v8, v2;
	[tilespmem:v1+s14+$0x6070 ss:$0x1] =	vst.idx.msk $0xffff, v9  }
0x1cb: {  	v7 =	vmul.f32 v7, v2;
	v9 =	vld.idx.msk [tilespmem:v1+s16+$0x6010 ss:$0x1], $0xffff;
	p0 =	slt.u32 s15, $0x18;
	[tilespmem:v1+s14+$0x6010 ss:$0x1] =	vst.idx.msk $0xffff, v10  }
0x1cc: {  	v6 =	vmul.f32 v6, v2;
	v10 =	vld.idx.msk [tilespmem:v1+s16+$0x6020 ss:$0x1], $0xffff;
	[tilespmem:v1+s14+$0x6020 ss:$0x1] =	vst.idx.msk $0xffff, v8  }
0x1cd: {  	v4 =	vmul.f32 v4, v2;
	v12 =	vld.idx.msk [tilespmem:v1+s16+$0x6030 ss:$0x1], $0xffff;
	[tilespmem:v1+s14+$0x6030 ss:$0x1] =	vst.idx.msk $0xffff, v7  }
0x1ce: {  	v3 =	vmul.f32 v3, v2;
	v13 =	vld.idx.msk [tilespmem:v1+s16+$0x6040 ss:$0x1], $0xffff;
	[tilespmem:v1+s14+$0x6040 ss:$0x1] =	vst.idx.msk $0xffff, v6  }
0x1cf: {  	v5 =	vmul.f32 v5, v2;
	v14 =	vld.idx.msk [tilespmem:v1+s16+$0x6050 ss:$0x1], $0xffff;
	[tilespmem:v1+s14+$0x6050 ss:$0x1] =	vst.idx.msk $0xffff, v4  }
0x1d0: {  	v15 =	vld.idx.msk [tilespmem:v1+s16+$0x6060 ss:$0x1], $0xffff;
	[tilespmem:v1+s14+$0x6060 ss:$0x1] =	vst.idx.msk $0xffff, v3  }
0x1d1: {  	v16 =	vld.idx.msk [tilespmem:v1+s16+$0x6000 ss:$0x1], $0xffff;
	[tilespmem:v1+s14+$0x6000 ss:$0x1] =	vst.idx.msk $0xffff, v5  }
0x1d2: {  	v5 =	vld.idx.msk [tilespmem:v11+s3+$0x0], $0xffff  }
0x1d3: {  	v11 =	vld.idx.msk [tilespmem:v9+s3+$0x0], $0xffff  }
0x1d4: {  	v8 =	vld.idx.msk [tilespmem:v10+s3+$0x0], $0xffff  }
.Ltmp10:
0x1d5: {  	v7 =	vld.idx.msk [tilespmem:v12+s3+$0x0], $0xffff;
	(pc) =	sbr.rel @p0 .LBB2_23-.Ltmp10, $4  }
0x1d6: {  	v6 =	vld.idx.msk [tilespmem:v13+s3+$0x0], $0xffff  }
0x1d7: {  	v4 =	vld.idx.msk [tilespmem:v14+s3+$0x0], $0xffff  }
0x1d8: {  	v9 =	vmul.f32 v5, v2;
	v3 =	vld.idx.msk [tilespmem:v15+s3+$0x0], $0xffff  }
0x1d9: {  	s16 =	sadd.s32 $0x400, s16;
	s14 =	sadd.s32 $0x400, s14;
	v10 =	vmul.f32 v11, v2;
	v5 =	vld.idx.msk [tilespmem:v16+s3+$0x0], $0xffff  }
0x1da: {  	_ =	sdelay $0x3  }
0x1db: {  	v8 =	vmul.f32 v8, v2;
	[tilespmem:v1+s14+$0x6070 ss:$0x1] =	vst.idx.msk $0xffff, v9  }
0x1dc: {  	v7 =	vmul.f32 v7, v2;
	s13 =	sadd.s32 $0x1, s13;
	[tilespmem:v1+s14+$0x6010 ss:$0x1] =	vst.idx.msk $0xffff, v10  }
0x1dd: {  	v6 =	vmul.f32 v6, v2;
	p0 =	sne.s32 s13, $0x30;
	[tilespmem:v1+s14+$0x6020 ss:$0x1] =	vst.idx.msk $0xffff, v8  }
.Ltmp11:
0x1de: {  	[tilespmem:v1+s14+$0x6030 ss:$0x1] =	vst.idx.msk $0xffff, v7;
	v4 =	vmul.f32 v4, v2;
	(pc) =	sbr.rel @p0 .LBB2_22-.Ltmp11, $4  }
0x1df: {  	[tilespmem:v1+s14+$0x6040 ss:$0x1] =	vst.idx.msk $0xffff, v6;
	v3 =	vmul.f32 v3, v2  }
0x1e0: {  	v2 =	vmul.f32 v5, v2;
	[tilespmem:v1+s14+$0x6050 ss:$0x1] =	vst.idx.msk $0xffff, v4  }
0x1e1: {  	[tilespmem:v1+s14+$0x6060 ss:$0x1] =	vst.idx.msk $0xffff, v3  }
0x1e2: {  	s12 =	sadd.s32 $0x1, s12;
	s11 =	sadd.s32 $0x200, s11;
	[tilespmem:v1+s14+$0x6000 ss:$0x1] =	vst.idx.msk $0xffff, v2  }
0x1e3: {  	s11 =	rddreg [dreg:$0x11]  }
0x1e4: {  	[hbm4b:s11+s31] =	stream.strided.scatter [tilespmem:s5], [sflag:$0x4], $0x6000, s19, s31, $0x38;
	[tilespmem:$0x1E680] =	vst v63  }
0x1e5: {  	_ = 	snop  }
0x1e6: {  	[tilespmem:s2], [sflag:$0x2] =	stream.strided.gather [hbm4b:s17+s31], $0x6000, s19, s31, $0x38;
	[tilespmem:$0x1E680] =	vst v63  }
0x1e7: {  	_ =	swait.ge [sflag:s30], $0x6000  }
0x1e8: {  	[sflag:s30] =	ssyncset.done $0x0  }
0x1e9: {  	[sflag:s30] =	ssyncadd.s32 $0xFFFFA000  }
0x1ea: {  	_ =	swait.ge [sflag:s6], $0x6000  }
0x1eb: {  	s12 =	simm.s32 $0x0;
	[sflag:s6] =	ssyncset.done $0x0  }
0x1ec: {  	s13 =	simm.s32 $0x0;
	s11 =	simm.s32 $0x0;
	[sflag:s6] =	ssyncadd.s32 $0xFFFFA000  }
.LBB2_26:
0x1ed: {  	s14 =	sshll.u32 s12, $0x2;
	s15 =	sand.u32 $0x7, s11  }
0x1ee: {  	s14 =	sand.u32 $0xFFFFC000, s14;
	s15 =	sshll.u32 s15, $0x9  }
0x1ef: {  	s14 =	sor.u32 s15, s14  }
0x1f0: {  	s14 =	sshrl.u32 s14, $0x2  }
0x1f1: {  	v1 =	vld.msk [tilespmem:s13+$0x520 ss:$0x0], $0xffff;
	s16 =	sadd.s32 $0x6C0, s14  }
0x1f2: {  	v2 =	vld [tilespmem:s16+$0x30]  }
0x1f3: {  	v3 =	vld [tilespmem:s16+$0xFFFFFFD0]  }
0x1f4: {  	v4 =	vld [tilespmem:s16+$0xFFFFFFE0]  }
0x1f5: {  	v5 =	vld [tilespmem:s16+$0xFFFFFFF0]  }
0x1f6: {  	v8 =	vld [tilespmem:s16+$0x0]  }
0x1f7: {  	v9 =	vld [tilespmem:s16+$0x10]  }
0x1f8: {  	v10 =	vld [tilespmem:s16+$0x20]  }
0x1f9: {  	v11 =	vld [tilespmem:s16+$0xFFFFFFC0]  }
0x1fa: {  	v12 =	vld.idx.msk [tilespmem:v2+s3+$0x0], $0xffff  }
0x1fb: {  	v13 =	vld.idx.msk [tilespmem:v3+s3+$0x0], $0xffff  }
0x1fc: {  	v7 =	vld.idx.msk [tilespmem:v4+s3+$0x0], $0xffff  }
0x1fd: {  	v6 =	vld.idx.msk [tilespmem:v5+s3+$0x0], $0xffff  }
0x1fe: {  	v5 =	vld.idx.msk [tilespmem:v8+s3+$0x0], $0xffff  }
0x1ff: {  	v3 =	vld.idx.msk [tilespmem:v9+s3+$0x0], $0xffff  }
0x200: {  	v2 =	vld.idx.msk [tilespmem:v10+s3+$0x0], $0xffff;
	v8 =	vmul.f32 v12, v1  }
0x201: {  	s15 =	simm.s32 $0x0;
	s14 =	sadd.s32 $0xC6C0, s14;
	s16 =	sadd.s32 $0x400, s16;
	v4 =	vld.idx.msk [tilespmem:v11+s3+$0x0], $0xffff;
	v9 =	vmul.f32 v13, v1  }
.LBB2_27:
0x202: {  	v10 =	vld [tilespmem:s16+$0x30];
	s15 =	sadd.s32 $0x8, s15;
	v7 =	vmul.f32 v7, v1;
	[tilespmem:s14+$0x30] =	vst v8  }
0x203: {  	v6 =	vmul.f32 v6, v1;
	v8 =	vld [tilespmem:s16+$0xFFFFFFD0];
	p0 =	slt.u32 s15, $0x18;
	[tilespmem:s14+$0xFFFFFFD0] =	vst v9  }
0x204: {  	v5 =	vmul.f32 v5, v1;
	v9 =	vld [tilespmem:s16+$0xFFFFFFE0];
	[tilespmem:s14+$0xFFFFFFE0] =	vst v7  }
0x205: {  	v3 =	vmul.f32 v3, v1;
	v11 =	vld [tilespmem:s16+$0xFFFFFFF0];
	[tilespmem:s14+$0xFFFFFFF0] =	vst v6  }
0x206: {  	v2 =	vmul.f32 v2, v1;
	v12 =	vld [tilespmem:s16+$0x0];
	[tilespmem:s14+$0x0] =	vst v5  }
0x207: {  	v4 =	vmul.f32 v4, v1;
	v13 =	vld [tilespmem:s16+$0x10];
	[tilespmem:s14+$0x10] =	vst v3  }
0x208: {  	v14 =	vld [tilespmem:s16+$0x20];
	[tilespmem:s14+$0x20] =	vst v2  }
0x209: {  	v15 =	vld [tilespmem:s16+$0xFFFFFFC0];
	[tilespmem:s14+$0xFFFFFFC0] =	vst v4  }
0x20a: {  	v4 =	vld.idx.msk [tilespmem:v10+s3+$0x0], $0xffff  }
0x20b: {  	v10 =	vld.idx.msk [tilespmem:v8+s3+$0x0], $0xffff  }
0x20c: {  	v7 =	vld.idx.msk [tilespmem:v9+s3+$0x0], $0xffff  }
.Ltmp12:
0x20d: {  	v6 =	vld.idx.msk [tilespmem:v11+s3+$0x0], $0xffff;
	(pc) =	sbr.rel @p0 .LBB2_27-.Ltmp12, $4  }
0x20e: {  	v5 =	vld.idx.msk [tilespmem:v12+s3+$0x0], $0xffff  }
0x20f: {  	v3 =	vld.idx.msk [tilespmem:v13+s3+$0x0], $0xffff  }
0x210: {  	v8 =	vmul.f32 v4, v1;
	v2 =	vld.idx.msk [tilespmem:v14+s3+$0x0], $0xffff  }
0x211: {  	s16 =	sadd.s32 $0x400, s16;
	s14 =	sadd.s32 $0x400, s14;
	v9 =	vmul.f32 v10, v1;
	v4 =	vld.idx.msk [tilespmem:v15+s3+$0x0], $0xffff  }
0x212: {  	v7 =	vmul.f32 v7, v1;
	[tilespmem:s14+$0x30] =	vst v8  }
0x213: {  	v6 =	vmul.f32 v6, v1;
	s13 =	sadd.s32 $0x1, s13;
	[tilespmem:s14+$0xFFFFFFD0] =	vst v9  }
0x214: {  	v5 =	vmul.f32 v5, v1;
	p0 =	sne.s32 s13, $0x30;
	[tilespmem:s14+$0xFFFFFFE0] =	vst v7  }
.Ltmp13:
0x215: {  	[tilespmem:s14+$0xFFFFFFF0] =	vst v6;
	v3 =	vmul.f32 v3, v1;
	(pc) =	sbr.rel @p0 .LBB2_26-.Ltmp13, $4  }
0x216: {  	[tilespmem:s14+$0x0] =	vst v5;
	v2 =	vmul.f32 v2, v1  }
0x217: {  	v1 =	vmul.f32 v4, v1;
	[tilespmem:s14+$0x10] =	vst v3  }
0x218: {  	[tilespmem:s14+$0x20] =	vst v2  }
0x219: {  	s12 =	sadd.s32 $0x200, s12;
	s11 =	sadd.s32 $0x1, s11;
	[tilespmem:s14+$0xFFFFFFC0] =	vst v1  }
0x21a: {  	[hbm4b:s18+s31] =	stream.strided.scatter [tilespmem:s0], [sflag:$0x3], $0x6000, s19, s31, $0x38;
	[tilespmem:$0x1E680] =	vst v63  }
0x21b: {  	_ = 	snop  }
0x21c: {  	[tilespmem:s1], [sflag:$0x1] =	stream.strided.gather [hbm4b:s22+s31], $0x6000, s19, s31, $0x38;
	[tilespmem:$0x1E680] =	vst v63  }
0x21d: {  	_ =	swait.ge [sflag:s4], $0x6000  }
0x21e: {  	[sflag:s4] =	ssyncset.done $0x0  }
0x21f: {  	[sflag:s4] =	ssyncadd.s32 $0xFFFFA000  }
0x220: {  	_ =	swait.ge [sflag:s7], $0x6000  }
0x221: {  	s11 =	simm.s32 $0x0;
	[sflag:s7] =	ssyncset.done $0x0  }
0x222: {  	s12 =	simm.s32 $0x0;
	s13 =	simm.s32 $0x0;
	[sflag:s7] =	ssyncadd.s32 $0xFFFFA000  }
.LBB2_30:
0x223: {  	s14 =	sand.u32 $0x7, s12  }
0x224: {  	s14 =	sshll.u32 s14, $0x9  }
0x225: {  	s14 =	sshrl.u32 s14, $0x2  }
0x226: {  	v1 =	vmov s14;
	_ =	sdelay $0x2  }
0x227: {  	s15 =	sand.u32 $0x3FFFF000, s11  }
0x228: {  	v2 =	vld.msk [tilespmem:s13+$0x550 ss:$0x0], $0xffff;
	s16 =	sor.u32 $0x680, s15  }
0x229: {  	v3 =	vld.idx.msk [tilespmem:v1+s16+$0x6070 ss:$0x1], $0xffff  }
0x22a: {  	v4 =	vld.idx.msk [tilespmem:v1+s16+$0x6010 ss:$0x1], $0xffff  }
0x22b: {  	v5 =	vld.idx.msk [tilespmem:v1+s16+$0x6020 ss:$0x1], $0xffff  }
0x22c: {  	v6 =	vld.idx.msk [tilespmem:v1+s16+$0x6030 ss:$0x1], $0xffff  }
0x22d: {  	v9 =	vld.idx.msk [tilespmem:v1+s16+$0x6040 ss:$0x1], $0xffff  }
0x22e: {  	v10 =	vld.idx.msk [tilespmem:v1+s16+$0x6050 ss:$0x1], $0xffff  }
0x22f: {  	v11 =	vld.idx.msk [tilespmem:v1+s16+$0x6060 ss:$0x1], $0xffff  }
0x230: {  	v12 =	vld.idx.msk [tilespmem:v1+s16+$0x6000 ss:$0x1], $0xffff  }
0x231: {  	v13 =	vld.idx.msk [tilespmem:v3+s3+$0x0], $0xffff  }
0x232: {  	v14 =	vld.idx.msk [tilespmem:v4+s3+$0x0], $0xffff  }
0x233: {  	v8 =	vld.idx.msk [tilespmem:v5+s3+$0x0], $0xffff  }
0x234: {  	v7 =	vld.idx.msk [tilespmem:v6+s3+$0x0], $0xffff  }
0x235: {  	v6 =	vld.idx.msk [tilespmem:v9+s3+$0x0], $0xffff  }
0x236: {  	v4 =	vld.idx.msk [tilespmem:v10+s3+$0x0], $0xffff  }
0x237: {  	v3 =	vld.idx.msk [tilespmem:v11+s3+$0x0], $0xffff;
	v9 =	vmul.f32 v13, v2  }
0x238: {  	s14 =	sadd.s32 $0xC680, s15;
	s15 =	simm.s32 $0x0;
	s16 =	sadd.s32 $0x400, s16;
	v5 =	vld.idx.msk [tilespmem:v12+s3+$0x0], $0xffff;
	v10 =	vmul.f32 v14, v2  }
.LBB2_31:
0x239: {  	v11 =	vld.idx.msk [tilespmem:v1+s16+$0x6070 ss:$0x1], $0xffff;
	s15 =	sadd.s32 $0x8, s15;
	v8 =	vmul.f32 v8, v2;
	[tilespmem:v1+s14+$0x6070 ss:$0x1] =	vst.idx.msk $0xffff, v9  }
0x23a: {  	v7 =	vmul.f32 v7, v2;
	v9 =	vld.idx.msk [tilespmem:v1+s16+$0x6010 ss:$0x1], $0xffff;
	p0 =	slt.u32 s15, $0x18;
	[tilespmem:v1+s14+$0x6010 ss:$0x1] =	vst.idx.msk $0xffff, v10  }
0x23b: {  	v6 =	vmul.f32 v6, v2;
	v10 =	vld.idx.msk [tilespmem:v1+s16+$0x6020 ss:$0x1], $0xffff;
	[tilespmem:v1+s14+$0x6020 ss:$0x1] =	vst.idx.msk $0xffff, v8  }
0x23c: {  	v4 =	vmul.f32 v4, v2;
	v12 =	vld.idx.msk [tilespmem:v1+s16+$0x6030 ss:$0x1], $0xffff;
	[tilespmem:v1+s14+$0x6030 ss:$0x1] =	vst.idx.msk $0xffff, v7  }
0x23d: {  	v3 =	vmul.f32 v3, v2;
	v13 =	vld.idx.msk [tilespmem:v1+s16+$0x6040 ss:$0x1], $0xffff;
	[tilespmem:v1+s14+$0x6040 ss:$0x1] =	vst.idx.msk $0xffff, v6  }
0x23e: {  	v5 =	vmul.f32 v5, v2;
	v14 =	vld.idx.msk [tilespmem:v1+s16+$0x6050 ss:$0x1], $0xffff;
	[tilespmem:v1+s14+$0x6050 ss:$0x1] =	vst.idx.msk $0xffff, v4  }
0x23f: {  	v15 =	vld.idx.msk [tilespmem:v1+s16+$0x6060 ss:$0x1], $0xffff;
	[tilespmem:v1+s14+$0x6060 ss:$0x1] =	vst.idx.msk $0xffff, v3  }
0x240: {  	v16 =	vld.idx.msk [tilespmem:v1+s16+$0x6000 ss:$0x1], $0xffff;
	[tilespmem:v1+s14+$0x6000 ss:$0x1] =	vst.idx.msk $0xffff, v5  }
0x241: {  	v5 =	vld.idx.msk [tilespmem:v11+s3+$0x0], $0xffff  }
0x242: {  	v11 =	vld.idx.msk [tilespmem:v9+s3+$0x0], $0xffff  }
0x243: {  	v8 =	vld.idx.msk [tilespmem:v10+s3+$0x0], $0xffff  }
.Ltmp14:
0x244: {  	v7 =	vld.idx.msk [tilespmem:v12+s3+$0x0], $0xffff;
	(pc) =	sbr.rel @p0 .LBB2_31-.Ltmp14, $4  }
0x245: {  	v6 =	vld.idx.msk [tilespmem:v13+s3+$0x0], $0xffff  }
0x246: {  	v4 =	vld.idx.msk [tilespmem:v14+s3+$0x0], $0xffff  }
0x247: {  	v9 =	vmul.f32 v5, v2;
	v3 =	vld.idx.msk [tilespmem:v15+s3+$0x0], $0xffff  }
0x248: {  	s16 =	sadd.s32 $0x400, s16;
	s14 =	sadd.s32 $0x400, s14;
	v10 =	vmul.f32 v11, v2;
	v5 =	vld.idx.msk [tilespmem:v16+s3+$0x0], $0xffff  }
0x249: {  	_ =	sdelay $0x3  }
0x24a: {  	v8 =	vmul.f32 v8, v2;
	[tilespmem:v1+s14+$0x6070 ss:$0x1] =	vst.idx.msk $0xffff, v9  }
0x24b: {  	v7 =	vmul.f32 v7, v2;
	s13 =	sadd.s32 $0x1, s13;
	[tilespmem:v1+s14+$0x6010 ss:$0x1] =	vst.idx.msk $0xffff, v10  }
0x24c: {  	v6 =	vmul.f32 v6, v2;
	p0 =	sne.s32 s13, $0x30;
	[tilespmem:v1+s14+$0x6020 ss:$0x1] =	vst.idx.msk $0xffff, v8  }
.Ltmp15:
0x24d: {  	[tilespmem:v1+s14+$0x6030 ss:$0x1] =	vst.idx.msk $0xffff, v7;
	v4 =	vmul.f32 v4, v2;
	(pc) =	sbr.rel @p0 .LBB2_30-.Ltmp15, $4  }
0x24e: {  	[tilespmem:v1+s14+$0x6040 ss:$0x1] =	vst.idx.msk $0xffff, v6;
	v3 =	vmul.f32 v3, v2  }
0x24f: {  	v2 =	vmul.f32 v5, v2;
	[tilespmem:v1+s14+$0x6050 ss:$0x1] =	vst.idx.msk $0xffff, v4  }
0x250: {  	[tilespmem:v1+s14+$0x6060 ss:$0x1] =	vst.idx.msk $0xffff, v3  }
0x251: {  	s12 =	sadd.s32 $0x1, s12;
	s11 =	sadd.s32 $0x200, s11;
	[tilespmem:v1+s14+$0x6000 ss:$0x1] =	vst.idx.msk $0xffff, v2  }
0x252: {  	[hbm4b:s20+s31] =	stream.strided.scatter [tilespmem:s5], [sflag:$0x4], $0x6000, s19, s31, $0x38;
	[tilespmem:$0x1E680] =	vst v63  }
0x253: {  	_ = 	snop  }
0x254: {  	[tilespmem:s2], [sflag:$0x2] =	stream.strided.gather [hbm4b:s23+s31], $0x6000, s19, s31, $0x38;
	[tilespmem:$0x1E680] =	vst v63  }
0x255: {  	_ =	swait.ge [sflag:s30], $0x6000  }
0x256: {  	[sflag:s30] =	ssyncset.done $0x0  }
0x257: {  	[sflag:s30] =	ssyncadd.s32 $0xFFFFA000  }
0x258: {  	_ =	swait.ge [sflag:s6], $0x6000  }
0x259: {  	s11 =	simm.s32 $0x0;
	[sflag:s6] =	ssyncset.done $0x0  }
0x25a: {  	s12 =	simm.s32 $0x0;
	s13 =	simm.s32 $0x0;
	[sflag:s6] =	ssyncadd.s32 $0xFFFFA000  }
.LBB2_34:
0x25b: {  	s14 =	sshll.u32 s12, $0x2;
	s15 =	sand.u32 $0x7, s11  }
0x25c: {  	s14 =	sand.u32 $0xFFFFC000, s14;
	s15 =	sshll.u32 s15, $0x9  }
0x25d: {  	s14 =	sor.u32 s15, s14  }
0x25e: {  	s14 =	sshrl.u32 s14, $0x2  }
0x25f: {  	v1 =	vld.msk [tilespmem:s13+$0x580 ss:$0x0], $0xffff;
	s16 =	sadd.s32 $0x6C0, s14  }
0x260: {  	v2 =	vld [tilespmem:s16+$0x30]  }
0x261: {  	v3 =	vld [tilespmem:s16+$0xFFFFFFD0]  }
0x262: {  	v4 =	vld [tilespmem:s16+$0xFFFFFFE0]  }
0x263: {  	v5 =	vld [tilespmem:s16+$0xFFFFFFF0]  }
0x264: {  	v8 =	vld [tilespmem:s16+$0x0]  }
0x265: {  	v9 =	vld [tilespmem:s16+$0x10]  }
0x266: {  	v10 =	vld [tilespmem:s16+$0x20]  }
0x267: {  	v11 =	vld [tilespmem:s16+$0xFFFFFFC0]  }
0x268: {  	v12 =	vld.idx.msk [tilespmem:v2+s3+$0x0], $0xffff  }
0x269: {  	v13 =	vld.idx.msk [tilespmem:v3+s3+$0x0], $0xffff  }
0x26a: {  	v7 =	vld.idx.msk [tilespmem:v4+s3+$0x0], $0xffff  }
0x26b: {  	v6 =	vld.idx.msk [tilespmem:v5+s3+$0x0], $0xffff  }
0x26c: {  	v5 =	vld.idx.msk [tilespmem:v8+s3+$0x0], $0xffff  }
0x26d: {  	v3 =	vld.idx.msk [tilespmem:v9+s3+$0x0], $0xffff  }
0x26e: {  	v2 =	vld.idx.msk [tilespmem:v10+s3+$0x0], $0xffff;
	v8 =	vmul.f32 v12, v1  }
0x26f: {  	s15 =	simm.s32 $0x0;
	s14 =	sadd.s32 $0xC6C0, s14;
	s16 =	sadd.s32 $0x400, s16;
	v4 =	vld.idx.msk [tilespmem:v11+s3+$0x0], $0xffff;
	v9 =	vmul.f32 v13, v1  }
.LBB2_35:
0x270: {  	v10 =	vld [tilespmem:s16+$0x30];
	s15 =	sadd.s32 $0x8, s15;
	v7 =	vmul.f32 v7, v1;
	[tilespmem:s14+$0x30] =	vst v8  }
0x271: {  	v6 =	vmul.f32 v6, v1;
	v8 =	vld [tilespmem:s16+$0xFFFFFFD0];
	p0 =	slt.u32 s15, $0x18;
	[tilespmem:s14+$0xFFFFFFD0] =	vst v9  }
0x272: {  	v5 =	vmul.f32 v5, v1;
	v9 =	vld [tilespmem:s16+$0xFFFFFFE0];
	[tilespmem:s14+$0xFFFFFFE0] =	vst v7  }
0x273: {  	v3 =	vmul.f32 v3, v1;
	v11 =	vld [tilespmem:s16+$0xFFFFFFF0];
	[tilespmem:s14+$0xFFFFFFF0] =	vst v6  }
0x274: {  	v2 =	vmul.f32 v2, v1;
	v12 =	vld [tilespmem:s16+$0x0];
	[tilespmem:s14+$0x0] =	vst v5  }
0x275: {  	v4 =	vmul.f32 v4, v1;
	v13 =	vld [tilespmem:s16+$0x10];
	[tilespmem:s14+$0x10] =	vst v3  }
0x276: {  	v14 =	vld [tilespmem:s16+$0x20];
	[tilespmem:s14+$0x20] =	vst v2  }
0x277: {  	v15 =	vld [tilespmem:s16+$0xFFFFFFC0];
	[tilespmem:s14+$0xFFFFFFC0] =	vst v4  }
0x278: {  	v4 =	vld.idx.msk [tilespmem:v10+s3+$0x0], $0xffff  }
0x279: {  	v10 =	vld.idx.msk [tilespmem:v8+s3+$0x0], $0xffff  }
0x27a: {  	v7 =	vld.idx.msk [tilespmem:v9+s3+$0x0], $0xffff  }
.Ltmp16:
0x27b: {  	v6 =	vld.idx.msk [tilespmem:v11+s3+$0x0], $0xffff;
	(pc) =	sbr.rel @p0 .LBB2_35-.Ltmp16, $4  }
0x27c: {  	v5 =	vld.idx.msk [tilespmem:v12+s3+$0x0], $0xffff  }
0x27d: {  	v3 =	vld.idx.msk [tilespmem:v13+s3+$0x0], $0xffff  }
0x27e: {  	v8 =	vmul.f32 v4, v1;
	v2 =	vld.idx.msk [tilespmem:v14+s3+$0x0], $0xffff  }
0x27f: {  	s16 =	sadd.s32 $0x400, s16;
	s14 =	sadd.s32 $0x400, s14;
	v9 =	vmul.f32 v10, v1;
	v4 =	vld.idx.msk [tilespmem:v15+s3+$0x0], $0xffff  }
0x280: {  	v7 =	vmul.f32 v7, v1;
	[tilespmem:s14+$0x30] =	vst v8  }
0x281: {  	v6 =	vmul.f32 v6, v1;
	s13 =	sadd.s32 $0x1, s13;
	[tilespmem:s14+$0xFFFFFFD0] =	vst v9  }
0x282: {  	v5 =	vmul.f32 v5, v1;
	p0 =	sne.s32 s13, $0x30;
	[tilespmem:s14+$0xFFFFFFE0] =	vst v7  }
.Ltmp17:
0x283: {  	[tilespmem:s14+$0xFFFFFFF0] =	vst v6;
	v3 =	vmul.f32 v3, v1;
	(pc) =	sbr.rel @p0 .LBB2_34-.Ltmp17, $4  }
0x284: {  	[tilespmem:s14+$0x0] =	vst v5;
	v2 =	vmul.f32 v2, v1  }
0x285: {  	v1 =	vmul.f32 v4, v1;
	[tilespmem:s14+$0x10] =	vst v3  }
0x286: {  	[tilespmem:s14+$0x20] =	vst v2  }
0x287: {  	s12 =	sadd.s32 $0x200, s12;
	s11 =	sadd.s32 $0x1, s11;
	[tilespmem:s14+$0xFFFFFFC0] =	vst v1  }
0x288: {  	[hbm4b:s24+s31] =	stream.strided.scatter [tilespmem:s0], [sflag:$0x3], $0x6000, s19, s31, $0x38;
	[tilespmem:$0x1E680] =	vst v63  }
0x289: {  	_ =	swait.ge [sflag:s4], $0x6000  }
0x28a: {  	[sflag:s4] =	ssyncset.done $0x0  }
0x28b: {  	[sflag:s4] =	ssyncadd.s32 $0xFFFFA000  }
0x28c: {  	_ =	swait.ge [sflag:s7], $0x6000  }
0x28d: {  	s11 =	simm.s32 $0x0;
	[sflag:s7] =	ssyncset.done $0x0  }
0x28e: {  	s12 =	simm.s32 $0x0;
	s13 =	simm.s32 $0x0;
	[sflag:s7] =	ssyncadd.s32 $0xFFFFA000  }
.LBB2_38:
0x28f: {  	s14 =	sand.u32 $0x7, s12  }
0x290: {  	s14 =	sshll.u32 s14, $0x9  }
0x291: {  	s14 =	sshrl.u32 s14, $0x2  }
0x292: {  	v1 =	vmov s14;
	_ =	sdelay $0x2  }
0x293: {  	s15 =	sand.u32 $0x3FFFF000, s11  }
0x294: {  	v2 =	vld.msk [tilespmem:s13+$0x5B0 ss:$0x0], $0xffff;
	s16 =	sor.u32 $0x680, s15  }
0x295: {  	v3 =	vld.idx.msk [tilespmem:v1+s16+$0x6070 ss:$0x1], $0xffff  }
0x296: {  	v4 =	vld.idx.msk [tilespmem:v1+s16+$0x6010 ss:$0x1], $0xffff  }
0x297: {  	v5 =	vld.idx.msk [tilespmem:v1+s16+$0x6020 ss:$0x1], $0xffff  }
0x298: {  	v6 =	vld.idx.msk [tilespmem:v1+s16+$0x6030 ss:$0x1], $0xffff  }
0x299: {  	v9 =	vld.idx.msk [tilespmem:v1+s16+$0x6040 ss:$0x1], $0xffff  }
0x29a: {  	v10 =	vld.idx.msk [tilespmem:v1+s16+$0x6050 ss:$0x1], $0xffff  }
0x29b: {  	v11 =	vld.idx.msk [tilespmem:v1+s16+$0x6060 ss:$0x1], $0xffff  }
0x29c: {  	v12 =	vld.idx.msk [tilespmem:v1+s16+$0x6000 ss:$0x1], $0xffff  }
0x29d: {  	v13 =	vld.idx.msk [tilespmem:v3+s3+$0x0], $0xffff  }
0x29e: {  	v14 =	vld.idx.msk [tilespmem:v4+s3+$0x0], $0xffff  }
0x29f: {  	v8 =	vld.idx.msk [tilespmem:v5+s3+$0x0], $0xffff  }
0x2a0: {  	v7 =	vld.idx.msk [tilespmem:v6+s3+$0x0], $0xffff  }
0x2a1: {  	v6 =	vld.idx.msk [tilespmem:v9+s3+$0x0], $0xffff  }
0x2a2: {  	v4 =	vld.idx.msk [tilespmem:v10+s3+$0x0], $0xffff  }
0x2a3: {  	v3 =	vld.idx.msk [tilespmem:v11+s3+$0x0], $0xffff;
	v9 =	vmul.f32 v13, v2  }
0x2a4: {  	s14 =	sadd.s32 $0xC680, s15;
	s15 =	simm.s32 $0x0;
	s16 =	sadd.s32 $0x400, s16;
	v5 =	vld.idx.msk [tilespmem:v12+s3+$0x0], $0xffff;
	v10 =	vmul.f32 v14, v2  }
.LBB2_39:
0x2a5: {  	v11 =	vld.idx.msk [tilespmem:v1+s16+$0x6070 ss:$0x1], $0xffff;
	s15 =	sadd.s32 $0x8, s15;
	v8 =	vmul.f32 v8, v2;
	[tilespmem:v1+s14+$0x6070 ss:$0x1] =	vst.idx.msk $0xffff, v9  }
0x2a6: {  	v7 =	vmul.f32 v7, v2;
	v9 =	vld.idx.msk [tilespmem:v1+s16+$0x6010 ss:$0x1], $0xffff;
	p0 =	slt.u32 s15, $0x18;
	[tilespmem:v1+s14+$0x6010 ss:$0x1] =	vst.idx.msk $0xffff, v10  }
0x2a7: {  	v6 =	vmul.f32 v6, v2;
	v10 =	vld.idx.msk [tilespmem:v1+s16+$0x6020 ss:$0x1], $0xffff;
	[tilespmem:v1+s14+$0x6020 ss:$0x1] =	vst.idx.msk $0xffff, v8  }
0x2a8: {  	v4 =	vmul.f32 v4, v2;
	v12 =	vld.idx.msk [tilespmem:v1+s16+$0x6030 ss:$0x1], $0xffff;
	[tilespmem:v1+s14+$0x6030 ss:$0x1] =	vst.idx.msk $0xffff, v7  }
0x2a9: {  	v3 =	vmul.f32 v3, v2;
	v13 =	vld.idx.msk [tilespmem:v1+s16+$0x6040 ss:$0x1], $0xffff;
	[tilespmem:v1+s14+$0x6040 ss:$0x1] =	vst.idx.msk $0xffff, v6  }
0x2aa: {  	v5 =	vmul.f32 v5, v2;
	v14 =	vld.idx.msk [tilespmem:v1+s16+$0x6050 ss:$0x1], $0xffff;
	[tilespmem:v1+s14+$0x6050 ss:$0x1] =	vst.idx.msk $0xffff, v4  }
0x2ab: {  	v15 =	vld.idx.msk [tilespmem:v1+s16+$0x6060 ss:$0x1], $0xffff;
	[tilespmem:v1+s14+$0x6060 ss:$0x1] =	vst.idx.msk $0xffff, v3  }
0x2ac: {  	v16 =	vld.idx.msk [tilespmem:v1+s16+$0x6000 ss:$0x1], $0xffff;
	[tilespmem:v1+s14+$0x6000 ss:$0x1] =	vst.idx.msk $0xffff, v5  }
0x2ad: {  	v5 =	vld.idx.msk [tilespmem:v11+s3+$0x0], $0xffff  }
0x2ae: {  	v11 =	vld.idx.msk [tilespmem:v9+s3+$0x0], $0xffff  }
0x2af: {  	v8 =	vld.idx.msk [tilespmem:v10+s3+$0x0], $0xffff  }
.Ltmp18:
0x2b0: {  	v7 =	vld.idx.msk [tilespmem:v12+s3+$0x0], $0xffff;
	(pc) =	sbr.rel @p0 .LBB2_39-.Ltmp18, $4  }
0x2b1: {  	v6 =	vld.idx.msk [tilespmem:v13+s3+$0x0], $0xffff  }
0x2b2: {  	v4 =	vld.idx.msk [tilespmem:v14+s3+$0x0], $0xffff  }
0x2b3: {  	v9 =	vmul.f32 v5, v2;
	v3 =	vld.idx.msk [tilespmem:v15+s3+$0x0], $0xffff  }
0x2b4: {  	s16 =	sadd.s32 $0x400, s16;
	s14 =	sadd.s32 $0x400, s14;
	v10 =	vmul.f32 v11, v2;
	v5 =	vld.idx.msk [tilespmem:v16+s3+$0x0], $0xffff  }
0x2b5: {  	_ =	sdelay $0x3  }
0x2b6: {  	v8 =	vmul.f32 v8, v2;
	[tilespmem:v1+s14+$0x6070 ss:$0x1] =	vst.idx.msk $0xffff, v9  }
0x2b7: {  	v7 =	vmul.f32 v7, v2;
	s13 =	sadd.s32 $0x1, s13;
	[tilespmem:v1+s14+$0x6010 ss:$0x1] =	vst.idx.msk $0xffff, v10  }
0x2b8: {  	v6 =	vmul.f32 v6, v2;
	p0 =	sne.s32 s13, $0x30;
	[tilespmem:v1+s14+$0x6020 ss:$0x1] =	vst.idx.msk $0xffff, v8  }
.Ltmp19:
0x2b9: {  	[tilespmem:v1+s14+$0x6030 ss:$0x1] =	vst.idx.msk $0xffff, v7;
	v4 =	vmul.f32 v4, v2;
	(pc) =	sbr.rel @p0 .LBB2_38-.Ltmp19, $4  }
0x2ba: {  	[tilespmem:v1+s14+$0x6040 ss:$0x1] =	vst.idx.msk $0xffff, v6;
	v3 =	vmul.f32 v3, v2  }
0x2bb: {  	v2 =	vmul.f32 v5, v2;
	[tilespmem:v1+s14+$0x6050 ss:$0x1] =	vst.idx.msk $0xffff, v4  }
0x2bc: {  	[tilespmem:v1+s14+$0x6060 ss:$0x1] =	vst.idx.msk $0xffff, v3  }
0x2bd: {  	s12 =	sadd.s32 $0x1, s12;
	s11 =	sadd.s32 $0x200, s11;
	[tilespmem:v1+s14+$0x6000 ss:$0x1] =	vst.idx.msk $0xffff, v2  }
0x2be: {  	[hbm4b:s25+s31] =	stream.strided.scatter [tilespmem:s5], [sflag:$0x4], $0x6000, s19, s31, $0x38;
	[tilespmem:$0x1E680] =	vst v63  }
0x2bf: {  	_ =	swait.ge [sflag:s8], $0x3000  }
0x2c0: {  	s11 =	simm.s32 $0x0;
	[sflag:s8] =	ssyncset.done $0x0  }
0x2c1: {  	s12 =	simm.s32 $0x0;
	s13 =	simm.s32 $0x0;
	[sflag:s8] =	ssyncadd.s32 $0xFFFFD000  }
.LBB2_42:
0x2c2: {  	s14 =	sshll.u32 s12, $0x2;
	s15 =	sand.u32 $0x7, s11  }
0x2c3: {  	s14 =	sand.u32 $0xFFFFC000, s14;
	s15 =	sshll.u32 s15, $0x9  }
0x2c4: {  	s14 =	sor.u32 s15, s14  }
0x2c5: {  	s14 =	sshrl.u32 s14, $0x2  }
0x2c6: {  	v1 =	vld.msk [tilespmem:s13+$0x5E0 ss:$0x0], $0xffff;
	s16 =	sadd.s32 $0x186C0, s14  }
0x2c7: {  	v2 =	vld [tilespmem:s16+$0x30]  }
0x2c8: {  	v3 =	vld [tilespmem:s16+$0xFFFFFFD0]  }
0x2c9: {  	v4 =	vld [tilespmem:s16+$0xFFFFFFE0]  }
0x2ca: {  	v5 =	vld [tilespmem:s16+$0xFFFFFFF0]  }
0x2cb: {  	v8 =	vld [tilespmem:s16+$0x0]  }
0x2cc: {  	v9 =	vld [tilespmem:s16+$0x10]  }
0x2cd: {  	v10 =	vld [tilespmem:s16+$0x20]  }
0x2ce: {  	v11 =	vld [tilespmem:s16+$0xFFFFFFC0]  }
0x2cf: {  	v12 =	vld.idx.msk [tilespmem:v2+s3+$0x0], $0xffff  }
0x2d0: {  	v13 =	vld.idx.msk [tilespmem:v3+s3+$0x0], $0xffff  }
0x2d1: {  	v7 =	vld.idx.msk [tilespmem:v4+s3+$0x0], $0xffff  }
0x2d2: {  	v6 =	vld.idx.msk [tilespmem:v5+s3+$0x0], $0xffff  }
0x2d3: {  	v5 =	vld.idx.msk [tilespmem:v8+s3+$0x0], $0xffff  }
0x2d4: {  	v3 =	vld.idx.msk [tilespmem:v9+s3+$0x0], $0xffff  }
0x2d5: {  	v2 =	vld.idx.msk [tilespmem:v10+s3+$0x0], $0xffff;
	v8 =	vmul.f32 v12, v1  }
0x2d6: {  	s15 =	simm.s32 $0x0;
	s14 =	sadd.s32 $0x1B6C0, s14;
	s16 =	sadd.s32 $0x400, s16;
	v4 =	vld.idx.msk [tilespmem:v11+s3+$0x0], $0xffff;
	v9 =	vmul.f32 v13, v1  }
.LBB2_43:
0x2d7: {  	v10 =	vld [tilespmem:s16+$0x30];
	s15 =	sadd.s32 $0x8, s15;
	v7 =	vmul.f32 v7, v1;
	[tilespmem:s14+$0x30] =	vst v8  }
0x2d8: {  	v6 =	vmul.f32 v6, v1;
	v8 =	vld [tilespmem:s16+$0xFFFFFFD0];
	p0 =	slt.u32 s15, $0x18;
	[tilespmem:s14+$0xFFFFFFD0] =	vst v9  }
0x2d9: {  	v5 =	vmul.f32 v5, v1;
	v9 =	vld [tilespmem:s16+$0xFFFFFFE0];
	[tilespmem:s14+$0xFFFFFFE0] =	vst v7  }
0x2da: {  	v3 =	vmul.f32 v3, v1;
	v11 =	vld [tilespmem:s16+$0xFFFFFFF0];
	[tilespmem:s14+$0xFFFFFFF0] =	vst v6  }
0x2db: {  	v2 =	vmul.f32 v2, v1;
	v12 =	vld [tilespmem:s16+$0x0];
	[tilespmem:s14+$0x0] =	vst v5  }
0x2dc: {  	v4 =	vmul.f32 v4, v1;
	v13 =	vld [tilespmem:s16+$0x10];
	[tilespmem:s14+$0x10] =	vst v3  }
0x2dd: {  	v14 =	vld [tilespmem:s16+$0x20];
	[tilespmem:s14+$0x20] =	vst v2  }
0x2de: {  	v15 =	vld [tilespmem:s16+$0xFFFFFFC0];
	[tilespmem:s14+$0xFFFFFFC0] =	vst v4  }
0x2df: {  	v4 =	vld.idx.msk [tilespmem:v10+s3+$0x0], $0xffff  }
0x2e0: {  	v10 =	vld.idx.msk [tilespmem:v8+s3+$0x0], $0xffff  }
0x2e1: {  	v7 =	vld.idx.msk [tilespmem:v9+s3+$0x0], $0xffff  }
.Ltmp20:
0x2e2: {  	v6 =	vld.idx.msk [tilespmem:v11+s3+$0x0], $0xffff;
	(pc) =	sbr.rel @p0 .LBB2_43-.Ltmp20, $4  }
0x2e3: {  	v5 =	vld.idx.msk [tilespmem:v12+s3+$0x0], $0xffff  }
0x2e4: {  	v3 =	vld.idx.msk [tilespmem:v13+s3+$0x0], $0xffff  }
0x2e5: {  	v8 =	vmul.f32 v4, v1;
	v2 =	vld.idx.msk [tilespmem:v14+s3+$0x0], $0xffff  }
0x2e6: {  	s16 =	sadd.s32 $0x400, s16;
	s14 =	sadd.s32 $0x400, s14;
	v9 =	vmul.f32 v10, v1;
	v4 =	vld.idx.msk [tilespmem:v15+s3+$0x0], $0xffff  }
0x2e7: {  	v7 =	vmul.f32 v7, v1;
	[tilespmem:s14+$0x30] =	vst v8  }
0x2e8: {  	v6 =	vmul.f32 v6, v1;
	s13 =	sadd.s32 $0x1, s13;
	[tilespmem:s14+$0xFFFFFFD0] =	vst v9  }
0x2e9: {  	v5 =	vmul.f32 v5, v1;
	p0 =	sne.s32 s13, $0x14;
	[tilespmem:s14+$0xFFFFFFE0] =	vst v7  }
.Ltmp21:
0x2ea: {  	[tilespmem:s14+$0xFFFFFFF0] =	vst v6;
	v3 =	vmul.f32 v3, v1;
	(pc) =	sbr.rel @p0 .LBB2_42-.Ltmp21, $4  }
0x2eb: {  	[tilespmem:s14+$0x0] =	vst v5;
	v2 =	vmul.f32 v2, v1  }
0x2ec: {  	v1 =	vmul.f32 v4, v1;
	[tilespmem:s14+$0x10] =	vst v3  }
0x2ed: {  	[tilespmem:s14+$0x20] =	vst v2  }
0x2ee: {  	s12 =	sadd.s32 $0x200, s12;
	s11 =	sadd.s32 $0x1, s11;
	[tilespmem:s14+$0xFFFFFFC0] =	vst v1  }
0x2ef: {  	s11 =	simm.s32 $0x1B680  }
0x2f0: {  	[hbm4b:s26+s31] =	stream.strided.scatter [tilespmem:s11], [sflag:$0x6], $0x3000, s19, s31, $0x38;
	[tilespmem:$0x1E680] =	vst v63  }
0x2f1: {  	_ =	swait.ge [sflag:s9], $0x3000  }
0x2f2: {  	[sflag:s9] =	ssyncset.done $0x0  }
0x2f3: {  	s10 =	sadd.s32 $0x1, s10;
	[sflag:s9] =	ssyncadd.s32 $0xFFFFD000  }
0x2f4: {  	p0 =	sne.s32 s10, s28;
	_ =	swait.ge [sflag:s6], $0x6000  }
.Ltmp22:
0x2f5: {  	[sflag:s6] =	ssyncset.done $0x0;
	(pc) =	sbr.rel @p0 .LBB2_1-.Ltmp22, $4  }
0x2f6: {  	[sflag:s6] =	ssyncadd.s32 $0xFFFFA000  }
0x2f7: {  	_ =	swait.ge [sflag:s7], $0x6000  }
0x2f8: {  	[sflag:s7] =	ssyncset.done $0x0  }
0x2f9: {  	[sflag:s7] =	ssyncadd.s32 $0xFFFFA000  }
0x2fa: {  	_ =	sfence.sel $0x180000  }
0x2fb: {  	[bflag:$0x0] =	sbarrier.arrive $0xFFFF  }
0x2fc: {  	_ =	strace $0x90000047  }
0x2fd: {  	s0 =	stileid.u32;
	[bflag:$0x2] =	sbarrier.arrive $0xFFFF  }
0x2fe: {  	p0 =	sne.s32 s0, $0x0;
	s0 =	rddreg [dreg:$0x4]  }
0x2ff: {  	s0 =	sadd.s32 @!p0 $0x100000, s0  }
0x300: {  	[sflag:s0] =	ssyncadd.tile.s32 @!p0 $0x1;
	_ =	shalt  }
.Lfunc_end2:
_tile_overlayer_lowered:
.L_overlay_start_2:
0x301: {  	(tag) =	ssettag $0x2  }
0x302: {  	s0 =	rddreg [dreg:$0x0];
	s2 =	stileid.u32  }
0x303: {  	s1 =	rddreg [dreg:$0x1];
	p0 =	sne.s32 s2, $0x0  }
0x304: {  	s3 =	rddreg [dreg:$0x2];
	[bflag:$0x3] =	sbarrier.arrive $0xFFFF;
	s2 =	simm.s32 @!p0 $0x1C07  }
0x305: {  	[timem:s3], [sflag:s2] =	dma.local @!p0 [hbm:s0], s1  }
0x306: {  	s0 =	simm.s32 @!p0 $0x7  }
0x307: {  	_ =	swait.ge @!p0 [sflag:s0], s1  }
0x308: {  	s1 =	ssub.s32 @!p0 $0x0, s1;
	[sflag:s0] =	ssyncset.done @!p0 $0x0  }
0x309: {  	[sflag:s0] =	ssyncadd.s32 @!p0 s1  }
0x30a: {  	[bflag:$0x3] =	sbarrier.arrive $0xFFFF  }
0x30b: {  	_ =	shalt  }

</sc_bundles>
